<compile_context>
chip_gen: v7x
topology: tpu7x:2x2x1
jax: 0.10.2.dev20260603
libtpu: 0.0.44.dev20260713+nightly
codegen_flags: <defaults>
</compile_context>

<pallas_src>
import functools

import jax
import jax.numpy as jnp
from jax import lax
from jax.experimental import pallas as pl
from jax.experimental.pallas import tpu as pltpu
from jax.experimental.pallas import tpu_sc as plsc

N, E = 10000, 320000
NPAD = 10240
F0, F1, F2, F3, BN = 128, 128, 64, 32, 16

K = 125
CHUNKS = E // K
NC, NS = 2, 16
NW = NC * NS
CPW = CHUNKS // NW
RPT = NPAD // NS
G = 16

_MESH = plsc.VectorSubcoreMesh(core_axis_name="c", subcore_axis_name="s")


DEG_K = 500
DEG_CPW = (E // DEG_K) // NW


def _deg_body(dst_hbm, ones_hbm, zeros_hbm, out_hbm, idx_v, ones_v, acc_sh, sem):
    c = lax.axis_index("c")
    s = lax.axis_index("s")
    wid = c * NS + s
    pltpu.sync_copy(dst_hbm.at[pl.ds(wid * DEG_CPW, DEG_CPW)], idx_v)
    pltpu.sync_copy(ones_hbm, ones_v)
    pltpu.sync_copy(zeros_hbm, acc_sh.at[pl.ds(s * RPT, RPT)])
    plsc.subcore_barrier()

    def body(j, carry):
        pltpu.async_copy(ones_v, acc_sh.at[idx_v.at[j]], sem, add=True)
        return carry

    lax.fori_loop(0, DEG_CPW, body, 0)

    def drain(j, carry):
        pltpu.make_async_copy(ones_v, acc_sh.at[idx_v.at[0]], sem).wait()
        return carry

    lax.fori_loop(0, DEG_CPW, drain, 0)
    plsc.subcore_barrier()
    pltpu.sync_copy(acc_sh.at[pl.ds(s * RPT, RPT)],
                    out_hbm.at[c, pl.ds(s * RPT, RPT)])


def _deg_pass(edge_index, ones, zeros):
    dst2d = edge_index[1].reshape(E // DEG_K, DEG_K)
    return pl.kernel(
        _deg_body,
        out_type=jax.ShapeDtypeStruct((NC, NPAD, 16), jnp.float32),
        mesh=_MESH,
        scratch_types=[
            pltpu.VMEM((DEG_CPW, DEG_K), jnp.int32),
            pltpu.VMEM((DEG_K, 16), jnp.float32),
            pltpu.VMEM_SHARED((NPAD, 16), jnp.float32),
            pltpu.SemaphoreType.DMA,
        ],
        compiler_params=pltpu.CompilerParams(use_tc_tiling_on_sc=False),
    )(dst2d, ones, zeros)


def _scatter_body(k, g, cpw, h_hbm, src_hbm, dst_hbm, zeros_hbm, out_hbm,
                  srcv, dstv, b0, b1, acc_sh, g0, g1):
    c = lax.axis_index("c")
    s = lax.axis_index("s")
    wid = c * NS + s

    @pl.when(c == 0)
    def _():
        pltpu.sync_copy(h_hbm.at[pl.ds(s * RPT, RPT)],
                        acc_sh.at[pl.ds(s * RPT, RPT)])

    @pl.when(c == 1)
    def _():
        pltpu.sync_copy(zeros_hbm, acc_sh.at[pl.ds(s * RPT, RPT)])

    plsc.subcore_barrier()

    def group(gi, carry):
        base = wid * cpw + gi * g
        pltpu.sync_copy(src_hbm.at[pl.ds(base, g)], srcv)
        pltpu.sync_copy(dst_hbm.at[pl.ds(base, g)], dstv)
        pltpu.async_copy(h_hbm.at[srcv.at[0]], b0, g0)
        pltpu.async_copy(h_hbm.at[srcv.at[1]], b1, g1)

        def step(u, carry2):
            k = 2 * u
            pltpu.make_async_copy(h_hbm.at[srcv.at[k]], b0, g0).wait()
            pltpu.sync_copy(b0, acc_sh.at[dstv.at[k]], add=True)

            @pl.when(k + 2 < g)
            def _():
                pltpu.async_copy(h_hbm.at[srcv.at[k + 2]], b0, g0)

            pltpu.make_async_copy(h_hbm.at[srcv.at[k + 1]], b1, g1).wait()
            pltpu.sync_copy(b1, acc_sh.at[dstv.at[k + 1]], add=True)

            @pl.when(k + 3 < g)
            def _():
                pltpu.async_copy(h_hbm.at[srcv.at[k + 3]], b1, g1)

            return carry2

        lax.fori_loop(0, g // 2, step, 0)
        return carry

    lax.fori_loop(0, cpw // g, group, 0)
    plsc.subcore_barrier()
    pltpu.sync_copy(acc_sh.at[pl.ds(s * RPT, RPT)],
                    out_hbm.at[c, pl.ds(s * RPT, RPT)])


def _scatter_body4(k, cpw, h_hbm, src_hbm, dst_hbm, zeros_hbm, out_hbm,
                   srcv, dstv, b0, b1, b2, b3, acc_sh, g0, g1, g2, g3):
    c = lax.axis_index("c")
    s = lax.axis_index("s")
    wid = c * NS + s
    pltpu.sync_copy(src_hbm.at[pl.ds(wid * cpw, cpw)], srcv)
    pltpu.sync_copy(dst_hbm.at[pl.ds(wid * cpw, cpw)], dstv)

    @pl.when(c == 0)
    def _():
        pltpu.sync_copy(h_hbm.at[pl.ds(s * RPT, RPT)],
                        acc_sh.at[pl.ds(s * RPT, RPT)])

    @pl.when(c == 1)
    def _():
        pltpu.sync_copy(zeros_hbm, acc_sh.at[pl.ds(s * RPT, RPT)])

    plsc.subcore_barrier()

    pltpu.async_copy(h_hbm.at[srcv.at[0]], b0, g0)
    pltpu.async_copy(h_hbm.at[srcv.at[1]], b1, g1)
    pltpu.async_copy(h_hbm.at[srcv.at[2]], b2, g2)
    pltpu.async_copy(h_hbm.at[srcv.at[3]], b3, g3)

    def _slot(j, buf, gsem):
        pltpu.make_async_copy(h_hbm.at[srcv.at[j]], buf, gsem).wait()
        pltpu.sync_copy(buf, acc_sh.at[dstv.at[j]], add=True)

        @pl.when(j + 4 < cpw)
        def _():
            pltpu.async_copy(h_hbm.at[srcv.at[j + 4]], buf, gsem)

    def step(u, carry):
        j = 4 * u
        _slot(j, b0, g0)
        _slot(j + 1, b1, g1)
        _slot(j + 2, b2, g2)
        _slot(j + 3, b3, g3)
        return carry

    lax.fori_loop(0, cpw // 4, step, 0)
    plsc.subcore_barrier()
    pltpu.sync_copy(acc_sh.at[pl.ds(s * RPT, RPT)],
                    out_hbm.at[c, pl.ds(s * RPT, RPT)])


def _scatter_pass4(h, edge_index, zeros, C, k):
    chunks = E // k
    cpw = chunks // NW
    src2d = edge_index[0].reshape(chunks, k)
    dst2d = edge_index[1].reshape(chunks, k)
    return pl.kernel(
        functools.partial(_scatter_body4, k, cpw),
        out_type=jax.ShapeDtypeStruct((NC, NPAD, C), jnp.float32),
        mesh=_MESH,
        scratch_types=[
            pltpu.VMEM((cpw, k), jnp.int32),
            pltpu.VMEM((cpw, k), jnp.int32),
            pltpu.VMEM((k, C), jnp.float32),
            pltpu.VMEM((k, C), jnp.float32),
            pltpu.VMEM((k, C), jnp.float32),
            pltpu.VMEM((k, C), jnp.float32),
            pltpu.VMEM_SHARED((NPAD, C), jnp.float32),
            pltpu.SemaphoreType.DMA,
            pltpu.SemaphoreType.DMA,
            pltpu.SemaphoreType.DMA,
            pltpu.SemaphoreType.DMA,
        ],
        compiler_params=pltpu.CompilerParams(use_tc_tiling_on_sc=False),
    )(h, src2d, dst2d, zeros)


def _scatter_pass(h, edge_index, zeros, C, k, g):
    chunks = E // k
    cpw = chunks // NW
    src2d = edge_index[0].reshape(chunks, k)
    dst2d = edge_index[1].reshape(chunks, k)
    return pl.kernel(
        functools.partial(_scatter_body, k, g, cpw),
        out_type=jax.ShapeDtypeStruct((NC, NPAD, C), jnp.float32),
        mesh=_MESH,
        scratch_types=[
            pltpu.VMEM((g, k), jnp.int32),
            pltpu.VMEM((g, k), jnp.int32),
            pltpu.VMEM((k, C), jnp.float32),
            pltpu.VMEM((k, C), jnp.float32),
            pltpu.VMEM_SHARED((NPAD, C), jnp.float32),
            pltpu.SemaphoreType.DMA,
            pltpu.SemaphoreType.DMA,
        ],
        compiler_params=pltpu.CompilerParams(use_tc_tiling_on_sc=False),
    )(h, src2d, dst2d, zeros)


_BR = 2000
_GRID = N // _BR


def _phase_a_body(degp_ref, x_ref, w_ref, h_ref, dis_ref):
    deg = degp_ref[0, :, 0] + degp_ref[1, :, 0] + 1.0
    dis = lax.rsqrt(deg)[:, None]
    h_ref[...] = jnp.dot(x_ref[...] * dis, w_ref[...],
                         preferred_element_type=jnp.float32)
    dis_ref[...] = dis


def _phase_a(degp, x, w):
    return pl.pallas_call(
        _phase_a_body,
        grid=(_GRID,),
        in_specs=[
            pl.BlockSpec((NC, _BR, 16), lambda i: (0, i, 0)),
            pl.BlockSpec((_BR, F0), lambda i: (i, 0)),
            pl.BlockSpec((F0, F1), lambda i: (0, 0)),
        ],
        out_specs=[
            pl.BlockSpec((_BR, F1), lambda i: (i, 0)),
            pl.BlockSpec((_BR, 1), lambda i: (i, 0)),
        ],
        out_shape=[
            jax.ShapeDtypeStruct((NPAD, F1), jnp.float32),
            jax.ShapeDtypeStruct((N, 1), jnp.float32),
        ],
    )(degp, x, w)


def _phase_bc_body(acc_ref, dis_ref, b_ref, w_ref, hout_ref):
    dis = dis_ref[...]
    agg = acc_ref[0] + acc_ref[1]
    x = jnp.maximum(agg * dis + b_ref[...], 0.0)
    hout_ref[...] = jnp.dot(x * dis, w_ref[...],
                            preferred_element_type=jnp.float32)


def _phase_bc(acc, dis, b, w, Cin, Cout):
    return pl.pallas_call(
        _phase_bc_body,
        grid=(_GRID,),
        in_specs=[
            pl.BlockSpec((NC, _BR, Cin), lambda i: (0, i, 0)),
            pl.BlockSpec((_BR, 1), lambda i: (i, 0)),
            pl.BlockSpec((1, Cin), lambda i: (0, 0)),
            pl.BlockSpec((Cin, Cout), lambda i: (0, 0)),
        ],
        out_specs=pl.BlockSpec((_BR, Cout), lambda i: (i, 0)),
        out_shape=jax.ShapeDtypeStruct((NPAD, Cout), jnp.float32),
    )(acc, dis, b, w)


def _phase_d_body(acc_ref, dis_ref, b_ref, watt_ref, wfc_ref, bfc_ref,
                  wsc_ref, bsc_ref, score_ref, f_sc, colsum_sc, rep_sc):
    p = pl.program_id(0)
    i = pl.program_id(1)

    @pl.when(p == 0)
    def _():
        f = (acc_ref[0] + acc_ref[1]) * dis_ref[...] + b_ref[...]
        f_sc[pl.ds(i * _BR, _BR), :] = f

        @pl.when(i == 0)
        def _():
            colsum_sc[...] = jnp.zeros_like(colsum_sc)
            rep_sc[...] = jnp.zeros_like(rep_sc)

        colsum_sc[...] += jnp.sum(f, axis=0, keepdims=True)

    @pl.when(p == 1)
    def _():
        tg = jnp.tanh(jnp.dot(colsum_sc[...] * (1.0 / N), watt_ref[...],
                              preferred_element_type=jnp.float32))
        f = f_sc[pl.ds(i * _BR, _BR), :]
        sig = jax.nn.sigmoid(
            lax.dot_general(f, tg, (((1,), (1,)), ((), ())),
                            preferred_element_type=jnp.float32))
        rep_sc[...] += lax.dot_general(sig, f, (((0,), (0,)), ((), ())),
                                       preferred_element_type=jnp.float32)

        @pl.when(i == _GRID - 1)
        def _():
            scores = jnp.maximum(
                jnp.dot(rep_sc[...], wfc_ref[...],
                        preferred_element_type=jnp.float32) + bfc_ref[...],
                0.0)
            score_ref[...] = jax.nn.sigmoid(
                jnp.dot(scores, wsc_ref[...],
                        preferred_element_type=jnp.float32) + bsc_ref[...])


def _phase_d(acc, dis, b, watt, wfc, bfc, wsc, bsc):
    return pl.pallas_call(
        _phase_d_body,
        grid=(2, _GRID),
        in_specs=[
            pl.BlockSpec((NC, _BR, F3), lambda p, i: (0, i, 0)),
            pl.BlockSpec((_BR, 1), lambda p, i: (i, 0)),
            pl.BlockSpec((1, F3), lambda p, i: (0, 0)),
            pl.BlockSpec((F3, F3), lambda p, i: (0, 0)),
            pl.BlockSpec((F3, BN), lambda p, i: (0, 0)),
            pl.BlockSpec((1, BN), lambda p, i: (0, 0)),
            pl.BlockSpec((BN, 1), lambda p, i: (0, 0)),
            pl.BlockSpec((1, 1), lambda p, i: (0, 0)),
        ],
        out_specs=pl.BlockSpec((1, 1), lambda p, i: (0, 0)),
        out_shape=jax.ShapeDtypeStruct((1, 1), jnp.float32),
        scratch_shapes=[
            pltpu.VMEM((N, F3), jnp.float32),
            pltpu.VMEM((1, F3), jnp.float32),
            pltpu.VMEM((1, F3), jnp.float32),
        ],
    )(acc, dis, b, watt, wfc, bfc, wsc, bsc)


def kernel(features_1, edge_index_1, W1, b1, W2, b2, W3, b3, Watt, Wfc, bfc,
           Wsc, bsc):
    ones16 = jnp.ones((DEG_K, 16), jnp.float32)
    zeros16 = jnp.zeros((RPT, 16), jnp.float32)
    degp = _deg_pass(edge_index_1, ones16, zeros16)

    h1, dis = _phase_a(degp, features_1, W1)
    acc1 = _scatter_pass(h1, edge_index_1,
                         jnp.zeros((RPT, F1), jnp.float32), F1, 125, 16)
    h2 = _phase_bc(acc1, dis, b1.reshape(1, F1), W2, F1, F2)
    acc2 = _scatter_pass4(h2, edge_index_1,
                          jnp.zeros((RPT, F2), jnp.float32), F2, 250)
    h3 = _phase_bc(acc2, dis, b2.reshape(1, F2), W3, F2, F3)
    acc3 = _scatter_pass4(h3, edge_index_1,
                          jnp.zeros((RPT, F3), jnp.float32), F3, 500)
    score = _phase_d(acc3, dis, b3.reshape(1, F3), Watt, Wfc,
                     bfc.reshape(1, BN), Wsc, bsc.reshape(1, 1))
    return score

# --- scband reference (transcript-rebuilt; emitter-appended) ---
"""Pipeline reference for scband-sim-gnn-31456340476209 (READ-ONLY COPY).

The authoritative reference and input builder live on the scoring server;
editing this copy changes nothing except your own understanding.
"""

import jax, jax.numpy as jnp
import numpy as np

N, E = 10000, 320000
F0, F1, F2, F3, BN = 128, 128, 64, 32, 16

def setup_inputs(seed: int = 0) -> dict:
    key = jax.random.key(seed)
    ks = jax.random.split(key, 14)
    inp = {}
    inp['features_1'] = jax.random.normal(ks[0], (N, F0), dtype=jnp.float32)
    inp['edge_index_1'] = jax.random.randint(ks[1], (2, E), 0, N, dtype=jnp.int32)
    inp['W1'] = jax.random.normal(ks[2], (F0, F1), dtype=jnp.float32) * (1.0 / np.sqrt(F0))
    inp['b1'] = jnp.zeros((F1,), dtype=jnp.float32)
    inp['W2'] = jax.random.normal(ks[3], (F1, F2), dtype=jnp.float32) * (1.0 / np.sqrt(F1))
    inp['b2'] = jnp.zeros((F2,), dtype=jnp.float32)
    inp['W3'] = jax.random.normal(ks[4], (F2, F3), dtype=jnp.float32) * (1.0 / np.sqrt(F2))
    inp['b3'] = jnp.zeros((F3,), dtype=jnp.float32)
    inp['Watt'] = jax.random.normal(ks[5], (F3, F3), dtype=jnp.float32) * (1.0 / np.sqrt(F3))
    inp['Wfc'] = jax.random.normal(ks[6], (F3, BN), dtype=jnp.float32) * (1.0 / np.sqrt(F3))
    inp['bfc'] = jnp.zeros((BN,), dtype=jnp.float32)
    inp['Wsc'] = jax.random.normal(ks[7], (BN, 1), dtype=jnp.float32) * (1.0 / np.sqrt(BN))
    inp['bsc'] = jnp.zeros((1,), dtype=jnp.float32)
    return inp

def gcn_conv(x, edge_index, W, b):
    n = x.shape[0]
    loop = jnp.arange(n, dtype=edge_index.dtype)
    src = jnp.concatenate([edge_index[0], loop])
    dst = jnp.concatenate([edge_index[1], loop])
    deg = jnp.zeros((n,), dtype=x.dtype).at[dst].add(1.0)
    dis = jnp.where(deg > 0, deg ** -0.5, 0.0)
    norm = dis[src] * dis[dst]
    h = x @ W
    msg = h[src] * norm[:, None]
    out = jnp.zeros((n, W.shape[1]), dtype=x.dtype).at[dst].add(msg)
    return out + b

def attention_pool(emb, Watt):
    global_context = jnp.mean(emb @ Watt, axis=0)
    tg = jnp.tanh(global_context)
    sig = jax.nn.sigmoid(emb @ tg)
    rep = emb.T @ sig  # [F3]
    return rep.reshape(-1, 1)  # [F3, 1]

def reference(features_1, edge_index_1, W1, b1, W2, b2, W3, b3, Watt, Wfc, bfc, Wsc, bsc):
    f = gcn_conv(features_1, edge_index_1, W1, b1)
    f = jax.nn.relu(f)
    f = gcn_conv(f, edge_index_1, W2, b2)
    f = jax.nn.relu(f)
    f = gcn_conv(f, edge_index_1, W3, b3)
    pooled = attention_pool(f, Watt)          # [F3, 1]
    scores = pooled.T                          # [1, F3]
    scores = jax.nn.relu(scores @ Wfc + bfc)   # [1, BN]
    score = jax.nn.sigmoid(scores @ Wsc + bsc) # [1, 1]
    return score

if __name__ == "__main__":
    import jax
    _d = setup_inputs()
    print(jax.jit(kernel)(*tuple(_d.values())))

</pallas_src>

<mosaic_0001>
#map = affine_map<(d0, d1) -> (0, 0)>
#map1 = affine_map<(d0, d1) -> (0, 0, 0)>
module attributes {stable_mosaic.version = 14 : i64} {
  func.func @_scatter_body4(%arg0: i32, %arg1: i32, %arg2: memref<10240x64xf32, #tpu.memory_space<hbm>>, %arg3: memref<1280x250xi32, #tpu.memory_space<hbm>>, %arg4: memref<1280x250xi32, #tpu.memory_space<hbm>>, %arg5: memref<640x64xf32, #tpu.memory_space<hbm>>, %arg6: memref<2x10240x64xf32, #tpu.memory_space<hbm>>, %arg7: memref<40x250xi32, #tpu.memory_space<vmem>>, %arg8: memref<40x250xi32, #tpu.memory_space<vmem>>, %arg9: memref<250x64xf32, #tpu.memory_space<vmem>>, %arg10: memref<250x64xf32, #tpu.memory_space<vmem>>, %arg11: memref<250x64xf32, #tpu.memory_space<vmem>>, %arg12: memref<250x64xf32, #tpu.memory_space<vmem>>, %arg13: memref<10240x64xf32, #tpu.memory_space<vmem_shared>>, %arg14: memref<!tpu.dma_semaphore, #tpu.memory_space<semaphore_mem>>, %arg15: memref<!tpu.dma_semaphore, #tpu.memory_space<semaphore_mem>>, %arg16: memref<!tpu.dma_semaphore, #tpu.memory_space<semaphore_mem>>, %arg17: memref<!tpu.dma_semaphore, #tpu.memory_space<semaphore_mem>>) attributes {dimension_semantics = [#tpu.dimension_semantics<core_parallel>, #tpu.dimension_semantics<subcore_parallel>], iteration_bounds = array<i64: 2, 16>, scalar_prefetch = 0 : i64, scratch_operands = 11 : i64, tpu.core_type = #tpu.core_type<sc_vector_subcore>, window_params = [{transform_indices = #map}, {transform_indices = #map}, {transform_indices = #map}, {transform_indices = #map}, {transform_indices = #map1}]} {
    %mul3A = arith.constant 16 : i32
    %mul3A_0 = arith.muli %arg0, %mul3A : i32
    %add3A = arith.addi %mul3A_0, %arg1 : i32
    %mul3A_1 = arith.constant 40 : i32
    %mul3A_2 = arith.muli %add3A, %mul3A_1 : i32
    "tpu.region"() ({
      %run_scoped3A = tpu.sem_alloc : memref<!tpu.dma_semaphore, #tpu.memory_space<semaphore_mem>>
      %dma_start3A_49 = arith.constant 0 : i32
      %dma_start3A_50 = tpu.memref_slice %arg3[%mul3A_2, %dma_start3A_49] : memref<1280x250xi32, #tpu.memory_space<hbm>> -> memref<40x250xi32, #tpu.memory_space<hbm>>
      %dma_start3A_51 = arith.constant 0 : i32
      %dma_start3A_52 = tpu.memref_slice %arg3[%mul3A_2, %dma_start3A_51] : memref<1280x250xi32, #tpu.memory_space<hbm>> -> memref<40x250xi32, #tpu.memory_space<hbm>>
      tpu.enqueue_dma source(%dma_start3A_52 : memref<40x250xi32, #tpu.memory_space<hbm>>) target(%arg7 : memref<40x250xi32, #tpu.memory_space<vmem>>) target_semaphore(%run_scoped3A : memref<!tpu.dma_semaphore, #tpu.memory_space<semaphore_mem>>)
      %dma_wait3A = arith.constant 0 : i32
      %dma_wait3A_53 = tpu.memref_slice %arg3[%mul3A_2, %dma_wait3A] : memref<1280x250xi32, #tpu.memory_space<hbm>> -> memref<40x250xi32, #tpu.memory_space<hbm>>
      %dma_wait3A_54 = arith.constant 0 : i32
      %dma_wait3A_55 = tpu.memref_slice %arg3[%mul3A_2, %dma_wait3A_54] : memref<1280x250xi32, #tpu.memory_space<hbm>> -> memref<40x250xi32, #tpu.memory_space<hbm>>
      tpu.wait_dma2 semaphore(%run_scoped3A : memref<!tpu.dma_semaphore, #tpu.memory_space<semaphore_mem>>) src(%dma_wait3A_55 : memref<40x250xi32, #tpu.memory_space<hbm>>) dst(%arg7 : memref<40x250xi32, #tpu.memory_space<vmem>>)
      tpu.yield
    }) : () -> ()
    %mul3A_3 = arith.constant 40 : i32
    %mul3A_4 = arith.muli %add3A, %mul3A_3 : i32
    "tpu.region"() ({
      %run_scoped3A = tpu.sem_alloc : memref<!tpu.dma_semaphore, #tpu.memory_space<semaphore_mem>>
      %dma_start3A_49 = arith.constant 0 : i32
      %dma_start3A_50 = tpu.memref_slice %arg4[%mul3A_4, %dma_start3A_49] : memref<1280x250xi32, #tpu.memory_space<hbm>> -> memref<40x250xi32, #tpu.memory_space<hbm>>
      %dma_start3A_51 = arith.constant 0 : i32
      %dma_start3A_52 = tpu.memref_slice %arg4[%mul3A_4, %dma_start3A_51] : memref<1280x250xi32, #tpu.memory_space<hbm>> -> memref<40x250xi32, #tpu.memory_space<hbm>>
      tpu.enqueue_dma source(%dma_start3A_52 : memref<40x250xi32, #tpu.memory_space<hbm>>) target(%arg8 : memref<40x250xi32, #tpu.memory_space<vmem>>) target_semaphore(%run_scoped3A : memref<!tpu.dma_semaphore, #tpu.memory_space<semaphore_mem>>)
      %dma_wait3A = arith.constant 0 : i32
      %dma_wait3A_53 = tpu.memref_slice %arg4[%mul3A_4, %dma_wait3A] : memref<1280x250xi32, #tpu.memory_space<hbm>> -> memref<40x250xi32, #tpu.memory_space<hbm>>
      %dma_wait3A_54 = arith.constant 0 : i32
      %dma_wait3A_55 = tpu.memref_slice %arg4[%mul3A_4, %dma_wait3A_54] : memref<1280x250xi32, #tpu.memory_space<hbm>> -> memref<40x250xi32, #tpu.memory_space<hbm>>
      tpu.wait_dma2 semaphore(%run_scoped3A : memref<!tpu.dma_semaphore, #tpu.memory_space<semaphore_mem>>) src(%dma_wait3A_55 : memref<40x250xi32, #tpu.memory_space<hbm>>) dst(%arg8 : memref<40x250xi32, #tpu.memory_space<vmem>>)
      tpu.yield
    }) : () -> ()
    %eq3A = arith.constant 0 : i32
    %eq3A_5 = arith.cmpi eq, %arg0, %eq3A : i32
    %convert_element_type3A = arith.extui %eq3A_5 : i1 to i32
    %cond3A = arith.constant 0 : i32
    %cond3A_6 = arith.cmpi ne, %convert_element_type3A, %cond3A : i32
    scf.if %cond3A_6 {
      %mul3A_49 = arith.constant 640 : i32
      %mul3A_50 = arith.muli %arg1, %mul3A_49 : i32
      %mul3A_51 = arith.constant 640 : i32
      %mul3A_52 = arith.muli %arg1, %mul3A_51 : i32
      "tpu.region"() ({
        %run_scoped3A = tpu.sem_alloc : memref<!tpu.dma_semaphore, #tpu.memory_space<semaphore_mem>>
        %dma_start3A_53 = arith.constant 0 : i32
        %dma_start3A_54 = tpu.memref_slice %arg13[%mul3A_52, %dma_start3A_53] : memref<10240x64xf32, #tpu.memory_space<vmem_shared>> -> memref<640x64xf32, #tpu.memory_space<vmem_shared>>
        %dma_start3A_55 = arith.constant 0 : i32
        %dma_start3A_56 = tpu.memref_slice %arg2[%mul3A_50, %dma_start3A_55] : memref<10240x64xf32, #tpu.memory_space<hbm>> -> memref<640x64xf32, #tpu.memory_space<hbm>>
        tpu.enqueue_dma source(%dma_start3A_56 : memref<640x64xf32, #tpu.memory_space<hbm>>) target(%dma_start3A_54 : memref<640x64xf32, #tpu.memory_space<vmem_shared>>) target_semaphore(%run_scoped3A : memref<!tpu.dma_semaphore, #tpu.memory_space<semaphore_mem>>)
        %dma_wait3A = arith.constant 0 : i32
        %dma_wait3A_57 = tpu.memref_slice %arg13[%mul3A_52, %dma_wait3A] : memref<10240x64xf32, #tpu.memory_space<vmem_shared>> -> memref<640x64xf32, #tpu.memory_space<vmem_shared>>
        %dma_wait3A_58 = arith.constant 0 : i32
        %dma_wait3A_59 = tpu.memref_slice %arg2[%mul3A_50, %dma_wait3A_58] : memref<10240x64xf32, #tpu.memory_space<hbm>> -> memref<640x64xf32, #tpu.memory_space<hbm>>
        tpu.wait_dma2 semaphore(%run_scoped3A : memref<!tpu.dma_semaphore, #tpu.memory_space<semaphore_mem>>) src(%dma_wait3A_59 : memref<640x64xf32, #tpu.memory_space<hbm>>) dst(%dma_wait3A_57 : memref<640x64xf32, #tpu.memory_space<vmem_shared>>)
        tpu.yield
      }) : () -> ()
    } else {
    }
    %eq3A_7 = arith.constant 1 : i32
    %eq3A_8 = arith.cmpi eq, %arg0, %eq3A_7 : i32
    %convert_element_type3A_9 = arith.extui %eq3A_8 : i1 to i32
    %cond3A_10 = arith.constant 0 : i32
    %cond3A_11 = arith.cmpi ne, %convert_element_type3A_9, %cond3A_10 : i32
    scf.if %cond3A_11 {
      %mul3A_49 = arith.constant 640 : i32
      %mul3A_50 = arith.muli %arg1, %mul3A_49 : i32
      "tpu.region"() ({
        %run_scoped3A = tpu.sem_alloc : memref<!tpu.dma_semaphore, #tpu.memory_space<semaphore_mem>>
        %dma_start3A_51 = arith.constant 0 : i32
        %dma_start3A_52 = tpu.memref_slice %arg13[%mul3A_50, %dma_start3A_51] : memref<10240x64xf32, #tpu.memory_space<vmem_shared>> -> memref<640x64xf32, #tpu.memory_space<vmem_shared>>
        tpu.enqueue_dma source(%arg5 : memref<640x64xf32, #tpu.memory_space<hbm>>) target(%dma_start3A_52 : memref<640x64xf32, #tpu.memory_space<vmem_shared>>) target_semaphore(%run_scoped3A : memref<!tpu.dma_semaphore, #tpu.memory_space<semaphore_mem>>)
        %dma_wait3A = arith.constant 0 : i32
        %dma_wait3A_53 = tpu.memref_slice %arg13[%mul3A_50, %dma_wait3A] : memref<10240x64xf32, #tpu.memory_space<vmem_shared>> -> memref<640x64xf32, #tpu.memory_space<vmem_shared>>
        tpu.wait_dma2 semaphore(%run_scoped3A : memref<!tpu.dma_semaphore, #tpu.memory_space<semaphore_mem>>) src(%arg5 : memref<640x64xf32, #tpu.memory_space<hbm>>) dst(%dma_wait3A_53 : memref<640x64xf32, #tpu.memory_space<vmem_shared>>)
        tpu.yield
      }) : () -> ()
    } else {
    }
    %barrier3A = arith.constant 0 : index
    tpu.barrier barrier_id(%barrier3A)
    %dma_start3A = arith.constant 0 : i32
    %dma_start3A_12 = arith.constant 0 : i32
    %dma_start3A_13 = tpu.memref_slice %arg7[%dma_start3A, %dma_start3A_12] : memref<40x250xi32, #tpu.memory_space<vmem>> -> memref<1x250xi32, #tpu.memory_space<vmem>>
    %dma_start3A_14 = tpu.memref_squeeze %dma_start3A_13 : memref<1x250xi32, #tpu.memory_space<vmem>> -> memref<250xi32, #tpu.memory_space<vmem>>
    %dma_start3A_15 = arith.constant 0 : i32
    %dma_start3A_16 = arith.constant 0 : i32
    %dma_start3A_17 = tpu.memref_slice %arg2[%dma_start3A_15, %dma_start3A_16] : memref<10240x64xf32, #tpu.memory_space<hbm>> -> memref<10240x64xf32, #tpu.memory_space<hbm>>
    tpu.enqueue_indirect_dma source(%dma_start3A_17 : memref<10240x64xf32, #tpu.memory_space<hbm>>) target(%arg9 : memref<250x64xf32, #tpu.memory_space<vmem>>) offsets(%dma_start3A_14 : memref<250xi32, #tpu.memory_space<vmem>>) semaphore(%arg14 : memref<!tpu.dma_semaphore, #tpu.memory_space<semaphore_mem>>)
    %dma_start3A_18 = arith.constant 1 : i32
    %dma_start3A_19 = arith.constant 0 : i32
    %dma_start3A_20 = tpu.memref_slice %arg7[%dma_start3A_18, %dma_start3A_19] : memref<40x250xi32, #tpu.memory_space<vmem>> -> memref<1x250xi32, #tpu.memory_space<vmem>>
    %dma_start3A_21 = tpu.memref_squeeze %dma_start3A_20 : memref<1x250xi32, #tpu.memory_space<vmem>> -> memref<250xi32, #tpu.memory_space<vmem>>
    %dma_start3A_22 = arith.constant 0 : i32
    %dma_start3A_23 = arith.constant 0 : i32
    %dma_start3A_24 = tpu.memref_slice %arg2[%dma_start3A_22, %dma_start3A_23] : memref<10240x64xf32, #tpu.memory_space<hbm>> -> memref<10240x64xf32, #tpu.memory_space<hbm>>
    tpu.enqueue_indirect_dma source(%dma_start3A_24 : memref<10240x64xf32, #tpu.memory_space<hbm>>) target(%arg10 : memref<250x64xf32, #tpu.memory_space<vmem>>) offsets(%dma_start3A_21 : memref<250xi32, #tpu.memory_space<vmem>>) semaphore(%arg15 : memref<!tpu.dma_semaphore, #tpu.memory_space<semaphore_mem>>)
    %dma_start3A_25 = arith.constant 2 : i32
    %dma_start3A_26 = arith.constant 0 : i32
    %dma_start3A_27 = tpu.memref_slice %arg7[%dma_start3A_25, %dma_start3A_26] : memref<40x250xi32, #tpu.memory_space<vmem>> -> memref<1x250xi32, #tpu.memory_space<vmem>>
    %dma_start3A_28 = tpu.memref_squeeze %dma_start3A_27 : memref<1x250xi32, #tpu.memory_space<vmem>> -> memref<250xi32, #tpu.memory_space<vmem>>
    %dma_start3A_29 = arith.constant 0 : i32
    %dma_start3A_30 = arith.constant 0 : i32
    %dma_start3A_31 = tpu.memref_slice %arg2[%dma_start3A_29, %dma_start3A_30] : memref<10240x64xf32, #tpu.memory_space<hbm>> -> memref<10240x64xf32, #tpu.memory_space<hbm>>
    tpu.enqueue_indirect_dma source(%dma_start3A_31 : memref<10240x64xf32, #tpu.memory_space<hbm>>) target(%arg11 : memref<250x64xf32, #tpu.memory_space<vmem>>) offsets(%dma_start3A_28 : memref<250xi32, #tpu.memory_space<vmem>>) semaphore(%arg16 : memref<!tpu.dma_semaphore, #tpu.memory_space<semaphore_mem>>)
    %dma_start3A_32 = arith.constant 3 : i32
    %dma_start3A_33 = arith.constant 0 : i32
    %dma_start3A_34 = tpu.memref_slice %arg7[%dma_start3A_32, %dma_start3A_33] : memref<40x250xi32, #tpu.memory_space<vmem>> -> memref<1x250xi32, #tpu.memory_space<vmem>>
    %dma_start3A_35 = tpu.memref_squeeze %dma_start3A_34 : memref<1x250xi32, #tpu.memory_space<vmem>> -> memref<250xi32, #tpu.memory_space<vmem>>
    %dma_start3A_36 = arith.constant 0 : i32
    %dma_start3A_37 = arith.constant 0 : i32
    %dma_start3A_38 = tpu.memref_slice %arg2[%dma_start3A_36, %dma_start3A_37] : memref<10240x64xf32, #tpu.memory_space<hbm>> -> memref<10240x64xf32, #tpu.memory_space<hbm>>
    tpu.enqueue_indirect_dma source(%dma_start3A_38 : memref<10240x64xf32, #tpu.memory_space<hbm>>) target(%arg12 : memref<250x64xf32, #tpu.memory_space<vmem>>) offsets(%dma_start3A_35 : memref<250xi32, #tpu.memory_space<vmem>>) semaphore(%arg17 : memref<!tpu.dma_semaphore, #tpu.memory_space<semaphore_mem>>)
    %scan3A = arith.constant 0 : i32
    %scan3A_39 = arith.constant 0 : i32
    %scan3A_40 = arith.constant 10 : i32
    %scan3A_41 = arith.addi %scan3A_39, %scan3A_40 : i32
    %scan3A_42 = arith.constant 1 : i32
    scf.for %scan3A_49 = %scan3A_39 to %scan3A_41 step %scan3A_42  : i32 {
      %mul3A_50 = arith.constant 4 : i32
      %mul3A_51 = arith.muli %mul3A_50, %scan3A_49 : i32
      %dma_wait3A = arith.constant 0 : i32
      %dma_wait3A_52 = tpu.memref_slice %arg7[%mul3A_51, %dma_wait3A] : memref<40x250xi32, #tpu.memory_space<vmem>> -> memref<1x250xi32, #tpu.memory_space<vmem>>
      %dma_wait3A_53 = tpu.memref_squeeze %dma_wait3A_52 : memref<1x250xi32, #tpu.memory_space<vmem>> -> memref<250xi32, #tpu.memory_space<vmem>>
      %dma_wait3A_54 = arith.constant 0 : i32
      %dma_wait3A_55 = arith.constant 0 : i32
      %dma_wait3A_56 = tpu.memref_slice %arg2[%dma_wait3A_54, %dma_wait3A_55] : memref<10240x64xf32, #tpu.memory_space<hbm>> -> memref<10240x64xf32, #tpu.memory_space<hbm>>
      tpu.wait_indirect_dma semaphore(%arg14 : memref<!tpu.dma_semaphore, #tpu.memory_space<semaphore_mem>>) src(%dma_wait3A_56 : memref<10240x64xf32, #tpu.memory_space<hbm>>) dst(%arg9 : memref<250x64xf32, #tpu.memory_space<vmem>>)
      "tpu.region"() ({
        %run_scoped3A = tpu.sem_alloc : memref<!tpu.dma_semaphore, #tpu.memory_space<semaphore_mem>>
        %dma_start3A_108 = arith.constant 0 : i32
        %dma_start3A_109 = tpu.memref_slice %arg8[%mul3A_51, %dma_start3A_108] : memref<40x250xi32, #tpu.memory_space<vmem>> -> memref<1x250xi32, #tpu.memory_space<vmem>>
        %dma_start3A_110 = tpu.memref_squeeze %dma_start3A_109 : memref<1x250xi32, #tpu.memory_space<vmem>> -> memref<250xi32, #tpu.memory_space<vmem>>
        %dma_start3A_111 = arith.constant 0 : i32
        %dma_start3A_112 = arith.constant 0 : i32
        %dma_start3A_113 = tpu.memref_slice %arg13[%dma_start3A_111, %dma_start3A_112] : memref<10240x64xf32, #tpu.memory_space<vmem_shared>> -> memref<10240x64xf32, #tpu.memory_space<vmem_shared>>
        tpu.enqueue_indirect_dma source(%arg9 : memref<250x64xf32, #tpu.memory_space<vmem>>) target(%dma_start3A_113 : memref<10240x64xf32, #tpu.memory_space<vmem_shared>>) offsets(%dma_start3A_110 : memref<250xi32, #tpu.memory_space<vmem>>) semaphore(%run_scoped3A : memref<!tpu.dma_semaphore, #tpu.memory_space<semaphore_mem>>) {add = true}
        %dma_wait3A_114 = arith.constant 0 : i32
        %dma_wait3A_115 = tpu.memref_slice %arg8[%mul3A_51, %dma_wait3A_114] : memref<40x250xi32, #tpu.memory_space<vmem>> -> memref<1x250xi32, #tpu.memory_space<vmem>>
        %dma_wait3A_116 = tpu.memref_squeeze %dma_wait3A_115 : memref<1x250xi32, #tpu.memory_space<vmem>> -> memref<250xi32, #tpu.memory_space<vmem>>
        %dma_wait3A_117 = arith.constant 0 : i32
        %dma_wait3A_118 = arith.constant 0 : i32
        %dma_wait3A_119 = tpu.memref_slice %arg13[%dma_wait3A_117, %dma_wait3A_118] : memref<10240x64xf32, #tpu.memory_space<vmem_shared>> -> memref<10240x64xf32, #tpu.memory_space<vmem_shared>>
        tpu.wait_indirect_dma semaphore(%run_scoped3A : memref<!tpu.dma_semaphore, #tpu.memory_space<semaphore_mem>>) src(%arg9 : memref<250x64xf32, #tpu.memory_space<vmem>>) dst(%dma_wait3A_119 : memref<10240x64xf32, #tpu.memory_space<vmem_shared>>)
        tpu.yield
      }) : () -> ()
      %add3A_57 = arith.constant 4 : i32
      %add3A_58 = arith.addi %mul3A_51, %add3A_57 : i32
      %lt3A = arith.constant 40 : i32
      %lt3A_59 = arith.cmpi slt, %add3A_58, %lt3A : i32
      %convert_element_type3A_60 = arith.extui %lt3A_59 : i1 to i32
      %cond3A_61 = arith.constant 0 : i32
      %cond3A_62 = arith.cmpi ne, %convert_element_type3A_60, %cond3A_61 : i32
      scf.if %cond3A_62 {
        %add3A_108 = arith.constant 4 : i32
        %add3A_109 = arith.addi %mul3A_51, %add3A_108 : i32
        %dma_start3A_110 = arith.constant 0 : i32
        %dma_start3A_111 = tpu.memref_slice %arg7[%add3A_109, %dma_start3A_110] : memref<40x250xi32, #tpu.memory_space<vmem>> -> memref<1x250xi32, #tpu.memory_space<vmem>>
        %dma_start3A_112 = tpu.memref_squeeze %dma_start3A_111 : memref<1x250xi32, #tpu.memory_space<vmem>> -> memref<250xi32, #tpu.memory_space<vmem>>
        %dma_start3A_113 = arith.constant 0 : i32
        %dma_start3A_114 = arith.constant 0 : i32
        %dma_start3A_115 = tpu.memref_slice %arg2[%dma_start3A_113, %dma_start3A_114] : memref<10240x64xf32, #tpu.memory_space<hbm>> -> memref<10240x64xf32, #tpu.memory_space<hbm>>
        tpu.enqueue_indirect_dma source(%dma_start3A_115 : memref<10240x64xf32, #tpu.memory_space<hbm>>) target(%arg9 : memref<250x64xf32, #tpu.memory_space<vmem>>) offsets(%dma_start3A_112 : memref<250xi32, #tpu.memory_space<vmem>>) semaphore(%arg14 : memref<!tpu.dma_semaphore, #tpu.memory_space<semaphore_mem>>)
      } else {
      }
      %add3A_63 = arith.constant 1 : i32
      %add3A_64 = arith.addi %mul3A_51, %add3A_63 : i32
      %dma_wait3A_65 = arith.constant 0 : i32
      %dma_wait3A_66 = tpu.memref_slice %arg7[%add3A_64, %dma_wait3A_65] : memref<40x250xi32, #tpu.memory_space<vmem>> -> memref<1x250xi32, #tpu.memory_space<vmem>>
      %dma_wait3A_67 = tpu.memref_squeeze %dma_wait3A_66 : memref<1x250xi32, #tpu.memory_space<vmem>> -> memref<250xi32, #tpu.memory_space<vmem>>
      %dma_wait3A_68 = arith.constant 0 : i32
      %dma_wait3A_69 = arith.constant 0 : i32
      %dma_wait3A_70 = tpu.memref_slice %arg2[%dma_wait3A_68, %dma_wait3A_69] : memref<10240x64xf32, #tpu.memory_space<hbm>> -> memref<10240x64xf32, #tpu.memory_space<hbm>>
      tpu.wait_indirect_dma semaphore(%arg15 : memref<!tpu.dma_semaphore, #tpu.memory_space<semaphore_mem>>) src(%dma_wait3A_70 : memref<10240x64xf32, #tpu.memory_space<hbm>>) dst(%arg10 : memref<250x64xf32, #tpu.memory_space<vmem>>)
      "tpu.region"() ({
        %run_scoped3A = tpu.sem_alloc : memref<!tpu.dma_semaphore, #tpu.memory_space<semaphore_mem>>
        %dma_start3A_108 = arith.constant 0 : i32
        %dma_start3A_109 = tpu.memref_slice %arg8[%add3A_64, %dma_start3A_108] : memref<40x250xi32, #tpu.memory_space<vmem>> -> memref<1x250xi32, #tpu.memory_space<vmem>>
        %dma_start3A_110 = tpu.memref_squeeze %dma_start3A_109 : memref<1x250xi32, #tpu.memory_space<vmem>> -> memref<250xi32, #tpu.memory_space<vmem>>
        %dma_start3A_111 = arith.constant 0 : i32
        %dma_start3A_112 = arith.constant 0 : i32
        %dma_start3A_113 = tpu.memref_slice %arg13[%dma_start3A_111, %dma_start3A_112] : memref<10240x64xf32, #tpu.memory_space<vmem_shared>> -> memref<10240x64xf32, #tpu.memory_space<vmem_shared>>
        tpu.enqueue_indirect_dma source(%arg10 : memref<250x64xf32, #tpu.memory_space<vmem>>) target(%dma_start3A_113 : memref<10240x64xf32, #tpu.memory_space<vmem_shared>>) offsets(%dma_start3A_110 : memref<250xi32, #tpu.memory_space<vmem>>) semaphore(%run_scoped3A : memref<!tpu.dma_semaphore, #tpu.memory_space<semaphore_mem>>) {add = true}
        %dma_wait3A_114 = arith.constant 0 : i32
        %dma_wait3A_115 = tpu.memref_slice %arg8[%add3A_64, %dma_wait3A_114] : memref<40x250xi32, #tpu.memory_space<vmem>> -> memref<1x250xi32, #tpu.memory_space<vmem>>
        %dma_wait3A_116 = tpu.memref_squeeze %dma_wait3A_115 : memref<1x250xi32, #tpu.memory_space<vmem>> -> memref<250xi32, #tpu.memory_space<vmem>>
        %dma_wait3A_117 = arith.constant 0 : i32
        %dma_wait3A_118 = arith.constant 0 : i32
        %dma_wait3A_119 = tpu.memref_slice %arg13[%dma_wait3A_117, %dma_wait3A_118] : memref<10240x64xf32, #tpu.memory_space<vmem_shared>> -> memref<10240x64xf32, #tpu.memory_space<vmem_shared>>
        tpu.wait_indirect_dma semaphore(%run_scoped3A : memref<!tpu.dma_semaphore, #tpu.memory_space<semaphore_mem>>) src(%arg10 : memref<250x64xf32, #tpu.memory_space<vmem>>) dst(%dma_wait3A_119 : memref<10240x64xf32, #tpu.memory_space<vmem_shared>>)
        tpu.yield
      }) : () -> ()
      %add3A_71 = arith.constant 4 : i32
      %add3A_72 = arith.addi %add3A_64, %add3A_71 : i32
      %lt3A_73 = arith.constant 40 : i32
      %lt3A_74 = arith.cmpi slt, %add3A_72, %lt3A_73 : i32
      %convert_element_type3A_75 = arith.extui %lt3A_74 : i1 to i32
      %cond3A_76 = arith.constant 0 : i32
      %cond3A_77 = arith.cmpi ne, %convert_element_type3A_75, %cond3A_76 : i32
      scf.if %cond3A_77 {
        %add3A_108 = arith.constant 4 : i32
        %add3A_109 = arith.addi %add3A_64, %add3A_108 : i32
        %dma_start3A_110 = arith.constant 0 : i32
        %dma_start3A_111 = tpu.memref_slice %arg7[%add3A_109, %dma_start3A_110] : memref<40x250xi32, #tpu.memory_space<vmem>> -> memref<1x250xi32, #tpu.memory_space<vmem>>
        %dma_start3A_112 = tpu.memref_squeeze %dma_start3A_111 : memref<1x250xi32, #tpu.memory_space<vmem>> -> memref<250xi32, #tpu.memory_space<vmem>>
        %dma_start3A_113 = arith.constant 0 : i32
        %dma_start3A_114 = arith.constant 0 : i32
        %dma_start3A_115 = tpu.memref_slice %arg2[%dma_start3A_113, %dma_start3A_114] : memref<10240x64xf32, #tpu.memory_space<hbm>> -> memref<10240x64xf32, #tpu.memory_space<hbm>>
        tpu.enqueue_indirect_dma source(%dma_start3A_115 : memref<10240x64xf32, #tpu.memory_space<hbm>>) target(%arg10 : memref<250x64xf32, #tpu.memory_space<vmem>>) offsets(%dma_start3A_112 : memref<250xi32, #tpu.memory_space<vmem>>) semaphore(%arg15 : memref<!tpu.dma_semaphore, #tpu.memory_space<semaphore_mem>>)
      } else {
      }
      %add3A_78 = arith.constant 2 : i32
      %add3A_79 = arith.addi %mul3A_51, %add3A_78 : i32
      %dma_wait3A_80 = arith.constant 0 : i32
      %dma_wait3A_81 = tpu.memref_slice %arg7[%add3A_79, %dma_wait3A_80] : memref<40x250xi32, #tpu.memory_space<vmem>> -> memref<1x250xi32, #tpu.memory_space<vmem>>
      %dma_wait3A_82 = tpu.memref_squeeze %dma_wait3A_81 : memref<1x250xi32, #tpu.memory_space<vmem>> -> memref<250xi32, #tpu.memory_space<vmem>>
      %dma_wait3A_83 = arith.constant 0 : i32
      %dma_wait3A_84 = arith.constant 0 : i32
      %dma_wait3A_85 = tpu.memref_slice %arg2[%dma_wait3A_83, %dma_wait3A_84] : memref<10240x64xf32, #tpu.memory_space<hbm>> -> memref<10240x64xf32, #tpu.memory_space<hbm>>
      tpu.wait_indirect_dma semaphore(%arg16 : memref<!tpu.dma_semaphore, #tpu.memory_space<semaphore_mem>>) src(%dma_wait3A_85 : memref<10240x64xf32, #tpu.memory_space<hbm>>) dst(%arg11 : memref<250x64xf32, #tpu.memory_space<vmem>>)
      "tpu.region"() ({
        %run_scoped3A = tpu.sem_alloc : memref<!tpu.dma_semaphore, #tpu.memory_space<semaphore_mem>>
        %dma_start3A_108 = arith.constant 0 : i32
        %dma_start3A_109 = tpu.memref_slice %arg8[%add3A_79, %dma_start3A_108] : memref<40x250xi32, #tpu.memory_space<vmem>> -> memref<1x250xi32, #tpu.memory_space<vmem>>
        %dma_start3A_110 = tpu.memref_squeeze %dma_start3A_109 : memref<1x250xi32, #tpu.memory_space<vmem>> -> memref<250xi32, #tpu.memory_space<vmem>>
        %dma_start3A_111 = arith.constant 0 : i32
        %dma_start3A_112 = arith.constant 0 : i32
        %dma_start3A_113 = tpu.memref_slice %arg13[%dma_start3A_111, %dma_start3A_112] : memref<10240x64xf32, #tpu.memory_space<vmem_shared>> -> memref<10240x64xf32, #tpu.memory_space<vmem_shared>>
        tpu.enqueue_indirect_dma source(%arg11 : memref<250x64xf32, #tpu.memory_space<vmem>>) target(%dma_start3A_113 : memref<10240x64xf32, #tpu.memory_space<vmem_shared>>) offsets(%dma_start3A_110 : memref<250xi32, #tpu.memory_space<vmem>>) semaphore(%run_scoped3A : memref<!tpu.dma_semaphore, #tpu.memory_space<semaphore_mem>>) {add = true}
        %dma_wait3A_114 = arith.constant 0 : i32
        %dma_wait3A_115 = tpu.memref_slice %arg8[%add3A_79, %dma_wait3A_114] : memref<40x250xi32, #tpu.memory_space<vmem>> -> memref<1x250xi32, #tpu.memory_space<vmem>>
        %dma_wait3A_116 = tpu.memref_squeeze %dma_wait3A_115 : memref<1x250xi32, #tpu.memory_space<vmem>> -> memref<250xi32, #tpu.memory_space<vmem>>
        %dma_wait3A_117 = arith.constant 0 : i32
        %dma_wait3A_118 = arith.constant 0 : i32
        %dma_wait3A_119 = tpu.memref_slice %arg13[%dma_wait3A_117, %dma_wait3A_118] : memref<10240x64xf32, #tpu.memory_space<vmem_shared>> -> memref<10240x64xf32, #tpu.memory_space<vmem_shared>>
        tpu.wait_indirect_dma semaphore(%run_scoped3A : memref<!tpu.dma_semaphore, #tpu.memory_space<semaphore_mem>>) src(%arg11 : memref<250x64xf32, #tpu.memory_space<vmem>>) dst(%dma_wait3A_119 : memref<10240x64xf32, #tpu.memory_space<vmem_shared>>)
        tpu.yield
      }) : () -> ()
      %add3A_86 = arith.constant 4 : i32
      %add3A_87 = arith.addi %add3A_79, %add3A_86 : i32
      %lt3A_88 = arith.constant 40 : i32
      %lt3A_89 = arith.cmpi slt, %add3A_87, %lt3A_88 : i32
      %convert_element_type3A_90 = arith.extui %lt3A_89 : i1 to i32
      %cond3A_91 = arith.constant 0 : i32
      %cond3A_92 = arith.cmpi ne, %convert_element_type3A_90, %cond3A_91 : i32
      scf.if %cond3A_92 {
        %add3A_108 = arith.constant 4 : i32
        %add3A_109 = arith.addi %add3A_79, %add3A_108 : i32
        %dma_start3A_110 = arith.constant 0 : i32
        %dma_start3A_111 = tpu.memref_slice %arg7[%add3A_109, %dma_start3A_110] : memref<40x250xi32, #tpu.memory_space<vmem>> -> memref<1x250xi32, #tpu.memory_space<vmem>>
        %dma_start3A_112 = tpu.memref_squeeze %dma_start3A_111 : memref<1x250xi32, #tpu.memory_space<vmem>> -> memref<250xi32, #tpu.memory_space<vmem>>
        %dma_start3A_113 = arith.constant 0 : i32
        %dma_start3A_114 = arith.constant 0 : i32
        %dma_start3A_115 = tpu.memref_slice %arg2[%dma_start3A_113, %dma_start3A_114] : memref<10240x64xf32, #tpu.memory_space<hbm>> -> memref<10240x64xf32, #tpu.memory_space<hbm>>
        tpu.enqueue_indirect_dma source(%dma_start3A_115 : memref<10240x64xf32, #tpu.memory_space<hbm>>) target(%arg11 : memref<250x64xf32, #tpu.memory_space<vmem>>) offsets(%dma_start3A_112 : memref<250xi32, #tpu.memory_space<vmem>>) semaphore(%arg16 : memref<!tpu.dma_semaphore, #tpu.memory_space<semaphore_mem>>)
      } else {
      }
      %add3A_93 = arith.constant 3 : i32
      %add3A_94 = arith.addi %mul3A_51, %add3A_93 : i32
      %dma_wait3A_95 = arith.constant 0 : i32
      %dma_wait3A_96 = tpu.memref_slice %arg7[%add3A_94, %dma_wait3A_95] : memref<40x250xi32, #tpu.memory_space<vmem>> -> memref<1x250xi32, #tpu.memory_space<vmem>>
      %dma_wait3A_97 = tpu.memref_squeeze %dma_wait3A_96 : memref<1x250xi32, #tpu.memory_space<vmem>> -> memref<250xi32, #tpu.memory_space<vmem>>
      %dma_wait3A_98 = arith.constant 0 : i32
      %dma_wait3A_99 = arith.constant 0 : i32
      %dma_wait3A_100 = tpu.memref_slice %arg2[%dma_wait3A_98, %dma_wait3A_99] : memref<10240x64xf32, #tpu.memory_space<hbm>> -> memref<10240x64xf32, #tpu.memory_space<hbm>>
      tpu.wait_indirect_dma semaphore(%arg17 : memref<!tpu.dma_semaphore, #tpu.memory_space<semaphore_mem>>) src(%dma_wait3A_100 : memref<10240x64xf32, #tpu.memory_space<hbm>>) dst(%arg12 : memref<250x64xf32, #tpu.memory_space<vmem>>)
      "tpu.region"() ({
        %run_scoped3A = tpu.sem_alloc : memref<!tpu.dma_semaphore, #tpu.memory_space<semaphore_mem>>
        %dma_start3A_108 = arith.constant 0 : i32
        %dma_start3A_109 = tpu.memref_slice %arg8[%add3A_94, %dma_start3A_108] : memref<40x250xi32, #tpu.memory_space<vmem>> -> memref<1x250xi32, #tpu.memory_space<vmem>>
        %dma_start3A_110 = tpu.memref_squeeze %dma_start3A_109 : memref<1x250xi32, #tpu.memory_space<vmem>> -> memref<250xi32, #tpu.memory_space<vmem>>
        %dma_start3A_111 = arith.constant 0 : i32
        %dma_start3A_112 = arith.constant 0 : i32
        %dma_start3A_113 = tpu.memref_slice %arg13[%dma_start3A_111, %dma_start3A_112] : memref<10240x64xf32, #tpu.memory_space<vmem_shared>> -> memref<10240x64xf32, #tpu.memory_space<vmem_shared>>
        tpu.enqueue_indirect_dma source(%arg12 : memref<250x64xf32, #tpu.memory_space<vmem>>) target(%dma_start3A_113 : memref<10240x64xf32, #tpu.memory_space<vmem_shared>>) offsets(%dma_start3A_110 : memref<250xi32, #tpu.memory_space<vmem>>) semaphore(%run_scoped3A : memref<!tpu.dma_semaphore, #tpu.memory_space<semaphore_mem>>) {add = true}
        %dma_wait3A_114 = arith.constant 0 : i32
        %dma_wait3A_115 = tpu.memref_slice %arg8[%add3A_94, %dma_wait3A_114] : memref<40x250xi32, #tpu.memory_space<vmem>> -> memref<1x250xi32, #tpu.memory_space<vmem>>
        %dma_wait3A_116 = tpu.memref_squeeze %dma_wait3A_115 : memref<1x250xi32, #tpu.memory_space<vmem>> -> memref<250xi32, #tpu.memory_space<vmem>>
        %dma_wait3A_117 = arith.constant 0 : i32
        %dma_wait3A_118 = arith.constant 0 : i32
        %dma_wait3A_119 = tpu.memref_slice %arg13[%dma_wait3A_117, %dma_wait3A_118] : memref<10240x64xf32, #tpu.memory_space<vmem_shared>> -> memref<10240x64xf32, #tpu.memory_space<vmem_shared>>
        tpu.wait_indirect_dma semaphore(%run_scoped3A : memref<!tpu.dma_semaphore, #tpu.memory_space<semaphore_mem>>) src(%arg12 : memref<250x64xf32, #tpu.memory_space<vmem>>) dst(%dma_wait3A_119 : memref<10240x64xf32, #tpu.memory_space<vmem_shared>>)
        tpu.yield
      }) : () -> ()
      %add3A_101 = arith.constant 4 : i32
      %add3A_102 = arith.addi %add3A_94, %add3A_101 : i32
      %lt3A_103 = arith.constant 40 : i32
      %lt3A_104 = arith.cmpi slt, %add3A_102, %lt3A_103 : i32
      %convert_element_type3A_105 = arith.extui %lt3A_104 : i1 to i32
      %cond3A_106 = arith.constant 0 : i32
      %cond3A_107 = arith.cmpi ne, %convert_element_type3A_105, %cond3A_106 : i32
      scf.if %cond3A_107 {
        %add3A_108 = arith.constant 4 : i32
        %add3A_109 = arith.addi %add3A_94, %add3A_108 : i32
        %dma_start3A_110 = arith.constant 0 : i32
        %dma_start3A_111 = tpu.memref_slice %arg7[%add3A_109, %dma_start3A_110] : memref<40x250xi32, #tpu.memory_space<vmem>> -> memref<1x250xi32, #tpu.memory_space<vmem>>
        %dma_start3A_112 = tpu.memref_squeeze %dma_start3A_111 : memref<1x250xi32, #tpu.memory_space<vmem>> -> memref<250xi32, #tpu.memory_space<vmem>>
        %dma_start3A_113 = arith.constant 0 : i32
        %dma_start3A_114 = arith.constant 0 : i32
        %dma_start3A_115 = tpu.memref_slice %arg2[%dma_start3A_113, %dma_start3A_114] : memref<10240x64xf32, #tpu.memory_space<hbm>> -> memref<10240x64xf32, #tpu.memory_space<hbm>>
        tpu.enqueue_indirect_dma source(%dma_start3A_115 : memref<10240x64xf32, #tpu.memory_space<hbm>>) target(%arg12 : memref<250x64xf32, #tpu.memory_space<vmem>>) offsets(%dma_start3A_112 : memref<250xi32, #tpu.memory_space<vmem>>) semaphore(%arg17 : memref<!tpu.dma_semaphore, #tpu.memory_space<semaphore_mem>>)
      } else {
      }
    }
    %scan3A_43 = arith.constant 10 : i32
    %barrier3A_44 = arith.constant 0 : index
    tpu.barrier barrier_id(%barrier3A_44)
    %mul3A_45 = arith.constant 640 : i32
    %mul3A_46 = arith.muli %arg1, %mul3A_45 : i32
    %mul3A_47 = arith.constant 640 : i32
    %mul3A_48 = arith.muli %arg1, %mul3A_47 : i32
    "tpu.region"() ({
      %run_scoped3A = tpu.sem_alloc : memref<!tpu.dma_semaphore, #tpu.memory_space<semaphore_mem>>
      %dma_start3A_49 = arith.constant 0 : i32
      %dma_start3A_50 = tpu.memref_slice %arg6[%arg0, %mul3A_48, %dma_start3A_49] : memref<2x10240x64xf32, #tpu.memory_space<hbm>> -> memref<1x640x64xf32, #tpu.memory_space<hbm>>
      %dma_start3A_51 = tpu.memref_squeeze %dma_start3A_50 : memref<1x640x64xf32, #tpu.memory_space<hbm>> -> memref<640x64xf32, #tpu.memory_space<hbm>>
      %dma_start3A_52 = arith.constant 0 : i32
      %dma_start3A_53 = tpu.memref_slice %arg13[%mul3A_46, %dma_start3A_52] : memref<10240x64xf32, #tpu.memory_space<vmem_shared>> -> memref<640x64xf32, #tpu.memory_space<vmem_shared>>
      tpu.enqueue_dma source(%dma_start3A_53 : memref<640x64xf32, #tpu.memory_space<vmem_shared>>) target(%dma_start3A_51 : memref<640x64xf32, #tpu.memory_space<hbm>>) target_semaphore(%run_scoped3A : memref<!tpu.dma_semaphore, #tpu.memory_space<semaphore_mem>>)
      %dma_wait3A = arith.constant 0 : i32
      %dma_wait3A_54 = tpu.memref_slice %arg6[%arg0, %mul3A_48, %dma_wait3A] : memref<2x10240x64xf32, #tpu.memory_space<hbm>> -> memref<1x640x64xf32, #tpu.memory_space<hbm>>
      %dma_wait3A_55 = tpu.memref_squeeze %dma_wait3A_54 : memref<1x640x64xf32, #tpu.memory_space<hbm>> -> memref<640x64xf32, #tpu.memory_space<hbm>>
      %dma_wait3A_56 = arith.constant 0 : i32
      %dma_wait3A_57 = tpu.memref_slice %arg13[%mul3A_46, %dma_wait3A_56] : memref<10240x64xf32, #tpu.memory_space<vmem_shared>> -> memref<640x64xf32, #tpu.memory_space<vmem_shared>>
      tpu.wait_dma2 semaphore(%run_scoped3A : memref<!tpu.dma_semaphore, #tpu.memory_space<semaphore_mem>>) src(%dma_wait3A_57 : memref<640x64xf32, #tpu.memory_space<vmem_shared>>) dst(%dma_wait3A_55 : memref<640x64xf32, #tpu.memory_space<hbm>>)
      tpu.yield
    }) : () -> ()
    return
  }
}

#map = affine_map<(d0, d1) -> (0, 0)>
#map1 = affine_map<(d0, d1) -> (0, 0, 0)>
module attributes {stable_mosaic.version = 14 : i64} {
  func.func @_scatter_body4(%arg0: i32, %arg1: i32, %arg2: memref<10240x32xf32, #tpu.memory_space<hbm>>, %arg3: memref<640x500xi32, #tpu.memory_space<hbm>>, %arg4: memref<640x500xi32, #tpu.memory_space<hbm>>, %arg5: memref<640x32xf32, #tpu.memory_space<hbm>>, %arg6: memref<2x10240x32xf32, #tpu.memory_space<hbm>>, %arg7: memref<20x500xi32, #tpu.memory_space<vmem>>, %arg8: memref<20x500xi32, #tpu.memory_space<vmem>>, %arg9: memref<500x32xf32, #tpu.memory_space<vmem>>, %arg10: memref<500x32xf32, #tpu.memory_space<vmem>>, %arg11: memref<500x32xf32, #tpu.memory_space<vmem>>, %arg12: memref<500x32xf32, #tpu.memory_space<vmem>>, %arg13: memref<10240x32xf32, #tpu.memory_space<vmem_shared>>, %arg14: memref<!tpu.dma_semaphore, #tpu.memory_space<semaphore_mem>>, %arg15: memref<!tpu.dma_semaphore, #tpu.memory_space<semaphore_mem>>, %arg16: memref<!tpu.dma_semaphore, #tpu.memory_space<semaphore_mem>>, %arg17: memref<!tpu.dma_semaphore, #tpu.memory_space<semaphore_mem>>) attributes {dimension_semantics = [#tpu.dimension_semantics<core_parallel>, #tpu.dimension_semantics<subcore_parallel>], iteration_bounds = array<i64: 2, 16>, scalar_prefetch = 0 : i64, scratch_operands = 11 : i64, tpu.core_type = #tpu.core_type<sc_vector_subcore>, window_params = [{transform_indices = #map}, {transform_indices = #map}, {transform_indices = #map}, {transform_indices = #map}, {transform_indices = #map1}]} {
    %mul3A = arith.constant 16 : i32
    %mul3A_0 = arith.muli %arg0, %mul3A : i32
    %add3A = arith.addi %mul3A_0, %arg1 : i32
    %mul3A_1 = arith.constant 20 : i32
    %mul3A_2 = arith.muli %add3A, %mul3A_1 : i32
    "tpu.region"() ({
      %run_scoped3A = tpu.sem_alloc : memref<!tpu.dma_semaphore, #tpu.memory_space<semaphore_mem>>
      %dma_start3A_49 = arith.constant 0 : i32
      %dma_start3A_50 = tpu.memref_slice %arg3[%mul3A_2, %dma_start3A_49] : memref<640x500xi32, #tpu.memory_space<hbm>> -> memref<20x500xi32, #tpu.memory_space<hbm>>
      %dma_start3A_51 = arith.constant 0 : i32
      %dma_start3A_52 = tpu.memref_slice %arg3[%mul3A_2, %dma_start3A_51] : memref<640x500xi32, #tpu.memory_space<hbm>> -> memref<20x500xi32, #tpu.memory_space<hbm>>
      tpu.enqueue_dma source(%dma_start3A_52 : memref<20x500xi32, #tpu.memory_space<hbm>>) target(%arg7 : memref<20x500xi32, #tpu.memory_space<vmem>>) target_semaphore(%run_scoped3A : memref<!tpu.dma_semaphore, #tpu.memory_space<semaphore_mem>>)
      %dma_wait3A = arith.constant 0 : i32
      %dma_wait3A_53 = tpu.memref_slice %arg3[%mul3A_2, %dma_wait3A] : memref<640x500xi32, #tpu.memory_space<hbm>> -> memref<20x500xi32, #tpu.memory_space<hbm>>
      %dma_wait3A_54 = arith.constant 0 : i32
      %dma_wait3A_55 = tpu.memref_slice %arg3[%mul3A_2, %dma_wait3A_54] : memref<640x500xi32, #tpu.memory_space<hbm>> -> memref<20x500xi32, #tpu.memory_space<hbm>>
      tpu.wait_dma2 semaphore(%run_scoped3A : memref<!tpu.dma_semaphore, #tpu.memory_space<semaphore_mem>>) src(%dma_wait3A_55 : memref<20x500xi32, #tpu.memory_space<hbm>>) dst(%arg7 : memref<20x500xi32, #tpu.memory_space<vmem>>)
      tpu.yield
    }) : () -> ()
    %mul3A_3 = arith.constant 20 : i32
    %mul3A_4 = arith.muli %add3A, %mul3A_3 : i32
    "tpu.region"() ({
      %run_scoped3A = tpu.sem_alloc : memref<!tpu.dma_semaphore, #tpu.memory_space<semaphore_mem>>
      %dma_start3A_49 = arith.constant 0 : i32
      %dma_start3A_50 = tpu.memref_slice %arg4[%mul3A_4, %dma_start3A_49] : memref<640x500xi32, #tpu.memory_space<hbm>> -> memref<20x500xi32, #tpu.memory_space<hbm>>
      %dma_start3A_51 = arith.constant 0 : i32
      %dma_start3A_52 = tpu.memref_slice %arg4[%mul3A_4, %dma_start3A_51] : memref<640x500xi32, #tpu.memory_space<hbm>> -> memref<20x500xi32, #tpu.memory_space<hbm>>
      tpu.enqueue_dma source(%dma_start3A_52 : memref<20x500xi32, #tpu.memory_space<hbm>>) target(%arg8 : memref<20x500xi32, #tpu.memory_space<vmem>>) target_semaphore(%run_scoped3A : memref<!tpu.dma_semaphore, #tpu.memory_space<semaphore_mem>>)
      %dma_wait3A = arith.constant 0 : i32
      %dma_wait3A_53 = tpu.memref_slice %arg4[%mul3A_4, %dma_wait3A] : memref<640x500xi32, #tpu.memory_space<hbm>> -> memref<20x500xi32, #tpu.memory_space<hbm>>
      %dma_wait3A_54 = arith.constant 0 : i32
      %dma_wait3A_55 = tpu.memref_slice %arg4[%mul3A_4, %dma_wait3A_54] : memref<640x500xi32, #tpu.memory_space<hbm>> -> memref<20x500xi32, #tpu.memory_space<hbm>>
      tpu.wait_dma2 semaphore(%run_scoped3A : memref<!tpu.dma_semaphore, #tpu.memory_space<semaphore_mem>>) src(%dma_wait3A_55 : memref<20x500xi32, #tpu.memory_space<hbm>>) dst(%arg8 : memref<20x500xi32, #tpu.memory_space<vmem>>)
      tpu.yield
    }) : () -> ()
    %eq3A = arith.constant 0 : i32
    %eq3A_5 = arith.cmpi eq, %arg0, %eq3A : i32
    %convert_element_type3A = arith.extui %eq3A_5 : i1 to i32
    %cond3A = arith.constant 0 : i32
    %cond3A_6 = arith.cmpi ne, %convert_element_type3A, %cond3A : i32
    scf.if %cond3A_6 {
      %mul3A_49 = arith.constant 640 : i32
      %mul3A_50 = arith.muli %arg1, %mul3A_49 : i32
      %mul3A_51 = arith.constant 640 : i32
      %mul3A_52 = arith.muli %arg1, %mul3A_51 : i32
      "tpu.region"() ({
        %run_scoped3A = tpu.sem_alloc : memref<!tpu.dma_semaphore, #tpu.memory_space<semaphore_mem>>
        %dma_start3A_53 = arith.constant 0 : i32
        %dma_start3A_54 = tpu.memref_slice %arg13[%mul3A_52, %dma_start3A_53] : memref<10240x32xf32, #tpu.memory_space<vmem_shared>> -> memref<640x32xf32, #tpu.memory_space<vmem_shared>>
        %dma_start3A_55 = arith.constant 0 : i32
        %dma_start3A_56 = tpu.memref_slice %arg2[%mul3A_50, %dma_start3A_55] : memref<10240x32xf32, #tpu.memory_space<hbm>> -> memref<640x32xf32, #tpu.memory_space<hbm>>
        tpu.enqueue_dma source(%dma_start3A_56 : memref<640x32xf32, #tpu.memory_space<hbm>>) target(%dma_start3A_54 : memref<640x32xf32, #tpu.memory_space<vmem_shared>>) target_semaphore(%run_scoped3A : memref<!tpu.dma_semaphore, #tpu.memory_space<semaphore_mem>>)
        %dma_wait3A = arith.constant 0 : i32
        %dma_wait3A_57 = tpu.memref_slice %arg13[%mul3A_52, %dma_wait3A] : memref<10240x32xf32, #tpu.memory_space<vmem_shared>> -> memref<640x32xf32, #tpu.memory_space<vmem_shared>>
        %dma_wait3A_58 = arith.constant 0 : i32
        %dma_wait3A_59 = tpu.memref_slice %arg2[%mul3A_50, %dma_wait3A_58] : memref<10240x32xf32, #tpu.memory_space<hbm>> -> memref<640x32xf32, #tpu.memory_space<hbm>>
        tpu.wait_dma2 semaphore(%run_scoped3A : memref<!tpu.dma_semaphore, #tpu.memory_space<semaphore_mem>>) src(%dma_wait3A_59 : memref<640x32xf32, #tpu.memory_space<hbm>>) dst(%dma_wait3A_57 : memref<640x32xf32, #tpu.memory_space<vmem_shared>>)
        tpu.yield
      }) : () -> ()
    } else {
    }
    %eq3A_7 = arith.constant 1 : i32
    %eq3A_8 = arith.cmpi eq, %arg0, %eq3A_7 : i32
    %convert_element_type3A_9 = arith.extui %eq3A_8 : i1 to i32
    %cond3A_10 = arith.constant 0 : i32
    %cond3A_11 = arith.cmpi ne, %convert_element_type3A_9, %cond3A_10 : i32
    scf.if %cond3A_11 {
      %mul3A_49 = arith.constant 640 : i32
      %mul3A_50 = arith.muli %arg1, %mul3A_49 : i32
      "tpu.region"() ({
        %run_scoped3A = tpu.sem_alloc : memref<!tpu.dma_semaphore, #tpu.memory_space<semaphore_mem>>
        %dma_start3A_51 = arith.constant 0 : i32
        %dma_start3A_52 = tpu.memref_slice %arg13[%mul3A_50, %dma_start3A_51] : memref<10240x32xf32, #tpu.memory_space<vmem_shared>> -> memref<640x32xf32, #tpu.memory_space<vmem_shared>>
        tpu.enqueue_dma source(%arg5 : memref<640x32xf32, #tpu.memory_space<hbm>>) target(%dma_start3A_52 : memref<640x32xf32, #tpu.memory_space<vmem_shared>>) target_semaphore(%run_scoped3A : memref<!tpu.dma_semaphore, #tpu.memory_space<semaphore_mem>>)
        %dma_wait3A = arith.constant 0 : i32
        %dma_wait3A_53 = tpu.memref_slice %arg13[%mul3A_50, %dma_wait3A] : memref<10240x32xf32, #tpu.memory_space<vmem_shared>> -> memref<640x32xf32, #tpu.memory_space<vmem_shared>>
        tpu.wait_dma2 semaphore(%run_scoped3A : memref<!tpu.dma_semaphore, #tpu.memory_space<semaphore_mem>>) src(%arg5 : memref<640x32xf32, #tpu.memory_space<hbm>>) dst(%dma_wait3A_53 : memref<640x32xf32, #tpu.memory_space<vmem_shared>>)
        tpu.yield
      }) : () -> ()
    } else {
    }
    %barrier3A = arith.constant 0 : index
    tpu.barrier barrier_id(%barrier3A)
    %dma_start3A = arith.constant 0 : i32
    %dma_start3A_12 = arith.constant 0 : i32
    %dma_start3A_13 = tpu.memref_slice %arg7[%dma_start3A, %dma_start3A_12] : memref<20x500xi32, #tpu.memory_space<vmem>> -> memref<1x500xi32, #tpu.memory_space<vmem>>
    %dma_start3A_14 = tpu.memref_squeeze %dma_start3A_13 : memref<1x500xi32, #tpu.memory_space<vmem>> -> memref<500xi32, #tpu.memory_space<vmem>>
    %dma_start3A_15 = arith.constant 0 : i32
    %dma_start3A_16 = arith.constant 0 : i32
    %dma_start3A_17 = tpu.memref_slice %arg2[%dma_start3A_15, %dma_start3A_16] : memref<10240x32xf32, #tpu.memory_space<hbm>> -> memref<10240x32xf32, #tpu.memory_space<hbm>>
    tpu.enqueue_indirect_dma source(%dma_start3A_17 : memref<10240x32xf32, #tpu.memory_space<hbm>>) target(%arg9 : memref<500x32xf32, #tpu.memory_space<vmem>>) offsets(%dma_start3A_14 : memref<500xi32, #tpu.memory_space<vmem>>) semaphore(%arg14 : memref<!tpu.dma_semaphore, #tpu.memory_space<semaphore_mem>>)
    %dma_start3A_18 = arith.constant 1 : i32
    %dma_start3A_19 = arith.constant 0 : i32
    %dma_start3A_20 = tpu.memref_slice %arg7[%dma_start3A_18, %dma_start3A_19] : memref<20x500xi32, #tpu.memory_space<vmem>> -> memref<1x500xi32, #tpu.memory_space<vmem>>
    %dma_start3A_21 = tpu.memref_squeeze %dma_start3A_20 : memref<1x500xi32, #tpu.memory_space<vmem>> -> memref<500xi32, #tpu.memory_space<vmem>>
    %dma_start3A_22 = arith.constant 0 : i32
    %dma_start3A_23 = arith.constant 0 : i32
    %dma_start3A_24 = tpu.memref_slice %arg2[%dma_start3A_22, %dma_start3A_23] : memref<10240x32xf32, #tpu.memory_space<hbm>> -> memref<10240x32xf32, #tpu.memory_space<hbm>>
    tpu.enqueue_indirect_dma source(%dma_start3A_24 : memref<10240x32xf32, #tpu.memory_space<hbm>>) target(%arg10 : memref<500x32xf32, #tpu.memory_space<vmem>>) offsets(%dma_start3A_21 : memref<500xi32, #tpu.memory_space<vmem>>) semaphore(%arg15 : memref<!tpu.dma_semaphore, #tpu.memory_space<semaphore_mem>>)
    %dma_start3A_25 = arith.constant 2 : i32
    %dma_start3A_26 = arith.constant 0 : i32
    %dma_start3A_27 = tpu.memref_slice %arg7[%dma_start3A_25, %dma_start3A_26] : memref<20x500xi32, #tpu.memory_space<vmem>> -> memref<1x500xi32, #tpu.memory_space<vmem>>
    %dma_start3A_28 = tpu.memref_squeeze %dma_start3A_27 : memref<1x500xi32, #tpu.memory_space<vmem>> -> memref<500xi32, #tpu.memory_space<vmem>>
    %dma_start3A_29 = arith.constant 0 : i32
    %dma_start3A_30 = arith.constant 0 : i32
    %dma_start3A_31 = tpu.memref_slice %arg2[%dma_start3A_29, %dma_start3A_30] : memref<10240x32xf32, #tpu.memory_space<hbm>> -> memref<10240x32xf32, #tpu.memory_space<hbm>>
    tpu.enqueue_indirect_dma source(%dma_start3A_31 : memref<10240x32xf32, #tpu.memory_space<hbm>>) target(%arg11 : memref<500x32xf32, #tpu.memory_space<vmem>>) offsets(%dma_start3A_28 : memref<500xi32, #tpu.memory_space<vmem>>) semaphore(%arg16 : memref<!tpu.dma_semaphore, #tpu.memory_space<semaphore_mem>>)
    %dma_start3A_32 = arith.constant 3 : i32
    %dma_start3A_33 = arith.constant 0 : i32
    %dma_start3A_34 = tpu.memref_slice %arg7[%dma_start3A_32, %dma_start3A_33] : memref<20x500xi32, #tpu.memory_space<vmem>> -> memref<1x500xi32, #tpu.memory_space<vmem>>
    %dma_start3A_35 = tpu.memref_squeeze %dma_start3A_34 : memref<1x500xi32, #tpu.memory_space<vmem>> -> memref<500xi32, #tpu.memory_space<vmem>>
    %dma_start3A_36 = arith.constant 0 : i32
    %dma_start3A_37 = arith.constant 0 : i32
    %dma_start3A_38 = tpu.memref_slice %arg2[%dma_start3A_36, %dma_start3A_37] : memref<10240x32xf32, #tpu.memory_space<hbm>> -> memref<10240x32xf32, #tpu.memory_space<hbm>>
    tpu.enqueue_indirect_dma source(%dma_start3A_38 : memref<10240x32xf32, #tpu.memory_space<hbm>>) target(%arg12 : memref<500x32xf32, #tpu.memory_space<vmem>>) offsets(%dma_start3A_35 : memref<500xi32, #tpu.memory_space<vmem>>) semaphore(%arg17 : memref<!tpu.dma_semaphore, #tpu.memory_space<semaphore_mem>>)
    %scan3A = arith.constant 0 : i32
    %scan3A_39 = arith.constant 0 : i32
    %scan3A_40 = arith.constant 5 : i32
    %scan3A_41 = arith.addi %scan3A_39, %scan3A_40 : i32
    %scan3A_42 = arith.constant 1 : i32
    scf.for %scan3A_49 = %scan3A_39 to %scan3A_41 step %scan3A_42  : i32 {
      %mul3A_50 = arith.constant 4 : i32
      %mul3A_51 = arith.muli %mul3A_50, %scan3A_49 : i32
      %dma_wait3A = arith.constant 0 : i32
      %dma_wait3A_52 = tpu.memref_slice %arg7[%mul3A_51, %dma_wait3A] : memref<20x500xi32, #tpu.memory_space<vmem>> -> memref<1x500xi32, #tpu.memory_space<vmem>>
      %dma_wait3A_53 = tpu.memref_squeeze %dma_wait3A_52 : memref<1x500xi32, #tpu.memory_space<vmem>> -> memref<500xi32, #tpu.memory_space<vmem>>
      %dma_wait3A_54 = arith.constant 0 : i32
      %dma_wait3A_55 = arith.constant 0 : i32
      %dma_wait3A_56 = tpu.memref_slice %arg2[%dma_wait3A_54, %dma_wait3A_55] : memref<10240x32xf32, #tpu.memory_space<hbm>> -> memref<10240x32xf32, #tpu.memory_space<hbm>>
      tpu.wait_indirect_dma semaphore(%arg14 : memref<!tpu.dma_semaphore, #tpu.memory_space<semaphore_mem>>) src(%dma_wait3A_56 : memref<10240x32xf32, #tpu.memory_space<hbm>>) dst(%arg9 : memref<500x32xf32, #tpu.memory_space<vmem>>)
      "tpu.region"() ({
        %run_scoped3A = tpu.sem_alloc : memref<!tpu.dma_semaphore, #tpu.memory_space<semaphore_mem>>
        %dma_start3A_108 = arith.constant 0 : i32
        %dma_start3A_109 = tpu.memref_slice %arg8[%mul3A_51, %dma_start3A_108] : memref<20x500xi32, #tpu.memory_space<vmem>> -> memref<1x500xi32, #tpu.memory_space<vmem>>
        %dma_start3A_110 = tpu.memref_squeeze %dma_start3A_109 : memref<1x500xi32, #tpu.memory_space<vmem>> -> memref<500xi32, #tpu.memory_space<vmem>>
        %dma_start3A_111 = arith.constant 0 : i32
        %dma_start3A_112 = arith.constant 0 : i32
        %dma_start3A_113 = tpu.memref_slice %arg13[%dma_start3A_111, %dma_start3A_112] : memref<10240x32xf32, #tpu.memory_space<vmem_shared>> -> memref<10240x32xf32, #tpu.memory_space<vmem_shared>>
        tpu.enqueue_indirect_dma source(%arg9 : memref<500x32xf32, #tpu.memory_space<vmem>>) target(%dma_start3A_113 : memref<10240x32xf32, #tpu.memory_space<vmem_shared>>) offsets(%dma_start3A_110 : memref<500xi32, #tpu.memory_space<vmem>>) semaphore(%run_scoped3A : memref<!tpu.dma_semaphore, #tpu.memory_space<semaphore_mem>>) {add = true}
        %dma_wait3A_114 = arith.constant 0 : i32
        %dma_wait3A_115 = tpu.memref_slice %arg8[%mul3A_51, %dma_wait3A_114] : memref<20x500xi32, #tpu.memory_space<vmem>> -> memref<1x500xi32, #tpu.memory_space<vmem>>
        %dma_wait3A_116 = tpu.memref_squeeze %dma_wait3A_115 : memref<1x500xi32, #tpu.memory_space<vmem>> -> memref<500xi32, #tpu.memory_space<vmem>>
        %dma_wait3A_117 = arith.constant 0 : i32
        %dma_wait3A_118 = arith.constant 0 : i32
        %dma_wait3A_119 = tpu.memref_slice %arg13[%dma_wait3A_117, %dma_wait3A_118] : memref<10240x32xf32, #tpu.memory_space<vmem_shared>> -> memref<10240x32xf32, #tpu.memory_space<vmem_shared>>
        tpu.wait_indirect_dma semaphore(%run_scoped3A : memref<!tpu.dma_semaphore, #tpu.memory_space<semaphore_mem>>) src(%arg9 : memref<500x32xf32, #tpu.memory_space<vmem>>) dst(%dma_wait3A_119 : memref<10240x32xf32, #tpu.memory_space<vmem_shared>>)
        tpu.yield
      }) : () -> ()
      %add3A_57 = arith.constant 4 : i32
      %add3A_58 = arith.addi %mul3A_51, %add3A_57 : i32
      %lt3A = arith.constant 20 : i32
      %lt3A_59 = arith.cmpi slt, %add3A_58, %lt3A : i32
      %convert_element_type3A_60 = arith.extui %lt3A_59 : i1 to i32
      %cond3A_61 = arith.constant 0 : i32
      %cond3A_62 = arith.cmpi ne, %convert_element_type3A_60, %cond3A_61 : i32
      scf.if %cond3A_62 {
        %add3A_108 = arith.constant 4 : i32
        %add3A_109 = arith.addi %mul3A_51, %add3A_108 : i32
        %dma_start3A_110 = arith.constant 0 : i32
        %dma_start3A_111 = tpu.memref_slice %arg7[%add3A_109, %dma_start3A_110] : memref<20x500xi32, #tpu.memory_space<vmem>> -> memref<1x500xi32, #tpu.memory_space<vmem>>
        %dma_start3A_112 = tpu.memref_squeeze %dma_start3A_111 : memref<1x500xi32, #tpu.memory_space<vmem>> -> memref<500xi32, #tpu.memory_space<vmem>>
        %dma_start3A_113 = arith.constant 0 : i32
        %dma_start3A_114 = arith.constant 0 : i32
        %dma_start3A_115 = tpu.memref_slice %arg2[%dma_start3A_113, %dma_start3A_114] : memref<10240x32xf32, #tpu.memory_space<hbm>> -> memref<10240x32xf32, #tpu.memory_space<hbm>>
        tpu.enqueue_indirect_dma source(%dma_start3A_115 : memref<10240x32xf32, #tpu.memory_space<hbm>>) target(%arg9 : memref<500x32xf32, #tpu.memory_space<vmem>>) offsets(%dma_start3A_112 : memref<500xi32, #tpu.memory_space<vmem>>) semaphore(%arg14 : memref<!tpu.dma_semaphore, #tpu.memory_space<semaphore_mem>>)
      } else {
      }
      %add3A_63 = arith.constant 1 : i32
      %add3A_64 = arith.addi %mul3A_51, %add3A_63 : i32
      %dma_wait3A_65 = arith.constant 0 : i32
      %dma_wait3A_66 = tpu.memref_slice %arg7[%add3A_64, %dma_wait3A_65] : memref<20x500xi32, #tpu.memory_space<vmem>> -> memref<1x500xi32, #tpu.memory_space<vmem>>
      %dma_wait3A_67 = tpu.memref_squeeze %dma_wait3A_66 : memref<1x500xi32, #tpu.memory_space<vmem>> -> memref<500xi32, #tpu.memory_space<vmem>>
      %dma_wait3A_68 = arith.constant 0 : i32
      %dma_wait3A_69 = arith.constant 0 : i32
      %dma_wait3A_70 = tpu.memref_slice %arg2[%dma_wait3A_68, %dma_wait3A_69] : memref<10240x32xf32, #tpu.memory_space<hbm>> -> memref<10240x32xf32, #tpu.memory_space<hbm>>
      tpu.wait_indirect_dma semaphore(%arg15 : memref<!tpu.dma_semaphore, #tpu.memory_space<semaphore_mem>>) src(%dma_wait3A_70 : memref<10240x32xf32, #tpu.memory_space<hbm>>) dst(%arg10 : memref<500x32xf32, #tpu.memory_space<vmem>>)
      "tpu.region"() ({
        %run_scoped3A = tpu.sem_alloc : memref<!tpu.dma_semaphore, #tpu.memory_space<semaphore_mem>>
        %dma_start3A_108 = arith.constant 0 : i32
        %dma_start3A_109 = tpu.memref_slice %arg8[%add3A_64, %dma_start3A_108] : memref<20x500xi32, #tpu.memory_space<vmem>> -> memref<1x500xi32, #tpu.memory_space<vmem>>
        %dma_start3A_110 = tpu.memref_squeeze %dma_start3A_109 : memref<1x500xi32, #tpu.memory_space<vmem>> -> memref<500xi32, #tpu.memory_space<vmem>>
        %dma_start3A_111 = arith.constant 0 : i32
        %dma_start3A_112 = arith.constant 0 : i32
        %dma_start3A_113 = tpu.memref_slice %arg13[%dma_start3A_111, %dma_start3A_112] : memref<10240x32xf32, #tpu.memory_space<vmem_shared>> -> memref<10240x32xf32, #tpu.memory_space<vmem_shared>>
        tpu.enqueue_indirect_dma source(%arg10 : memref<500x32xf32, #tpu.memory_space<vmem>>) target(%dma_start3A_113 : memref<10240x32xf32, #tpu.memory_space<vmem_shared>>) offsets(%dma_start3A_110 : memref<500xi32, #tpu.memory_space<vmem>>) semaphore(%run_scoped3A : memref<!tpu.dma_semaphore, #tpu.memory_space<semaphore_mem>>) {add = true}
        %dma_wait3A_114 = arith.constant 0 : i32
        %dma_wait3A_115 = tpu.memref_slice %arg8[%add3A_64, %dma_wait3A_114] : memref<20x500xi32, #tpu.memory_space<vmem>> -> memref<1x500xi32, #tpu.memory_space<vmem>>
        %dma_wait3A_116 = tpu.memref_squeeze %dma_wait3A_115 : memref<1x500xi32, #tpu.memory_space<vmem>> -> memref<500xi32, #tpu.memory_space<vmem>>
        %dma_wait3A_117 = arith.constant 0 : i32
        %dma_wait3A_118 = arith.constant 0 : i32
        %dma_wait3A_119 = tpu.memref_slice %arg13[%dma_wait3A_117, %dma_wait3A_118] : memref<10240x32xf32, #tpu.memory_space<vmem_shared>> -> memref<10240x32xf32, #tpu.memory_space<vmem_shared>>
        tpu.wait_indirect_dma semaphore(%run_scoped3A : memref<!tpu.dma_semaphore, #tpu.memory_space<semaphore_mem>>) src(%arg10 : memref<500x32xf32, #tpu.memory_space<vmem>>) dst(%dma_wait3A_119 : memref<10240x32xf32, #tpu.memory_space<vmem_shared>>)
        tpu.yield
      }) : () -> ()
      %add3A_71 = arith.constant 4 : i32
      %add3A_72 = arith.addi %add3A_64, %add3A_71 : i32
      %lt3A_73 = arith.constant 20 : i32
      %lt3A_74 = arith.cmpi slt, %add3A_72, %lt3A_73 : i32
      %convert_element_type3A_75 = arith.extui %lt3A_74 : i1 to i32
      %cond3A_76 = arith.constant 0 : i32
      %cond3A_77 = arith.cmpi ne, %convert_element_type3A_75, %cond3A_76 : i32
      scf.if %cond3A_77 {
        %add3A_108 = arith.constant 4 : i32
        %add3A_109 = arith.addi %add3A_64, %add3A_108 : i32
        %dma_start3A_110 = arith.constant 0 : i32
        %dma_start3A_111 = tpu.memref_slice %arg7[%add3A_109, %dma_start3A_110] : memref<20x500xi32, #tpu.memory_space<vmem>> -> memref<1x500xi32, #tpu.memory_space<vmem>>
        %dma_start3A_112 = tpu.memref_squeeze %dma_start3A_111 : memref<1x500xi32, #tpu.memory_space<vmem>> -> memref<500xi32, #tpu.memory_space<vmem>>
        %dma_start3A_113 = arith.constant 0 : i32
        %dma_start3A_114 = arith.constant 0 : i32
        %dma_start3A_115 = tpu.memref_slice %arg2[%dma_start3A_113, %dma_start3A_114] : memref<10240x32xf32, #tpu.memory_space<hbm>> -> memref<10240x32xf32, #tpu.memory_space<hbm>>
        tpu.enqueue_indirect_dma source(%dma_start3A_115 : memref<10240x32xf32, #tpu.memory_space<hbm>>) target(%arg10 : memref<500x32xf32, #tpu.memory_space<vmem>>) offsets(%dma_start3A_112 : memref<500xi32, #tpu.memory_space<vmem>>) semaphore(%arg15 : memref<!tpu.dma_semaphore, #tpu.memory_space<semaphore_mem>>)
      } else {
      }
      %add3A_78 = arith.constant 2 : i32
      %add3A_79 = arith.addi %mul3A_51, %add3A_78 : i32
      %dma_wait3A_80 = arith.constant 0 : i32
      %dma_wait3A_81 = tpu.memref_slice %arg7[%add3A_79, %dma_wait3A_80] : memref<20x500xi32, #tpu.memory_space<vmem>> -> memref<1x500xi32, #tpu.memory_space<vmem>>
      %dma_wait3A_82 = tpu.memref_squeeze %dma_wait3A_81 : memref<1x500xi32, #tpu.memory_space<vmem>> -> memref<500xi32, #tpu.memory_space<vmem>>
      %dma_wait3A_83 = arith.constant 0 : i32
      %dma_wait3A_84 = arith.constant 0 : i32
      %dma_wait3A_85 = tpu.memref_slice %arg2[%dma_wait3A_83, %dma_wait3A_84] : memref<10240x32xf32, #tpu.memory_space<hbm>> -> memref<10240x32xf32, #tpu.memory_space<hbm>>
      tpu.wait_indirect_dma semaphore(%arg16 : memref<!tpu.dma_semaphore, #tpu.memory_space<semaphore_mem>>) src(%dma_wait3A_85 : memref<10240x32xf32, #tpu.memory_space<hbm>>) dst(%arg11 : memref<500x32xf32, #tpu.memory_space<vmem>>)
      "tpu.region"() ({
        %run_scoped3A = tpu.sem_alloc : memref<!tpu.dma_semaphore, #tpu.memory_space<semaphore_mem>>
        %dma_start3A_108 = arith.constant 0 : i32
        %dma_start3A_109 = tpu.memref_slice %arg8[%add3A_79, %dma_start3A_108] : memref<20x500xi32, #tpu.memory_space<vmem>> -> memref<1x500xi32, #tpu.memory_space<vmem>>
        %dma_start3A_110 = tpu.memref_squeeze %dma_start3A_109 : memref<1x500xi32, #tpu.memory_space<vmem>> -> memref<500xi32, #tpu.memory_space<vmem>>
        %dma_start3A_111 = arith.constant 0 : i32
        %dma_start3A_112 = arith.constant 0 : i32
        %dma_start3A_113 = tpu.memref_slice %arg13[%dma_start3A_111, %dma_start3A_112] : memref<10240x32xf32, #tpu.memory_space<vmem_shared>> -> memref<10240x32xf32, #tpu.memory_space<vmem_shared>>
        tpu.enqueue_indirect_dma source(%arg11 : memref<500x32xf32, #tpu.memory_space<vmem>>) target(%dma_start3A_113 : memref<10240x32xf32, #tpu.memory_space<vmem_shared>>) offsets(%dma_start3A_110 : memref<500xi32, #tpu.memory_space<vmem>>) semaphore(%run_scoped3A : memref<!tpu.dma_semaphore, #tpu.memory_space<semaphore_mem>>) {add = true}
        %dma_wait3A_114 = arith.constant 0 : i32
        %dma_wait3A_115 = tpu.memref_slice %arg8[%add3A_79, %dma_wait3A_114] : memref<20x500xi32, #tpu.memory_space<vmem>> -> memref<1x500xi32, #tpu.memory_space<vmem>>
        %dma_wait3A_116 = tpu.memref_squeeze %dma_wait3A_115 : memref<1x500xi32, #tpu.memory_space<vmem>> -> memref<500xi32, #tpu.memory_space<vmem>>
        %dma_wait3A_117 = arith.constant 0 : i32
        %dma_wait3A_118 = arith.constant 0 : i32
        %dma_wait3A_119 = tpu.memref_slice %arg13[%dma_wait3A_117, %dma_wait3A_118] : memref<10240x32xf32, #tpu.memory_space<vmem_shared>> -> memref<10240x32xf32, #tpu.memory_space<vmem_shared>>
        tpu.wait_indirect_dma semaphore(%run_scoped3A : memref<!tpu.dma_semaphore, #tpu.memory_space<semaphore_mem>>) src(%arg11 : memref<500x32xf32, #tpu.memory_space<vmem>>) dst(%dma_wait3A_119 : memref<10240x32xf32, #tpu.memory_space<vmem_shared>>)
        tpu.yield
      }) : () -> ()
      %add3A_86 = arith.constant 4 : i32
      %add3A_87 = arith.addi %add3A_79, %add3A_86 : i32
      %lt3A_88 = arith.constant 20 : i32
      %lt3A_89 = arith.cmpi slt, %add3A_87, %lt3A_88 : i32
      %convert_element_type3A_90 = arith.extui %lt3A_89 : i1 to i32
      %cond3A_91 = arith.constant 0 : i32
      %cond3A_92 = arith.cmpi ne, %convert_element_type3A_90, %cond3A_91 : i32
      scf.if %cond3A_92 {
        %add3A_108 = arith.constant 4 : i32
        %add3A_109 = arith.addi %add3A_79, %add3A_108 : i32
        %dma_start3A_110 = arith.constant 0 : i32
        %dma_start3A_111 = tpu.memref_slice %arg7[%add3A_109, %dma_start3A_110] : memref<20x500xi32, #tpu.memory_space<vmem>> -> memref<1x500xi32, #tpu.memory_space<vmem>>
        %dma_start3A_112 = tpu.memref_squeeze %dma_start3A_111 : memref<1x500xi32, #tpu.memory_space<vmem>> -> memref<500xi32, #tpu.memory_space<vmem>>
        %dma_start3A_113 = arith.constant 0 : i32
        %dma_start3A_114 = arith.constant 0 : i32
        %dma_start3A_115 = tpu.memref_slice %arg2[%dma_start3A_113, %dma_start3A_114] : memref<10240x32xf32, #tpu.memory_space<hbm>> -> memref<10240x32xf32, #tpu.memory_space<hbm>>
        tpu.enqueue_indirect_dma source(%dma_start3A_115 : memref<10240x32xf32, #tpu.memory_space<hbm>>) target(%arg11 : memref<500x32xf32, #tpu.memory_space<vmem>>) offsets(%dma_start3A_112 : memref<500xi32, #tpu.memory_space<vmem>>) semaphore(%arg16 : memref<!tpu.dma_semaphore, #tpu.memory_space<semaphore_mem>>)
      } else {
      }
      %add3A_93 = arith.constant 3 : i32
      %add3A_94 = arith.addi %mul3A_51, %add3A_93 : i32
      %dma_wait3A_95 = arith.constant 0 : i32
      %dma_wait3A_96 = tpu.memref_slice %arg7[%add3A_94, %dma_wait3A_95] : memref<20x500xi32, #tpu.memory_space<vmem>> -> memref<1x500xi32, #tpu.memory_space<vmem>>
      %dma_wait3A_97 = tpu.memref_squeeze %dma_wait3A_96 : memref<1x500xi32, #tpu.memory_space<vmem>> -> memref<500xi32, #tpu.memory_space<vmem>>
      %dma_wait3A_98 = arith.constant 0 : i32
      %dma_wait3A_99 = arith.constant 0 : i32
      %dma_wait3A_100 = tpu.memref_slice %arg2[%dma_wait3A_98, %dma_wait3A_99] : memref<10240x32xf32, #tpu.memory_space<hbm>> -> memref<10240x32xf32, #tpu.memory_space<hbm>>
      tpu.wait_indirect_dma semaphore(%arg17 : memref<!tpu.dma_semaphore, #tpu.memory_space<semaphore_mem>>) src(%dma_wait3A_100 : memref<10240x32xf32, #tpu.memory_space<hbm>>) dst(%arg12 : memref<500x32xf32, #tpu.memory_space<vmem>>)
      "tpu.region"() ({
        %run_scoped3A = tpu.sem_alloc : memref<!tpu.dma_semaphore, #tpu.memory_space<semaphore_mem>>
        %dma_start3A_108 = arith.constant 0 : i32
        %dma_start3A_109 = tpu.memref_slice %arg8[%add3A_94, %dma_start3A_108] : memref<20x500xi32, #tpu.memory_space<vmem>> -> memref<1x500xi32, #tpu.memory_space<vmem>>
        %dma_start3A_110 = tpu.memref_squeeze %dma_start3A_109 : memref<1x500xi32, #tpu.memory_space<vmem>> -> memref<500xi32, #tpu.memory_space<vmem>>
        %dma_start3A_111 = arith.constant 0 : i32
        %dma_start3A_112 = arith.constant 0 : i32
        %dma_start3A_113 = tpu.memref_slice %arg13[%dma_start3A_111, %dma_start3A_112] : memref<10240x32xf32, #tpu.memory_space<vmem_shared>> -> memref<10240x32xf32, #tpu.memory_space<vmem_shared>>
        tpu.enqueue_indirect_dma source(%arg12 : memref<500x32xf32, #tpu.memory_space<vmem>>) target(%dma_start3A_113 : memref<10240x32xf32, #tpu.memory_space<vmem_shared>>) offsets(%dma_start3A_110 : memref<500xi32, #tpu.memory_space<vmem>>) semaphore(%run_scoped3A : memref<!tpu.dma_semaphore, #tpu.memory_space<semaphore_mem>>) {add = true}
        %dma_wait3A_114 = arith.constant 0 : i32
        %dma_wait3A_115 = tpu.memref_slice %arg8[%add3A_94, %dma_wait3A_114] : memref<20x500xi32, #tpu.memory_space<vmem>> -> memref<1x500xi32, #tpu.memory_space<vmem>>
        %dma_wait3A_116 = tpu.memref_squeeze %dma_wait3A_115 : memref<1x500xi32, #tpu.memory_space<vmem>> -> memref<500xi32, #tpu.memory_space<vmem>>
        %dma_wait3A_117 = arith.constant 0 : i32
        %dma_wait3A_118 = arith.constant 0 : i32
        %dma_wait3A_119 = tpu.memref_slice %arg13[%dma_wait3A_117, %dma_wait3A_118] : memref<10240x32xf32, #tpu.memory_space<vmem_shared>> -> memref<10240x32xf32, #tpu.memory_space<vmem_shared>>
        tpu.wait_indirect_dma semaphore(%run_scoped3A : memref<!tpu.dma_semaphore, #tpu.memory_space<semaphore_mem>>) src(%arg12 : memref<500x32xf32, #tpu.memory_space<vmem>>) dst(%dma_wait3A_119 : memref<10240x32xf32, #tpu.memory_space<vmem_shared>>)
        tpu.yield
      }) : () -> ()
      %add3A_101 = arith.constant 4 : i32
      %add3A_102 = arith.addi %add3A_94, %add3A_101 : i32
      %lt3A_103 = arith.constant 20 : i32
      %lt3A_104 = arith.cmpi slt, %add3A_102, %lt3A_103 : i32
      %convert_element_type3A_105 = arith.extui %lt3A_104 : i1 to i32
      %cond3A_106 = arith.constant 0 : i32
      %cond3A_107 = arith.cmpi ne, %convert_element_type3A_105, %cond3A_106 : i32
      scf.if %cond3A_107 {
        %add3A_108 = arith.constant 4 : i32
        %add3A_109 = arith.addi %add3A_94, %add3A_108 : i32
        %dma_start3A_110 = arith.constant 0 : i32
        %dma_start3A_111 = tpu.memref_slice %arg7[%add3A_109, %dma_start3A_110] : memref<20x500xi32, #tpu.memory_space<vmem>> -> memref<1x500xi32, #tpu.memory_space<vmem>>
        %dma_start3A_112 = tpu.memref_squeeze %dma_start3A_111 : memref<1x500xi32, #tpu.memory_space<vmem>> -> memref<500xi32, #tpu.memory_space<vmem>>
        %dma_start3A_113 = arith.constant 0 : i32
        %dma_start3A_114 = arith.constant 0 : i32
        %dma_start3A_115 = tpu.memref_slice %arg2[%dma_start3A_113, %dma_start3A_114] : memref<10240x32xf32, #tpu.memory_space<hbm>> -> memref<10240x32xf32, #tpu.memory_space<hbm>>
        tpu.enqueue_indirect_dma source(%dma_start3A_115 : memref<10240x32xf32, #tpu.memory_space<hbm>>) target(%arg12 : memref<500x32xf32, #tpu.memory_space<vmem>>) offsets(%dma_start3A_112 : memref<500xi32, #tpu.memory_space<vmem>>) semaphore(%arg17 : memref<!tpu.dma_semaphore, #tpu.memory_space<semaphore_mem>>)
      } else {
      }
    }
    %scan3A_43 = arith.constant 5 : i32
    %barrier3A_44 = arith.constant 0 : index
    tpu.barrier barrier_id(%barrier3A_44)
    %mul3A_45 = arith.constant 640 : i32
    %mul3A_46 = arith.muli %arg1, %mul3A_45 : i32
    %mul3A_47 = arith.constant 640 : i32
    %mul3A_48 = arith.muli %arg1, %mul3A_47 : i32
    "tpu.region"() ({
      %run_scoped3A = tpu.sem_alloc : memref<!tpu.dma_semaphore, #tpu.memory_space<semaphore_mem>>
      %dma_start3A_49 = arith.constant 0 : i32
      %dma_start3A_50 = tpu.memref_slice %arg6[%arg0, %mul3A_48, %dma_start3A_49] : memref<2x10240x32xf32, #tpu.memory_space<hbm>> -> memref<1x640x32xf32, #tpu.memory_space<hbm>>
      %dma_start3A_51 = tpu.memref_squeeze %dma_start3A_50 : memref<1x640x32xf32, #tpu.memory_space<hbm>> -> memref<640x32xf32, #tpu.memory_space<hbm>>
      %dma_start3A_52 = arith.constant 0 : i32
      %dma_start3A_53 = tpu.memref_slice %arg13[%mul3A_46, %dma_start3A_52] : memref<10240x32xf32, #tpu.memory_space<vmem_shared>> -> memref<640x32xf32, #tpu.memory_space<vmem_shared>>
      tpu.enqueue_dma source(%dma_start3A_53 : memref<640x32xf32, #tpu.memory_space<vmem_shared>>) target(%dma_start3A_51 : memref<640x32xf32, #tpu.memory_space<hbm>>) target_semaphore(%run_scoped3A : memref<!tpu.dma_semaphore, #tpu.memory_space<semaphore_mem>>)
      %dma_wait3A = arith.constant 0 : i32
      %dma_wait3A_54 = tpu.memref_slice %arg6[%arg0, %mul3A_48, %dma_wait3A] : memref<2x10240x32xf32, #tpu.memory_space<hbm>> -> memref<1x640x32xf32, #tpu.memory_space<hbm>>
      %dma_wait3A_55 = tpu.memref_squeeze %dma_wait3A_54 : memref<1x640x32xf32, #tpu.memory_space<hbm>> -> memref<640x32xf32, #tpu.memory_space<hbm>>
      %dma_wait3A_56 = arith.constant 0 : i32
      %dma_wait3A_57 = tpu.memref_slice %arg13[%mul3A_46, %dma_wait3A_56] : memref<10240x32xf32, #tpu.memory_space<vmem_shared>> -> memref<640x32xf32, #tpu.memory_space<vmem_shared>>
      tpu.wait_dma2 semaphore(%run_scoped3A : memref<!tpu.dma_semaphore, #tpu.memory_space<semaphore_mem>>) src(%dma_wait3A_57 : memref<640x32xf32, #tpu.memory_space<vmem_shared>>) dst(%dma_wait3A_55 : memref<640x32xf32, #tpu.memory_space<hbm>>)
      tpu.yield
    }) : () -> ()
    return
  }
}

#map = affine_map<(d0, d1) -> (0, 0)>
#map1 = affine_map<(d0, d1) -> (0, 0, 0)>
module attributes {stable_mosaic.version = 14 : i64} {
  func.func @_deg_body(%arg0: i32, %arg1: i32, %arg2: memref<640x500xi32, #tpu.memory_space<hbm>>, %arg3: memref<500x16xf32, #tpu.memory_space<hbm>>, %arg4: memref<640x16xf32, #tpu.memory_space<hbm>>, %arg5: memref<2x10240x16xf32, #tpu.memory_space<hbm>>, %arg6: memref<20x500xi32, #tpu.memory_space<vmem>>, %arg7: memref<500x16xf32, #tpu.memory_space<vmem>>, %arg8: memref<10240x16xf32, #tpu.memory_space<vmem_shared>>, %arg9: memref<!tpu.dma_semaphore, #tpu.memory_space<semaphore_mem>>) attributes {dimension_semantics = [#tpu.dimension_semantics<core_parallel>, #tpu.dimension_semantics<subcore_parallel>], iteration_bounds = array<i64: 2, 16>, scalar_prefetch = 0 : i64, scratch_operands = 4 : i64, tpu.core_type = #tpu.core_type<sc_vector_subcore>, window_params = [{transform_indices = #map}, {transform_indices = #map}, {transform_indices = #map}, {transform_indices = #map1}]} {
    %mul3A = arith.constant 16 : i32
    %mul3A_0 = arith.muli %arg0, %mul3A : i32
    %add3A = arith.addi %mul3A_0, %arg1 : i32
    %mul3A_1 = arith.constant 20 : i32
    %mul3A_2 = arith.muli %add3A, %mul3A_1 : i32
    "tpu.region"() ({
      %run_scoped3A = tpu.sem_alloc : memref<!tpu.dma_semaphore, #tpu.memory_space<semaphore_mem>>
      %dma_start3A = arith.constant 0 : i32
      %dma_start3A_21 = tpu.memref_slice %arg2[%mul3A_2, %dma_start3A] : memref<640x500xi32, #tpu.memory_space<hbm>> -> memref<20x500xi32, #tpu.memory_space<hbm>>
      %dma_start3A_22 = arith.constant 0 : i32
      %dma_start3A_23 = tpu.memref_slice %arg2[%mul3A_2, %dma_start3A_22] : memref<640x500xi32, #tpu.memory_space<hbm>> -> memref<20x500xi32, #tpu.memory_space<hbm>>
      tpu.enqueue_dma source(%dma_start3A_23 : memref<20x500xi32, #tpu.memory_space<hbm>>) target(%arg6 : memref<20x500xi32, #tpu.memory_space<vmem>>) target_semaphore(%run_scoped3A : memref<!tpu.dma_semaphore, #tpu.memory_space<semaphore_mem>>)
      %dma_wait3A = arith.constant 0 : i32
      %dma_wait3A_24 = tpu.memref_slice %arg2[%mul3A_2, %dma_wait3A] : memref<640x500xi32, #tpu.memory_space<hbm>> -> memref<20x500xi32, #tpu.memory_space<hbm>>
      %dma_wait3A_25 = arith.constant 0 : i32
      %dma_wait3A_26 = tpu.memref_slice %arg2[%mul3A_2, %dma_wait3A_25] : memref<640x500xi32, #tpu.memory_space<hbm>> -> memref<20x500xi32, #tpu.memory_space<hbm>>
      tpu.wait_dma2 semaphore(%run_scoped3A : memref<!tpu.dma_semaphore, #tpu.memory_space<semaphore_mem>>) src(%dma_wait3A_26 : memref<20x500xi32, #tpu.memory_space<hbm>>) dst(%arg6 : memref<20x500xi32, #tpu.memory_space<vmem>>)
      tpu.yield
    }) : () -> ()
    "tpu.region"() ({
      %run_scoped3A = tpu.sem_alloc : memref<!tpu.dma_semaphore, #tpu.memory_space<semaphore_mem>>
      tpu.enqueue_dma source(%arg3 : memref<500x16xf32, #tpu.memory_space<hbm>>) target(%arg7 : memref<500x16xf32, #tpu.memory_space<vmem>>) target_semaphore(%run_scoped3A : memref<!tpu.dma_semaphore, #tpu.memory_space<semaphore_mem>>)
      tpu.wait_dma2 semaphore(%run_scoped3A : memref<!tpu.dma_semaphore, #tpu.memory_space<semaphore_mem>>) src(%arg3 : memref<500x16xf32, #tpu.memory_space<hbm>>) dst(%arg7 : memref<500x16xf32, #tpu.memory_space<vmem>>)
      tpu.yield
    }) : () -> ()
    %mul3A_3 = arith.constant 640 : i32
    %mul3A_4 = arith.muli %arg1, %mul3A_3 : i32
    "tpu.region"() ({
      %run_scoped3A = tpu.sem_alloc : memref<!tpu.dma_semaphore, #tpu.memory_space<semaphore_mem>>
      %dma_start3A = arith.constant 0 : i32
      %dma_start3A_21 = tpu.memref_slice %arg8[%mul3A_4, %dma_start3A] : memref<10240x16xf32, #tpu.memory_space<vmem_shared>> -> memref<640x16xf32, #tpu.memory_space<vmem_shared>>
      tpu.enqueue_dma source(%arg4 : memref<640x16xf32, #tpu.memory_space<hbm>>) target(%dma_start3A_21 : memref<640x16xf32, #tpu.memory_space<vmem_shared>>) target_semaphore(%run_scoped3A : memref<!tpu.dma_semaphore, #tpu.memory_space<semaphore_mem>>)
      %dma_wait3A = arith.constant 0 : i32
      %dma_wait3A_22 = tpu.memref_slice %arg8[%mul3A_4, %dma_wait3A] : memref<10240x16xf32, #tpu.memory_space<vmem_shared>> -> memref<640x16xf32, #tpu.memory_space<vmem_shared>>
      tpu.wait_dma2 semaphore(%run_scoped3A : memref<!tpu.dma_semaphore, #tpu.memory_space<semaphore_mem>>) src(%arg4 : memref<640x16xf32, #tpu.memory_space<hbm>>) dst(%dma_wait3A_22 : memref<640x16xf32, #tpu.memory_space<vmem_shared>>)
      tpu.yield
    }) : () -> ()
    %barrier3A = arith.constant 0 : index
    tpu.barrier barrier_id(%barrier3A)
    %scan3A = arith.constant 0 : i32
    %scan3A_5 = arith.constant 0 : i32
    %scan3A_6 = arith.constant 20 : i32
    %scan3A_7 = arith.addi %scan3A_5, %scan3A_6 : i32
    %scan3A_8 = arith.constant 1 : i32
    scf.for %scan3A_21 = %scan3A_5 to %scan3A_7 step %scan3A_8  : i32 {
      %dma_start3A = arith.constant 0 : i32
      %dma_start3A_22 = tpu.memref_slice %arg6[%scan3A_21, %dma_start3A] : memref<20x500xi32, #tpu.memory_space<vmem>> -> memref<1x500xi32, #tpu.memory_space<vmem>>
      %dma_start3A_23 = tpu.memref_squeeze %dma_start3A_22 : memref<1x500xi32, #tpu.memory_space<vmem>> -> memref<500xi32, #tpu.memory_space<vmem>>
      %dma_start3A_24 = arith.constant 0 : i32
      %dma_start3A_25 = arith.constant 0 : i32
      %dma_start3A_26 = tpu.memref_slice %arg8[%dma_start3A_24, %dma_start3A_25] : memref<10240x16xf32, #tpu.memory_space<vmem_shared>> -> memref<10240x16xf32, #tpu.memory_space<vmem_shared>>
      tpu.enqueue_indirect_dma source(%arg7 : memref<500x16xf32, #tpu.memory_space<vmem>>) target(%dma_start3A_26 : memref<10240x16xf32, #tpu.memory_space<vmem_shared>>) offsets(%dma_start3A_23 : memref<500xi32, #tpu.memory_space<vmem>>) semaphore(%arg9 : memref<!tpu.dma_semaphore, #tpu.memory_space<semaphore_mem>>) {add = true}
    }
    %scan3A_9 = arith.constant 20 : i32
    %scan3A_10 = arith.constant 0 : i32
    %scan3A_11 = arith.constant 0 : i32
    %scan3A_12 = arith.constant 20 : i32
    %scan3A_13 = arith.addi %scan3A_11, %scan3A_12 : i32
    %scan3A_14 = arith.constant 1 : i32
    scf.for %scan3A_21 = %scan3A_11 to %scan3A_13 step %scan3A_14  : i32 {
      %dma_wait3A = arith.constant 0 : i32
      %dma_wait3A_22 = arith.constant 0 : i32
      %dma_wait3A_23 = tpu.memref_slice %arg6[%dma_wait3A, %dma_wait3A_22] : memref<20x500xi32, #tpu.memory_space<vmem>> -> memref<1x500xi32, #tpu.memory_space<vmem>>
      %dma_wait3A_24 = tpu.memref_squeeze %dma_wait3A_23 : memref<1x500xi32, #tpu.memory_space<vmem>> -> memref<500xi32, #tpu.memory_space<vmem>>
      %dma_wait3A_25 = arith.constant 0 : i32
      %dma_wait3A_26 = arith.constant 0 : i32
      %dma_wait3A_27 = tpu.memref_slice %arg8[%dma_wait3A_25, %dma_wait3A_26] : memref<10240x16xf32, #tpu.memory_space<vmem_shared>> -> memref<10240x16xf32, #tpu.memory_space<vmem_shared>>
      tpu.wait_indirect_dma semaphore(%arg9 : memref<!tpu.dma_semaphore, #tpu.memory_space<semaphore_mem>>) src(%arg7 : memref<500x16xf32, #tpu.memory_space<vmem>>) dst(%dma_wait3A_27 : memref<10240x16xf32, #tpu.memory_space<vmem_shared>>)
    }
    %scan3A_15 = arith.constant 20 : i32
    %barrier3A_16 = arith.constant 0 : index
    tpu.barrier barrier_id(%barrier3A_16)
    %mul3A_17 = arith.constant 640 : i32
    %mul3A_18 = arith.muli %arg1, %mul3A_17 : i32
    %mul3A_19 = arith.constant 640 : i32
    %mul3A_20 = arith.muli %arg1, %mul3A_19 : i32
    "tpu.region"() ({
      %run_scoped3A = tpu.sem_alloc : memref<!tpu.dma_semaphore, #tpu.memory_space<semaphore_mem>>
      %dma_start3A = arith.constant 0 : i32
      %dma_start3A_21 = tpu.memref_slice %arg5[%arg0, %mul3A_20, %dma_start3A] : memref<2x10240x16xf32, #tpu.memory_space<hbm>> -> memref<1x640x16xf32, #tpu.memory_space<hbm>>
      %dma_start3A_22 = tpu.memref_squeeze %dma_start3A_21 : memref<1x640x16xf32, #tpu.memory_space<hbm>> -> memref<640x16xf32, #tpu.memory_space<hbm>>
      %dma_start3A_23 = arith.constant 0 : i32
      %dma_start3A_24 = tpu.memref_slice %arg8[%mul3A_18, %dma_start3A_23] : memref<10240x16xf32, #tpu.memory_space<vmem_shared>> -> memref<640x16xf32, #tpu.memory_space<vmem_shared>>
      tpu.enqueue_dma source(%dma_start3A_24 : memref<640x16xf32, #tpu.memory_space<vmem_shared>>) target(%dma_start3A_22 : memref<640x16xf32, #tpu.memory_space<hbm>>) target_semaphore(%run_scoped3A : memref<!tpu.dma_semaphore, #tpu.memory_space<semaphore_mem>>)
      %dma_wait3A = arith.constant 0 : i32
      %dma_wait3A_25 = tpu.memref_slice %arg5[%arg0, %mul3A_20, %dma_wait3A] : memref<2x10240x16xf32, #tpu.memory_space<hbm>> -> memref<1x640x16xf32, #tpu.memory_space<hbm>>
      %dma_wait3A_26 = tpu.memref_squeeze %dma_wait3A_25 : memref<1x640x16xf32, #tpu.memory_space<hbm>> -> memref<640x16xf32, #tpu.memory_space<hbm>>
      %dma_wait3A_27 = arith.constant 0 : i32
      %dma_wait3A_28 = tpu.memref_slice %arg8[%mul3A_18, %dma_wait3A_27] : memref<10240x16xf32, #tpu.memory_space<vmem_shared>> -> memref<640x16xf32, #tpu.memory_space<vmem_shared>>
      tpu.wait_dma2 semaphore(%run_scoped3A : memref<!tpu.dma_semaphore, #tpu.memory_space<semaphore_mem>>) src(%dma_wait3A_28 : memref<640x16xf32, #tpu.memory_space<vmem_shared>>) dst(%dma_wait3A_26 : memref<640x16xf32, #tpu.memory_space<hbm>>)
      tpu.yield
    }) : () -> ()
    return
  }
}

#map = affine_map<(d0, d1) -> (0, 0)>
#map1 = affine_map<(d0, d1) -> (0, 0, 0)>
module attributes {stable_mosaic.version = 14 : i64} {
  func.func @_scatter_body(%arg0: i32, %arg1: i32, %arg2: memref<10240x128xf32, #tpu.memory_space<hbm>>, %arg3: memref<2560x125xi32, #tpu.memory_space<hbm>>, %arg4: memref<2560x125xi32, #tpu.memory_space<hbm>>, %arg5: memref<640x128xf32, #tpu.memory_space<hbm>>, %arg6: memref<2x10240x128xf32, #tpu.memory_space<hbm>>, %arg7: memref<16x125xi32, #tpu.memory_space<vmem>>, %arg8: memref<16x125xi32, #tpu.memory_space<vmem>>, %arg9: memref<125x128xf32, #tpu.memory_space<vmem>>, %arg10: memref<125x128xf32, #tpu.memory_space<vmem>>, %arg11: memref<10240x128xf32, #tpu.memory_space<vmem_shared>>, %arg12: memref<!tpu.dma_semaphore, #tpu.memory_space<semaphore_mem>>, %arg13: memref<!tpu.dma_semaphore, #tpu.memory_space<semaphore_mem>>) attributes {dimension_semantics = [#tpu.dimension_semantics<core_parallel>, #tpu.dimension_semantics<subcore_parallel>], iteration_bounds = array<i64: 2, 16>, scalar_prefetch = 0 : i64, scratch_operands = 7 : i64, tpu.core_type = #tpu.core_type<sc_vector_subcore>, window_params = [{transform_indices = #map}, {transform_indices = #map}, {transform_indices = #map}, {transform_indices = #map}, {transform_indices = #map1}]} {
    %mul3A = arith.constant 16 : i32
    %mul3A_0 = arith.muli %arg0, %mul3A : i32
    %add3A = arith.addi %mul3A_0, %arg1 : i32
    %eq3A = arith.constant 0 : i32
    %eq3A_1 = arith.cmpi eq, %arg0, %eq3A : i32
    %convert_element_type3A = arith.extui %eq3A_1 : i1 to i32
    %cond3A = arith.constant 0 : i32
    %cond3A_2 = arith.cmpi ne, %convert_element_type3A, %cond3A : i32
    scf.if %cond3A_2 {
      %mul3A_18 = arith.constant 640 : i32
      %mul3A_19 = arith.muli %arg1, %mul3A_18 : i32
      %mul3A_20 = arith.constant 640 : i32
      %mul3A_21 = arith.muli %arg1, %mul3A_20 : i32
      "tpu.region"() ({
        %run_scoped3A = tpu.sem_alloc : memref<!tpu.dma_semaphore, #tpu.memory_space<semaphore_mem>>
        %dma_start3A = arith.constant 0 : i32
        %dma_start3A_22 = tpu.memref_slice %arg11[%mul3A_21, %dma_start3A] : memref<10240x128xf32, #tpu.memory_space<vmem_shared>> -> memref<640x128xf32, #tpu.memory_space<vmem_shared>>
        %dma_start3A_23 = arith.constant 0 : i32
        %dma_start3A_24 = tpu.memref_slice %arg2[%mul3A_19, %dma_start3A_23] : memref<10240x128xf32, #tpu.memory_space<hbm>> -> memref<640x128xf32, #tpu.memory_space<hbm>>
        tpu.enqueue_dma source(%dma_start3A_24 : memref<640x128xf32, #tpu.memory_space<hbm>>) target(%dma_start3A_22 : memref<640x128xf32, #tpu.memory_space<vmem_shared>>) target_semaphore(%run_scoped3A : memref<!tpu.dma_semaphore, #tpu.memory_space<semaphore_mem>>)
        %dma_wait3A = arith.constant 0 : i32
        %dma_wait3A_25 = tpu.memref_slice %arg11[%mul3A_21, %dma_wait3A] : memref<10240x128xf32, #tpu.memory_space<vmem_shared>> -> memref<640x128xf32, #tpu.memory_space<vmem_shared>>
        %dma_wait3A_26 = arith.constant 0 : i32
        %dma_wait3A_27 = tpu.memref_slice %arg2[%mul3A_19, %dma_wait3A_26] : memref<10240x128xf32, #tpu.memory_space<hbm>> -> memref<640x128xf32, #tpu.memory_space<hbm>>
        tpu.wait_dma2 semaphore(%run_scoped3A : memref<!tpu.dma_semaphore, #tpu.memory_space<semaphore_mem>>) src(%dma_wait3A_27 : memref<640x128xf32, #tpu.memory_space<hbm>>) dst(%dma_wait3A_25 : memref<640x128xf32, #tpu.memory_space<vmem_shared>>)
        tpu.yield
      }) : () -> ()
    } else {
    }
    %eq3A_3 = arith.constant 1 : i32
    %eq3A_4 = arith.cmpi eq, %arg0, %eq3A_3 : i32
    %convert_element_type3A_5 = arith.extui %eq3A_4 : i1 to i32
    %cond3A_6 = arith.constant 0 : i32
    %cond3A_7 = arith.cmpi ne, %convert_element_type3A_5, %cond3A_6 : i32
    scf.if %cond3A_7 {
      %mul3A_18 = arith.constant 640 : i32
      %mul3A_19 = arith.muli %arg1, %mul3A_18 : i32
      "tpu.region"() ({
        %run_scoped3A = tpu.sem_alloc : memref<!tpu.dma_semaphore, #tpu.memory_space<semaphore_mem>>
        %dma_start3A = arith.constant 0 : i32
        %dma_start3A_20 = tpu.memref_slice %arg11[%mul3A_19, %dma_start3A] : memref<10240x128xf32, #tpu.memory_space<vmem_shared>> -> memref<640x128xf32, #tpu.memory_space<vmem_shared>>
        tpu.enqueue_dma source(%arg5 : memref<640x128xf32, #tpu.memory_space<hbm>>) target(%dma_start3A_20 : memref<640x128xf32, #tpu.memory_space<vmem_shared>>) target_semaphore(%run_scoped3A : memref<!tpu.dma_semaphore, #tpu.memory_space<semaphore_mem>>)
        %dma_wait3A = arith.constant 0 : i32
        %dma_wait3A_21 = tpu.memref_slice %arg11[%mul3A_19, %dma_wait3A] : memref<10240x128xf32, #tpu.memory_space<vmem_shared>> -> memref<640x128xf32, #tpu.memory_space<vmem_shared>>
        tpu.wait_dma2 semaphore(%run_scoped3A : memref<!tpu.dma_semaphore, #tpu.memory_space<semaphore_mem>>) src(%arg5 : memref<640x128xf32, #tpu.memory_space<hbm>>) dst(%dma_wait3A_21 : memref<640x128xf32, #tpu.memory_space<vmem_shared>>)
        tpu.yield
      }) : () -> ()
    } else {
    }
    %barrier3A = arith.constant 0 : index
    tpu.barrier barrier_id(%barrier3A)
    %scan3A = arith.constant 0 : i32
    %scan3A_8 = arith.constant 0 : i32
    %scan3A_9 = arith.constant 5 : i32
    %scan3A_10 = arith.addi %scan3A_8, %scan3A_9 : i32
    %scan3A_11 = arith.constant 1 : i32
    scf.for %scan3A_18 = %scan3A_8 to %scan3A_10 step %scan3A_11  : i32 {
      %mul3A_19 = arith.constant 80 : i32
      %mul3A_20 = arith.muli %add3A, %mul3A_19 : i32
      %mul3A_21 = arith.constant 16 : i32
      %mul3A_22 = arith.muli %scan3A_18, %mul3A_21 : i32
      %add3A_23 = arith.addi %mul3A_20, %mul3A_22 : i32
      "tpu.region"() ({
        %run_scoped3A = tpu.sem_alloc : memref<!tpu.dma_semaphore, #tpu.memory_space<semaphore_mem>>
        %dma_start3A_43 = arith.constant 0 : i32
        %dma_start3A_44 = tpu.memref_slice %arg3[%add3A_23, %dma_start3A_43] : memref<2560x125xi32, #tpu.memory_space<hbm>> -> memref<16x125xi32, #tpu.memory_space<hbm>>
        %dma_start3A_45 = arith.constant 0 : i32
        %dma_start3A_46 = tpu.memref_slice %arg3[%add3A_23, %dma_start3A_45] : memref<2560x125xi32, #tpu.memory_space<hbm>> -> memref<16x125xi32, #tpu.memory_space<hbm>>
        tpu.enqueue_dma source(%dma_start3A_46 : memref<16x125xi32, #tpu.memory_space<hbm>>) target(%arg7 : memref<16x125xi32, #tpu.memory_space<vmem>>) target_semaphore(%run_scoped3A : memref<!tpu.dma_semaphore, #tpu.memory_space<semaphore_mem>>)
        %dma_wait3A = arith.constant 0 : i32
        %dma_wait3A_47 = tpu.memref_slice %arg3[%add3A_23, %dma_wait3A] : memref<2560x125xi32, #tpu.memory_space<hbm>> -> memref<16x125xi32, #tpu.memory_space<hbm>>
        %dma_wait3A_48 = arith.constant 0 : i32
        %dma_wait3A_49 = tpu.memref_slice %arg3[%add3A_23, %dma_wait3A_48] : memref<2560x125xi32, #tpu.memory_space<hbm>> -> memref<16x125xi32, #tpu.memory_space<hbm>>
        tpu.wait_dma2 semaphore(%run_scoped3A : memref<!tpu.dma_semaphore, #tpu.memory_space<semaphore_mem>>) src(%dma_wait3A_49 : memref<16x125xi32, #tpu.memory_space<hbm>>) dst(%arg7 : memref<16x125xi32, #tpu.memory_space<vmem>>)
        tpu.yield
      }) : () -> ()
      "tpu.region"() ({
        %run_scoped3A = tpu.sem_alloc : memref<!tpu.dma_semaphore, #tpu.memory_space<semaphore_mem>>
        %dma_start3A_43 = arith.constant 0 : i32
        %dma_start3A_44 = tpu.memref_slice %arg4[%add3A_23, %dma_start3A_43] : memref<2560x125xi32, #tpu.memory_space<hbm>> -> memref<16x125xi32, #tpu.memory_space<hbm>>
        %dma_start3A_45 = arith.constant 0 : i32
        %dma_start3A_46 = tpu.memref_slice %arg4[%add3A_23, %dma_start3A_45] : memref<2560x125xi32, #tpu.memory_space<hbm>> -> memref<16x125xi32, #tpu.memory_space<hbm>>
        tpu.enqueue_dma source(%dma_start3A_46 : memref<16x125xi32, #tpu.memory_space<hbm>>) target(%arg8 : memref<16x125xi32, #tpu.memory_space<vmem>>) target_semaphore(%run_scoped3A : memref<!tpu.dma_semaphore, #tpu.memory_space<semaphore_mem>>)
        %dma_wait3A = arith.constant 0 : i32
        %dma_wait3A_47 = tpu.memref_slice %arg4[%add3A_23, %dma_wait3A] : memref<2560x125xi32, #tpu.memory_space<hbm>> -> memref<16x125xi32, #tpu.memory_space<hbm>>
        %dma_wait3A_48 = arith.constant 0 : i32
        %dma_wait3A_49 = tpu.memref_slice %arg4[%add3A_23, %dma_wait3A_48] : memref<2560x125xi32, #tpu.memory_space<hbm>> -> memref<16x125xi32, #tpu.memory_space<hbm>>
        tpu.wait_dma2 semaphore(%run_scoped3A : memref<!tpu.dma_semaphore, #tpu.memory_space<semaphore_mem>>) src(%dma_wait3A_49 : memref<16x125xi32, #tpu.memory_space<hbm>>) dst(%arg8 : memref<16x125xi32, #tpu.memory_space<vmem>>)
        tpu.yield
      }) : () -> ()
      %dma_start3A = arith.constant 0 : i32
      %dma_start3A_24 = arith.constant 0 : i32
      %dma_start3A_25 = tpu.memref_slice %arg7[%dma_start3A, %dma_start3A_24] : memref<16x125xi32, #tpu.memory_space<vmem>> -> memref<1x125xi32, #tpu.memory_space<vmem>>
      %dma_start3A_26 = tpu.memref_squeeze %dma_start3A_25 : memref<1x125xi32, #tpu.memory_space<vmem>> -> memref<125xi32, #tpu.memory_space<vmem>>
      %dma_start3A_27 = arith.constant 0 : i32
      %dma_start3A_28 = arith.constant 0 : i32
      %dma_start3A_29 = tpu.memref_slice %arg2[%dma_start3A_27, %dma_start3A_28] : memref<10240x128xf32, #tpu.memory_space<hbm>> -> memref<10240x128xf32, #tpu.memory_space<hbm>>
      tpu.enqueue_indirect_dma source(%dma_start3A_29 : memref<10240x128xf32, #tpu.memory_space<hbm>>) target(%arg9 : memref<125x128xf32, #tpu.memory_space<vmem>>) offsets(%dma_start3A_26 : memref<125xi32, #tpu.memory_space<vmem>>) semaphore(%arg12 : memref<!tpu.dma_semaphore, #tpu.memory_space<semaphore_mem>>)
      %dma_start3A_30 = arith.constant 1 : i32
      %dma_start3A_31 = arith.constant 0 : i32
      %dma_start3A_32 = tpu.memref_slice %arg7[%dma_start3A_30, %dma_start3A_31] : memref<16x125xi32, #tpu.memory_space<vmem>> -> memref<1x125xi32, #tpu.memory_space<vmem>>
      %dma_start3A_33 = tpu.memref_squeeze %dma_start3A_32 : memref<1x125xi32, #tpu.memory_space<vmem>> -> memref<125xi32, #tpu.memory_space<vmem>>
      %dma_start3A_34 = arith.constant 0 : i32
      %dma_start3A_35 = arith.constant 0 : i32
      %dma_start3A_36 = tpu.memref_slice %arg2[%dma_start3A_34, %dma_start3A_35] : memref<10240x128xf32, #tpu.memory_space<hbm>> -> memref<10240x128xf32, #tpu.memory_space<hbm>>
      tpu.enqueue_indirect_dma source(%dma_start3A_36 : memref<10240x128xf32, #tpu.memory_space<hbm>>) target(%arg10 : memref<125x128xf32, #tpu.memory_space<vmem>>) offsets(%dma_start3A_33 : memref<125xi32, #tpu.memory_space<vmem>>) semaphore(%arg13 : memref<!tpu.dma_semaphore, #tpu.memory_space<semaphore_mem>>)
      %scan3A_37 = arith.constant 0 : i32
      %scan3A_38 = arith.constant 0 : i32
      %scan3A_39 = arith.constant 8 : i32
      %scan3A_40 = arith.addi %scan3A_38, %scan3A_39 : i32
      %scan3A_41 = arith.constant 1 : i32
      scf.for %scan3A_43 = %scan3A_38 to %scan3A_40 step %scan3A_41  : i32 {
        %mul3A_44 = arith.constant 2 : i32
        %mul3A_45 = arith.muli %mul3A_44, %scan3A_43 : i32
        %dma_wait3A = arith.constant 0 : i32
        %dma_wait3A_46 = tpu.memref_slice %arg7[%mul3A_45, %dma_wait3A] : memref<16x125xi32, #tpu.memory_space<vmem>> -> memref<1x125xi32, #tpu.memory_space<vmem>>
        %dma_wait3A_47 = tpu.memref_squeeze %dma_wait3A_46 : memref<1x125xi32, #tpu.memory_space<vmem>> -> memref<125xi32, #tpu.memory_space<vmem>>
        %dma_wait3A_48 = arith.constant 0 : i32
        %dma_wait3A_49 = arith.constant 0 : i32
        %dma_wait3A_50 = tpu.memref_slice %arg2[%dma_wait3A_48, %dma_wait3A_49] : memref<10240x128xf32, #tpu.memory_space<hbm>> -> memref<10240x128xf32, #tpu.memory_space<hbm>>
        tpu.wait_indirect_dma semaphore(%arg12 : memref<!tpu.dma_semaphore, #tpu.memory_space<semaphore_mem>>) src(%dma_wait3A_50 : memref<10240x128xf32, #tpu.memory_space<hbm>>) dst(%arg9 : memref<125x128xf32, #tpu.memory_space<vmem>>)
        "tpu.region"() ({
          %run_scoped3A = tpu.sem_alloc : memref<!tpu.dma_semaphore, #tpu.memory_space<semaphore_mem>>
          %dma_start3A_74 = arith.constant 0 : i32
          %dma_start3A_75 = tpu.memref_slice %arg8[%mul3A_45, %dma_start3A_74] : memref<16x125xi32, #tpu.memory_space<vmem>> -> memref<1x125xi32, #tpu.memory_space<vmem>>
          %dma_start3A_76 = tpu.memref_squeeze %dma_start3A_75 : memref<1x125xi32, #tpu.memory_space<vmem>> -> memref<125xi32, #tpu.memory_space<vmem>>
          %dma_start3A_77 = arith.constant 0 : i32
          %dma_start3A_78 = arith.constant 0 : i32
          %dma_start3A_79 = tpu.memref_slice %arg11[%dma_start3A_77, %dma_start3A_78] : memref<10240x128xf32, #tpu.memory_space<vmem_shared>> -> memref<10240x128xf32, #tpu.memory_space<vmem_shared>>
          tpu.enqueue_indirect_dma source(%arg9 : memref<125x128xf32, #tpu.memory_space<vmem>>) target(%dma_start3A_79 : memref<10240x128xf32, #tpu.memory_space<vmem_shared>>) offsets(%dma_start3A_76 : memref<125xi32, #tpu.memory_space<vmem>>) semaphore(%run_scoped3A : memref<!tpu.dma_semaphore, #tpu.memory_space<semaphore_mem>>) {add = true}
          %dma_wait3A_80 = arith.constant 0 : i32
          %dma_wait3A_81 = tpu.memref_slice %arg8[%mul3A_45, %dma_wait3A_80] : memref<16x125xi32, #tpu.memory_space<vmem>> -> memref<1x125xi32, #tpu.memory_space<vmem>>
          %dma_wait3A_82 = tpu.memref_squeeze %dma_wait3A_81 : memref<1x125xi32, #tpu.memory_space<vmem>> -> memref<125xi32, #tpu.memory_space<vmem>>
          %dma_wait3A_83 = arith.constant 0 : i32
          %dma_wait3A_84 = arith.constant 0 : i32
          %dma_wait3A_85 = tpu.memref_slice %arg11[%dma_wait3A_83, %dma_wait3A_84] : memref<10240x128xf32, #tpu.memory_space<vmem_shared>> -> memref<10240x128xf32, #tpu.memory_space<vmem_shared>>
          tpu.wait_indirect_dma semaphore(%run_scoped3A : memref<!tpu.dma_semaphore, #tpu.memory_space<semaphore_mem>>) src(%arg9 : memref<125x128xf32, #tpu.memory_space<vmem>>) dst(%dma_wait3A_85 : memref<10240x128xf32, #tpu.memory_space<vmem_shared>>)
          tpu.yield
        }) : () -> ()
        %add3A_51 = arith.constant 2 : i32
        %add3A_52 = arith.addi %mul3A_45, %add3A_51 : i32
        %lt3A = arith.constant 16 : i32
        %lt3A_53 = arith.cmpi slt, %add3A_52, %lt3A : i32
        %convert_element_type3A_54 = arith.extui %lt3A_53 : i1 to i32
        %cond3A_55 = arith.constant 0 : i32
        %cond3A_56 = arith.cmpi ne, %convert_element_type3A_54, %cond3A_55 : i32
        scf.if %cond3A_56 {
          %add3A_74 = arith.constant 2 : i32
          %add3A_75 = arith.addi %mul3A_45, %add3A_74 : i32
          %dma_start3A_76 = arith.constant 0 : i32
          %dma_start3A_77 = tpu.memref_slice %arg7[%add3A_75, %dma_start3A_76] : memref<16x125xi32, #tpu.memory_space<vmem>> -> memref<1x125xi32, #tpu.memory_space<vmem>>
          %dma_start3A_78 = tpu.memref_squeeze %dma_start3A_77 : memref<1x125xi32, #tpu.memory_space<vmem>> -> memref<125xi32, #tpu.memory_space<vmem>>
          %dma_start3A_79 = arith.constant 0 : i32
          %dma_start3A_80 = arith.constant 0 : i32
          %dma_start3A_81 = tpu.memref_slice %arg2[%dma_start3A_79, %dma_start3A_80] : memref<10240x128xf32, #tpu.memory_space<hbm>> -> memref<10240x128xf32, #tpu.memory_space<hbm>>
          tpu.enqueue_indirect_dma source(%dma_start3A_81 : memref<10240x128xf32, #tpu.memory_space<hbm>>) target(%arg9 : memref<125x128xf32, #tpu.memory_space<vmem>>) offsets(%dma_start3A_78 : memref<125xi32, #tpu.memory_space<vmem>>) semaphore(%arg12 : memref<!tpu.dma_semaphore, #tpu.memory_space<semaphore_mem>>)
        } else {
        }
        %add3A_57 = arith.constant 1 : i32
        %add3A_58 = arith.addi %mul3A_45, %add3A_57 : i32
        %dma_wait3A_59 = arith.constant 0 : i32
        %dma_wait3A_60 = tpu.memref_slice %arg7[%add3A_58, %dma_wait3A_59] : memref<16x125xi32, #tpu.memory_space<vmem>> -> memref<1x125xi32, #tpu.memory_space<vmem>>
        %dma_wait3A_61 = tpu.memref_squeeze %dma_wait3A_60 : memref<1x125xi32, #tpu.memory_space<vmem>> -> memref<125xi32, #tpu.memory_space<vmem>>
        %dma_wait3A_62 = arith.constant 0 : i32
        %dma_wait3A_63 = arith.constant 0 : i32
        %dma_wait3A_64 = tpu.memref_slice %arg2[%dma_wait3A_62, %dma_wait3A_63] : memref<10240x128xf32, #tpu.memory_space<hbm>> -> memref<10240x128xf32, #tpu.memory_space<hbm>>
        tpu.wait_indirect_dma semaphore(%arg13 : memref<!tpu.dma_semaphore, #tpu.memory_space<semaphore_mem>>) src(%dma_wait3A_64 : memref<10240x128xf32, #tpu.memory_space<hbm>>) dst(%arg10 : memref<125x128xf32, #tpu.memory_space<vmem>>)
        %add3A_65 = arith.constant 1 : i32
        %add3A_66 = arith.addi %mul3A_45, %add3A_65 : i32
        "tpu.region"() ({
          %run_scoped3A = tpu.sem_alloc : memref<!tpu.dma_semaphore, #tpu.memory_space<semaphore_mem>>
          %dma_start3A_74 = arith.constant 0 : i32
          %dma_start3A_75 = tpu.memref_slice %arg8[%add3A_66, %dma_start3A_74] : memref<16x125xi32, #tpu.memory_space<vmem>> -> memref<1x125xi32, #tpu.memory_space<vmem>>
          %dma_start3A_76 = tpu.memref_squeeze %dma_start3A_75 : memref<1x125xi32, #tpu.memory_space<vmem>> -> memref<125xi32, #tpu.memory_space<vmem>>
          %dma_start3A_77 = arith.constant 0 : i32
          %dma_start3A_78 = arith.constant 0 : i32
          %dma_start3A_79 = tpu.memref_slice %arg11[%dma_start3A_77, %dma_start3A_78] : memref<10240x128xf32, #tpu.memory_space<vmem_shared>> -> memref<10240x128xf32, #tpu.memory_space<vmem_shared>>
          tpu.enqueue_indirect_dma source(%arg10 : memref<125x128xf32, #tpu.memory_space<vmem>>) target(%dma_start3A_79 : memref<10240x128xf32, #tpu.memory_space<vmem_shared>>) offsets(%dma_start3A_76 : memref<125xi32, #tpu.memory_space<vmem>>) semaphore(%run_scoped3A : memref<!tpu.dma_semaphore, #tpu.memory_space<semaphore_mem>>) {add = true}
          %dma_wait3A_80 = arith.constant 0 : i32
          %dma_wait3A_81 = tpu.memref_slice %arg8[%add3A_66, %dma_wait3A_80] : memref<16x125xi32, #tpu.memory_space<vmem>> -> memref<1x125xi32, #tpu.memory_space<vmem>>
          %dma_wait3A_82 = tpu.memref_squeeze %dma_wait3A_81 : memref<1x125xi32, #tpu.memory_space<vmem>> -> memref<125xi32, #tpu.memory_space<vmem>>
          %dma_wait3A_83 = arith.constant 0 : i32
          %dma_wait3A_84 = arith.constant 0 : i32
          %dma_wait3A_85 = tpu.memref_slice %arg11[%dma_wait3A_83, %dma_wait3A_84] : memref<10240x128xf32, #tpu.memory_space<vmem_shared>> -> memref<10240x128xf32, #tpu.memory_space<vmem_shared>>
          tpu.wait_indirect_dma semaphore(%run_scoped3A : memref<!tpu.dma_semaphore, #tpu.memory_space<semaphore_mem>>) src(%arg10 : memref<125x128xf32, #tpu.memory_space<vmem>>) dst(%dma_wait3A_85 : memref<10240x128xf32, #tpu.memory_space<vmem_shared>>)
          tpu.yield
        }) : () -> ()
        %add3A_67 = arith.constant 3 : i32
        %add3A_68 = arith.addi %mul3A_45, %add3A_67 : i32
        %lt3A_69 = arith.constant 16 : i32
        %lt3A_70 = arith.cmpi slt, %add3A_68, %lt3A_69 : i32
        %convert_element_type3A_71 = arith.extui %lt3A_70 : i1 to i32
        %cond3A_72 = arith.constant 0 : i32
        %cond3A_73 = arith.cmpi ne, %convert_element_type3A_71, %cond3A_72 : i32
        scf.if %cond3A_73 {
          %add3A_74 = arith.constant 3 : i32
          %add3A_75 = arith.addi %mul3A_45, %add3A_74 : i32
          %dma_start3A_76 = arith.constant 0 : i32
          %dma_start3A_77 = tpu.memref_slice %arg7[%add3A_75, %dma_start3A_76] : memref<16x125xi32, #tpu.memory_space<vmem>> -> memref<1x125xi32, #tpu.memory_space<vmem>>
          %dma_start3A_78 = tpu.memref_squeeze %dma_start3A_77 : memref<1x125xi32, #tpu.memory_space<vmem>> -> memref<125xi32, #tpu.memory_space<vmem>>
          %dma_start3A_79 = arith.constant 0 : i32
          %dma_start3A_80 = arith.constant 0 : i32
          %dma_start3A_81 = tpu.memref_slice %arg2[%dma_start3A_79, %dma_start3A_80] : memref<10240x128xf32, #tpu.memory_space<hbm>> -> memref<10240x128xf32, #tpu.memory_space<hbm>>
          tpu.enqueue_indirect_dma source(%dma_start3A_81 : memref<10240x128xf32, #tpu.memory_space<hbm>>) target(%arg10 : memref<125x128xf32, #tpu.memory_space<vmem>>) offsets(%dma_start3A_78 : memref<125xi32, #tpu.memory_space<vmem>>) semaphore(%arg13 : memref<!tpu.dma_semaphore, #tpu.memory_space<semaphore_mem>>)
        } else {
        }
      }
      %scan3A_42 = arith.constant 8 : i32
    }
    %scan3A_12 = arith.constant 5 : i32
    %barrier3A_13 = arith.constant 0 : index
    tpu.barrier barrier_id(%barrier3A_13)
    %mul3A_14 = arith.constant 640 : i32
    %mul3A_15 = arith.muli %arg1, %mul3A_14 : i32
    %mul3A_16 = arith.constant 640 : i32
    %mul3A_17 = arith.muli %arg1, %mul3A_16 : i32
    "tpu.region"() ({
      %run_scoped3A = tpu.sem_alloc : memref<!tpu.dma_semaphore, #tpu.memory_space<semaphore_mem>>
      %dma_start3A = arith.constant 0 : i32
      %dma_start3A_18 = tpu.memref_slice %arg6[%arg0, %mul3A_17, %dma_start3A] : memref<2x10240x128xf32, #tpu.memory_space<hbm>> -> memref<1x640x128xf32, #tpu.memory_space<hbm>>
      %dma_start3A_19 = tpu.memref_squeeze %dma_start3A_18 : memref<1x640x128xf32, #tpu.memory_space<hbm>> -> memref<640x128xf32, #tpu.memory_space<hbm>>
      %dma_start3A_20 = arith.constant 0 : i32
      %dma_start3A_21 = tpu.memref_slice %arg11[%mul3A_15, %dma_start3A_20] : memref<10240x128xf32, #tpu.memory_space<vmem_shared>> -> memref<640x128xf32, #tpu.memory_space<vmem_shared>>
      tpu.enqueue_dma source(%dma_start3A_21 : memref<640x128xf32, #tpu.memory_space<vmem_shared>>) target(%dma_start3A_19 : memref<640x128xf32, #tpu.memory_space<hbm>>) target_semaphore(%run_scoped3A : memref<!tpu.dma_semaphore, #tpu.memory_space<semaphore_mem>>)
      %dma_wait3A = arith.constant 0 : i32
      %dma_wait3A_22 = tpu.memref_slice %arg6[%arg0, %mul3A_17, %dma_wait3A] : memref<2x10240x128xf32, #tpu.memory_space<hbm>> -> memref<1x640x128xf32, #tpu.memory_space<hbm>>
      %dma_wait3A_23 = tpu.memref_squeeze %dma_wait3A_22 : memref<1x640x128xf32, #tpu.memory_space<hbm>> -> memref<640x128xf32, #tpu.memory_space<hbm>>
      %dma_wait3A_24 = arith.constant 0 : i32
      %dma_wait3A_25 = tpu.memref_slice %arg11[%mul3A_15, %dma_wait3A_24] : memref<10240x128xf32, #tpu.memory_space<vmem_shared>> -> memref<640x128xf32, #tpu.memory_space<vmem_shared>>
      tpu.wait_dma2 semaphore(%run_scoped3A : memref<!tpu.dma_semaphore, #tpu.memory_space<semaphore_mem>>) src(%dma_wait3A_25 : memref<640x128xf32, #tpu.memory_space<vmem_shared>>) dst(%dma_wait3A_23 : memref<640x128xf32, #tpu.memory_space<hbm>>)
      tpu.yield
    }) : () -> ()
    return
  }
}

module attributes {stable_mosaic.version = 14 : i64} {
  func.func @_phase_a_body(%arg0: i32, %arg1: memref<2x2000x16xf32, #tpu.memory_space<vmem>>, %arg2: memref<2000x128xf32, #tpu.memory_space<vmem>>, %arg3: memref<128x128xf32, #tpu.memory_space<vmem>>, %arg4: memref<2000x128xf32, #tpu.memory_space<vmem>>, %arg5: memref<2000x1xf32, #tpu.memory_space<vmem>>) attributes {dimension_semantics = [#tpu.dimension_semantics<arbitrary>], iteration_bounds = array<i64: 5>, scalar_prefetch = 0 : i64, scratch_operands = 0 : i64, tpu.core_type = #tpu.core_type<tc>, window_params = [{transform_indices = @transform_0, window_bounds = array<i64: 2, 2000, 16>}, {transform_indices = @transform_1, window_bounds = array<i64: 2000, 128>}, {pipeline_mode = #tpu.pipeline_mode<synchronous>, transform_indices = @transform_2, window_bounds = array<i64: 128, 128>}, {transform_indices = @transform_3, window_bounds = array<i64: 2000, 128>}, {transform_indices = @transform_4, window_bounds = array<i64: 2000, 1>}]} {
    %get3A = arith.constant 0 : index
    %get3A_0 = arith.constant 0 : index
    %get3A_1 = arith.constant 0 : index
    %get3A_2 = vector.load %arg1[%get3A, %get3A_0, %get3A_1] : memref<2x2000x16xf32, #tpu.memory_space<vmem>>, vector<1x2000x1xf32>
    %get3A_3 = vector.shape_cast %get3A_2 : vector<1x2000x1xf32> to vector<2000xf32>
    %get3A_4 = arith.constant 1 : index
    %get3A_5 = arith.constant 0 : index
    %get3A_6 = arith.constant 0 : index
    %get3A_7 = vector.load %arg1[%get3A_4, %get3A_5, %get3A_6] : memref<2x2000x16xf32, #tpu.memory_space<vmem>>, vector<1x2000x1xf32>
    %get3A_8 = vector.shape_cast %get3A_7 : vector<1x2000x1xf32> to vector<2000xf32>
    %add3A = arith.addf %get3A_3, %get3A_8 : vector<2000xf32>
    %add3A_9 = arith.constant 1.000000e+00 : f32
    %add3A_10 = vector.broadcast %add3A_9 : f32 to vector<2000xf32>
    %add3A_11 = arith.addf %add3A, %add3A_10 : vector<2000xf32>
    %rsqrt3A = math.rsqrt %add3A_11 : vector<2000xf32>
    %broadcast_in_dim3A = vector.shape_cast %rsqrt3A : vector<2000xf32> to vector<2000x1xf32>
    %get3A_12 = arith.constant 0 : index
    %get3A_13 = arith.constant 0 : index
    %get3A_14 = vector.load %arg2[%get3A_12, %get3A_13] : memref<2000x128xf32, #tpu.memory_space<vmem>>, vector<2000x128xf32>
    %mul3A = vector.broadcast %broadcast_in_dim3A : vector<2000x1xf32> to vector<2000x128xf32>
    %mul3A_15 = arith.mulf %get3A_14, %mul3A : vector<2000x128xf32>
    %get3A_16 = arith.constant 0 : index
    %get3A_17 = arith.constant 0 : index
    %get3A_18 = vector.load %arg3[%get3A_16, %get3A_17] : memref<128x128xf32, #tpu.memory_space<vmem>>, vector<128x128xf32>
    %dot_general3A = arith.constant dense<0.000000e+00> : vector<2000x128xf32>
    %dot_general3A_19 = tpu.matmul %mul3A_15, %get3A_18, %dot_general3A {dimension_numbers = #tpu.dot_dimension_numbers<[1], [0], [0], [1], [0, 0, 1, 1], [], []>, transpose_lhs_hint = false} : vector<2000x128xf32>, vector<128x128xf32>, vector<2000x128xf32> -> vector<2000x128xf32>
    %swap3A = arith.constant 0 : index
    %swap3A_20 = arith.constant 0 : index
    %swap3A_21 = vector.load %arg4[%swap3A, %swap3A_20] : memref<2000x128xf32, #tpu.memory_space<vmem>>, vector<2000x128xf32>
    tpu.vector_store %arg4[%swap3A, %swap3A_20], %dot_general3A_19 {strides = array<i32>} : memref<2000x128xf32, #tpu.memory_space<vmem>>, vector<2000x128xf32>,
    %swap3A_22 = arith.constant 0 : index
    %swap3A_23 = arith.constant 0 : index
    %swap3A_24 = vector.load %arg5[%swap3A_22, %swap3A_23] : memref<2000x1xf32, #tpu.memory_space<vmem>>, vector<2000x1xf32>
    tpu.vector_store %arg5[%swap3A_22, %swap3A_23], %broadcast_in_dim3A {strides = array<i32>} : memref<2000x1xf32, #tpu.memory_space<vmem>>, vector<2000x1xf32>,
    return
  }
  func.func @transform_0(%arg0: i32) -> (i32, i32, i32) {
    %c0_i32 = arith.constant 0 : i32
    %c0_i32_0 = arith.constant 0 : i32
    %c0_i32_1 = arith.constant 0 : i32
    return %c0_i32, %arg0, %c0_i32_0 : i32, i32, i32
  }
  func.func @transform_1(%arg0: i32) -> (i32, i32) {
    %c0_i32 = arith.constant 0 : i32
    %c0_i32_0 = arith.constant 0 : i32
    return %arg0, %c0_i32 : i32, i32
  }
  func.func @transform_2(%arg0: i32) -> (i32, i32) {
    %c0_i32 = arith.constant 0 : i32
    %c0_i32_0 = arith.constant 0 : i32
    %c0_i32_1 = arith.constant 0 : i32
    return %c0_i32, %c0_i32_0 : i32, i32
  }
  func.func @transform_3(%arg0: i32) -> (i32, i32) {
    %c0_i32 = arith.constant 0 : i32
    %c0_i32_0 = arith.constant 0 : i32
    return %arg0, %c0_i32 : i32, i32
  }
  func.func @transform_4(%arg0: i32) -> (i32, i32) {
    %c0_i32 = arith.constant 0 : i32
    %c0_i32_0 = arith.constant 0 : i32
    return %arg0, %c0_i32 : i32, i32
  }
}

module attributes {stable_mosaic.version = 14 : i64} {
  func.func @_phase_bc_body(%arg0: i32, %arg1: memref<2x2000x128xf32, #tpu.memory_space<vmem>>, %arg2: memref<2000x1xf32, #tpu.memory_space<vmem>>, %arg3: memref<1x128xf32, #tpu.memory_space<vmem>>, %arg4: memref<128x64xf32, #tpu.memory_space<vmem>>, %arg5: memref<2000x64xf32, #tpu.memory_space<vmem>>) attributes {dimension_semantics = [#tpu.dimension_semantics<arbitrary>], iteration_bounds = array<i64: 5>, scalar_prefetch = 0 : i64, scratch_operands = 0 : i64, tpu.core_type = #tpu.core_type<tc>, window_params = [{transform_indices = @transform_0, window_bounds = array<i64: 2, 2000, 128>}, {transform_indices = @transform_1, window_bounds = array<i64: 2000, 1>}, {pipeline_mode = #tpu.pipeline_mode<synchronous>, transform_indices = @transform_2, window_bounds = array<i64: 1, 128>}, {pipeline_mode = #tpu.pipeline_mode<synchronous>, transform_indices = @transform_3, window_bounds = array<i64: 128, 64>}, {transform_indices = @transform_4, window_bounds = array<i64: 2000, 64>}]} {
    %get3A = arith.constant 0 : index
    %get3A_0 = arith.constant 0 : index
    %get3A_1 = vector.load %arg2[%get3A, %get3A_0] : memref<2000x1xf32, #tpu.memory_space<vmem>>, vector<2000x1xf32>
    %get3A_2 = arith.constant 0 : index
    %get3A_3 = arith.constant 0 : index
    %get3A_4 = arith.constant 0 : index
    %get3A_5 = vector.load %arg1[%get3A_2, %get3A_3, %get3A_4] : memref<2x2000x128xf32, #tpu.memory_space<vmem>>, vector<1x2000x128xf32>
    %get3A_6 = vector.shape_cast %get3A_5 : vector<1x2000x128xf32> to vector<2000x128xf32>
    %get3A_7 = arith.constant 1 : index
    %get3A_8 = arith.constant 0 : index
    %get3A_9 = arith.constant 0 : index
    %get3A_10 = vector.load %arg1[%get3A_7, %get3A_8, %get3A_9] : memref<2x2000x128xf32, #tpu.memory_space<vmem>>, vector<1x2000x128xf32>
    %get3A_11 = vector.shape_cast %get3A_10 : vector<1x2000x128xf32> to vector<2000x128xf32>
    %add3A = arith.addf %get3A_6, %get3A_11 : vector<2000x128xf32>
    %mul3A = vector.broadcast %get3A_1 : vector<2000x1xf32> to vector<2000x128xf32>
    %mul3A_12 = arith.mulf %add3A, %mul3A : vector<2000x128xf32>
    %get3A_13 = arith.constant 0 : index
    %get3A_14 = arith.constant 0 : index
    %get3A_15 = vector.load %arg3[%get3A_13, %get3A_14] : memref<1x128xf32, #tpu.memory_space<vmem>>, vector<1x128xf32>
    %add3A_16 = vector.broadcast %get3A_15 : vector<1x128xf32> to vector<2000x128xf32>
    %add3A_17 = arith.addf %mul3A_12, %add3A_16 : vector<2000x128xf32>
    %max3A = arith.constant 0.000000e+00 : f32
    %max3A_18 = vector.broadcast %max3A : f32 to vector<2000x128xf32>
    %max3A_19 = arith.maximumf %add3A_17, %max3A_18 : vector<2000x128xf32>
    %mul3A_20 = vector.broadcast %get3A_1 : vector<2000x1xf32> to vector<2000x128xf32>
    %mul3A_21 = arith.mulf %max3A_19, %mul3A_20 : vector<2000x128xf32>
    %get3A_22 = arith.constant 0 : index
    %get3A_23 = arith.constant 0 : index
    %get3A_24 = vector.load %arg4[%get3A_22, %get3A_23] : memref<128x64xf32, #tpu.memory_space<vmem>>, vector<128x64xf32>
    %dot_general3A = arith.constant dense<0.000000e+00> : vector<2000x64xf32>
    %dot_general3A_25 = tpu.matmul %mul3A_21, %get3A_24, %dot_general3A {dimension_numbers = #tpu.dot_dimension_numbers<[1], [0], [0], [1], [0, 0, 1, 1], [], []>, transpose_lhs_hint = false} : vector<2000x128xf32>, vector<128x64xf32>, vector<2000x64xf32> -> vector<2000x64xf32>
    %swap3A = arith.constant 0 : index
    %swap3A_26 = arith.constant 0 : index
    %swap3A_27 = vector.load %arg5[%swap3A, %swap3A_26] : memref<2000x64xf32, #tpu.memory_space<vmem>>, vector<2000x64xf32>
    tpu.vector_store %arg5[%swap3A, %swap3A_26], %dot_general3A_25 {strides = array<i32>} : memref<2000x64xf32, #tpu.memory_space<vmem>>, vector<2000x64xf32>,
    return
  }
  func.func @transform_0(%arg0: i32) -> (i32, i32, i32) {
    %c0_i32 = arith.constant 0 : i32
    %c0_i32_0 = arith.constant 0 : i32
    %c0_i32_1 = arith.constant 0 : i32
    return %c0_i32, %arg0, %c0_i32_0 : i32, i32, i32
  }
  func.func @transform_1(%arg0: i32) -> (i32, i32) {
    %c0_i32 = arith.constant 0 : i32
    %c0_i32_0 = arith.constant 0 : i32
    return %arg0, %c0_i32 : i32, i32
  }
  func.func @transform_2(%arg0: i32) -> (i32, i32) {
    %c0_i32 = arith.constant 0 : i32
    %c0_i32_0 = arith.constant 0 : i32
    %c0_i32_1 = arith.constant 0 : i32
    return %c0_i32, %c0_i32_0 : i32, i32
  }
  func.func @transform_3(%arg0: i32) -> (i32, i32) {
    %c0_i32 = arith.constant 0 : i32
    %c0_i32_0 = arith.constant 0 : i32
    %c0_i32_1 = arith.constant 0 : i32
    return %c0_i32, %c0_i32_0 : i32, i32
  }
  func.func @transform_4(%arg0: i32) -> (i32, i32) {
    %c0_i32 = arith.constant 0 : i32
    %c0_i32_0 = arith.constant 0 : i32
    return %arg0, %c0_i32 : i32, i32
  }
}

module attributes {stable_mosaic.version = 14 : i64} {
  func.func @_phase_bc_body(%arg0: i32, %arg1: memref<2x2000x64xf32, #tpu.memory_space<vmem>>, %arg2: memref<2000x1xf32, #tpu.memory_space<vmem>>, %arg3: memref<1x64xf32, #tpu.memory_space<vmem>>, %arg4: memref<64x32xf32, #tpu.memory_space<vmem>>, %arg5: memref<2000x32xf32, #tpu.memory_space<vmem>>) attributes {dimension_semantics = [#tpu.dimension_semantics<arbitrary>], iteration_bounds = array<i64: 5>, scalar_prefetch = 0 : i64, scratch_operands = 0 : i64, tpu.core_type = #tpu.core_type<tc>, window_params = [{transform_indices = @transform_0, window_bounds = array<i64: 2, 2000, 64>}, {transform_indices = @transform_1, window_bounds = array<i64: 2000, 1>}, {pipeline_mode = #tpu.pipeline_mode<synchronous>, transform_indices = @transform_2, window_bounds = array<i64: 1, 64>}, {pipeline_mode = #tpu.pipeline_mode<synchronous>, transform_indices = @transform_3, window_bounds = array<i64: 64, 32>}, {transform_indices = @transform_4, window_bounds = array<i64: 2000, 32>}]} {
    %get3A = arith.constant 0 : index
    %get3A_0 = arith.constant 0 : index
    %get3A_1 = vector.load %arg2[%get3A, %get3A_0] : memref<2000x1xf32, #tpu.memory_space<vmem>>, vector<2000x1xf32>
    %get3A_2 = arith.constant 0 : index
    %get3A_3 = arith.constant 0 : index
    %get3A_4 = arith.constant 0 : index
    %get3A_5 = vector.load %arg1[%get3A_2, %get3A_3, %get3A_4] : memref<2x2000x64xf32, #tpu.memory_space<vmem>>, vector<1x2000x64xf32>
    %get3A_6 = vector.shape_cast %get3A_5 : vector<1x2000x64xf32> to vector<2000x64xf32>
    %get3A_7 = arith.constant 1 : index
    %get3A_8 = arith.constant 0 : index
    %get3A_9 = arith.constant 0 : index
    %get3A_10 = vector.load %arg1[%get3A_7, %get3A_8, %get3A_9] : memref<2x2000x64xf32, #tpu.memory_space<vmem>>, vector<1x2000x64xf32>
    %get3A_11 = vector.shape_cast %get3A_10 : vector<1x2000x64xf32> to vector<2000x64xf32>
    %add3A = arith.addf %get3A_6, %get3A_11 : vector<2000x64xf32>
    %mul3A = vector.broadcast %get3A_1 : vector<2000x1xf32> to vector<2000x64xf32>
    %mul3A_12 = arith.mulf %add3A, %mul3A : vector<2000x64xf32>
    %get3A_13 = arith.constant 0 : index
    %get3A_14 = arith.constant 0 : index
    %get3A_15 = vector.load %arg3[%get3A_13, %get3A_14] : memref<1x64xf32, #tpu.memory_space<vmem>>, vector<1x64xf32>
    %add3A_16 = vector.broadcast %get3A_15 : vector<1x64xf32> to vector<2000x64xf32>
    %add3A_17 = arith.addf %mul3A_12, %add3A_16 : vector<2000x64xf32>
    %max3A = arith.constant 0.000000e+00 : f32
    %max3A_18 = vector.broadcast %max3A : f32 to vector<2000x64xf32>
    %max3A_19 = arith.maximumf %add3A_17, %max3A_18 : vector<2000x64xf32>
    %mul3A_20 = vector.broadcast %get3A_1 : vector<2000x1xf32> to vector<2000x64xf32>
    %mul3A_21 = arith.mulf %max3A_19, %mul3A_20 : vector<2000x64xf32>
    %get3A_22 = arith.constant 0 : index
    %get3A_23 = arith.constant 0 : index
    %get3A_24 = vector.load %arg4[%get3A_22, %get3A_23] : memref<64x32xf32, #tpu.memory_space<vmem>>, vector<64x32xf32>
    %dot_general3A = arith.constant dense<0.000000e+00> : vector<2000x32xf32>
    %dot_general3A_25 = tpu.matmul %mul3A_21, %get3A_24, %dot_general3A {dimension_numbers = #tpu.dot_dimension_numbers<[1], [0], [0], [1], [0, 0, 1, 1], [], []>, transpose_lhs_hint = false} : vector<2000x64xf32>, vector<64x32xf32>, vector<2000x32xf32> -> vector<2000x32xf32>
    %swap3A = arith.constant 0 : index
    %swap3A_26 = arith.constant 0 : index
    %swap3A_27 = vector.load %arg5[%swap3A, %swap3A_26] : memref<2000x32xf32, #tpu.memory_space<vmem>>, vector<2000x32xf32>
    tpu.vector_store %arg5[%swap3A, %swap3A_26], %dot_general3A_25 {strides = array<i32>} : memref<2000x32xf32, #tpu.memory_space<vmem>>, vector<2000x32xf32>,
    return
  }
  func.func @transform_0(%arg0: i32) -> (i32, i32, i32) {
    %c0_i32 = arith.constant 0 : i32
    %c0_i32_0 = arith.constant 0 : i32
    %c0_i32_1 = arith.constant 0 : i32
    return %c0_i32, %arg0, %c0_i32_0 : i32, i32, i32
  }
  func.func @transform_1(%arg0: i32) -> (i32, i32) {
    %c0_i32 = arith.constant 0 : i32
    %c0_i32_0 = arith.constant 0 : i32
    return %arg0, %c0_i32 : i32, i32
  }
  func.func @transform_2(%arg0: i32) -> (i32, i32) {
    %c0_i32 = arith.constant 0 : i32
    %c0_i32_0 = arith.constant 0 : i32
    %c0_i32_1 = arith.constant 0 : i32
    return %c0_i32, %c0_i32_0 : i32, i32
  }
  func.func @transform_3(%arg0: i32) -> (i32, i32) {
    %c0_i32 = arith.constant 0 : i32
    %c0_i32_0 = arith.constant 0 : i32
    %c0_i32_1 = arith.constant 0 : i32
    return %c0_i32, %c0_i32_0 : i32, i32
  }
  func.func @transform_4(%arg0: i32) -> (i32, i32) {
    %c0_i32 = arith.constant 0 : i32
    %c0_i32_0 = arith.constant 0 : i32
    return %arg0, %c0_i32 : i32, i32
  }
}

module attributes {stable_mosaic.version = 14 : i64} {
  func.func @_phase_d_body(%arg0: i32, %arg1: i32, %arg2: memref<2x2000x32xf32, #tpu.memory_space<vmem>>, %arg3: memref<2000x1xf32, #tpu.memory_space<vmem>>, %arg4: memref<1x32xf32, #tpu.memory_space<vmem>>, %arg5: memref<32x32xf32, #tpu.memory_space<vmem>>, %arg6: memref<32x16xf32, #tpu.memory_space<vmem>>, %arg7: memref<1x16xf32, #tpu.memory_space<vmem>>, %arg8: memref<16x1xf32, #tpu.memory_space<vmem>>, %arg9: memref<1x1xf32, #tpu.memory_space<vmem>>, %arg10: memref<1x1xf32, #tpu.memory_space<vmem>>, %arg11: memref<10000x32xf32, #tpu.memory_space<vmem>>, %arg12: memref<1x32xf32, #tpu.memory_space<vmem>>, %arg13: memref<1x32xf32, #tpu.memory_space<vmem>>) attributes {dimension_semantics = [#tpu.dimension_semantics<arbitrary>, #tpu.dimension_semantics<arbitrary>], iteration_bounds = array<i64: 2, 5>, scalar_prefetch = 0 : i64, scratch_operands = 3 : i64, tpu.core_type = #tpu.core_type<tc>, window_params = [{transform_indices = @transform_0, window_bounds = array<i64: 2, 2000, 32>}, {transform_indices = @transform_1, window_bounds = array<i64: 2000, 1>}, {pipeline_mode = #tpu.pipeline_mode<synchronous>, transform_indices = @transform_2, window_bounds = array<i64: 1, 32>}, {pipeline_mode = #tpu.pipeline_mode<synchronous>, transform_indices = @transform_3, window_bounds = array<i64: 32, 32>}, {pipeline_mode = #tpu.pipeline_mode<synchronous>, transform_indices = @transform_4, window_bounds = array<i64: 32, 16>}, {pipeline_mode = #tpu.pipeline_mode<synchronous>, transform_indices = @transform_5, window_bounds = array<i64: 1, 16>}, {pipeline_mode = #tpu.pipeline_mode<synchronous>, transform_indices = @transform_6, window_bounds = array<i64: 16, 1>}, {pipeline_mode = #tpu.pipeline_mode<synchronous>, transform_indices = @transform_7, window_bounds = array<i64: 1, 1>}, {pipeline_mode = #tpu.pipeline_mode<synchronous>, transform_indices = @transform_8, window_bounds = array<i64: 1, 1>}]} {
    %eq3A = arith.constant 0 : i32
    %eq3A_0 = arith.cmpi eq, %arg0, %eq3A : i32
    %convert_element_type3A = arith.extui %eq3A_0 : i1 to i32
    %cond3A = arith.constant 0 : i32
    %cond3A_1 = arith.cmpi ne, %convert_element_type3A, %cond3A : i32
    scf.if %cond3A_1 {
      %get3A = arith.constant 0 : index
      %get3A_7 = arith.constant 0 : index
      %get3A_8 = arith.constant 0 : index
      %get3A_9 = vector.load %arg2[%get3A, %get3A_7, %get3A_8] : memref<2x2000x32xf32, #tpu.memory_space<vmem>>, vector<1x2000x32xf32>
      %get3A_10 = vector.shape_cast %get3A_9 : vector<1x2000x32xf32> to vector<2000x32xf32>
      %get3A_11 = arith.constant 1 : index
      %get3A_12 = arith.constant 0 : index
      %get3A_13 = arith.constant 0 : index
      %get3A_14 = vector.load %arg2[%get3A_11, %get3A_12, %get3A_13] : memref<2x2000x32xf32, #tpu.memory_space<vmem>>, vector<1x2000x32xf32>
      %get3A_15 = vector.shape_cast %get3A_14 : vector<1x2000x32xf32> to vector<2000x32xf32>
      %add3A = arith.addf %get3A_10, %get3A_15 : vector<2000x32xf32>
      %get3A_16 = arith.constant 0 : index
      %get3A_17 = arith.constant 0 : index
      %get3A_18 = vector.load %arg3[%get3A_16, %get3A_17] : memref<2000x1xf32, #tpu.memory_space<vmem>>, vector<2000x1xf32>
      %mul3A = vector.broadcast %get3A_18 : vector<2000x1xf32> to vector<2000x32xf32>
      %mul3A_19 = arith.mulf %add3A, %mul3A : vector<2000x32xf32>
      %get3A_20 = arith.constant 0 : index
      %get3A_21 = arith.constant 0 : index
      %get3A_22 = vector.load %arg4[%get3A_20, %get3A_21] : memref<1x32xf32, #tpu.memory_space<vmem>>, vector<1x32xf32>
      %add3A_23 = vector.broadcast %get3A_22 : vector<1x32xf32> to vector<2000x32xf32>
      %add3A_24 = arith.addf %mul3A_19, %add3A_23 : vector<2000x32xf32>
      %mul3A_25 = arith.constant 2000 : i32
      %mul3A_26 = arith.muli %arg1, %mul3A_25 : i32
      %swap3A = arith.index_cast %mul3A_26 : i32 to index
      %swap3A_27 = arith.constant 0 : index
      %swap3A_28 = vector.load %arg11[%swap3A, %swap3A_27] : memref<10000x32xf32, #tpu.memory_space<vmem>>, vector<2000x32xf32>
      tpu.vector_store %arg11[%swap3A, %swap3A_27], %add3A_24 {strides = array<i32>} : memref<10000x32xf32, #tpu.memory_space<vmem>>, vector<2000x32xf32>,
      %eq3A_29 = arith.constant 0 : i32
      %eq3A_30 = arith.cmpi eq, %arg1, %eq3A_29 : i32
      %convert_element_type3A_31 = arith.extui %eq3A_30 : i1 to i32
      %cond3A_32 = arith.constant 0 : i32
      %cond3A_33 = arith.cmpi ne, %convert_element_type3A_31, %cond3A_32 : i32
      scf.if %cond3A_33 {
        %broadcast_in_dim3A_42 = arith.constant 0.000000e+00 : f32
        %broadcast_in_dim3A_43 = vector.broadcast %broadcast_in_dim3A_42 : f32 to vector<1x32xf32>
        %swap3A_44 = arith.constant 0 : index
        %swap3A_45 = arith.constant 0 : index
        %swap3A_46 = vector.load %arg12[%swap3A_44, %swap3A_45] : memref<1x32xf32, #tpu.memory_space<vmem>>, vector<1x32xf32>
        tpu.vector_store %arg12[%swap3A_44, %swap3A_45], %broadcast_in_dim3A_43 {strides = array<i32>} : memref<1x32xf32, #tpu.memory_space<vmem>>, vector<1x32xf32>,
        %broadcast_in_dim3A_47 = arith.constant 0.000000e+00 : f32
        %broadcast_in_dim3A_48 = vector.broadcast %broadcast_in_dim3A_47 : f32 to vector<1x32xf32>
        %swap3A_49 = arith.constant 0 : index
        %swap3A_50 = arith.constant 0 : index
        %swap3A_51 = vector.load %arg13[%swap3A_49, %swap3A_50] : memref<1x32xf32, #tpu.memory_space<vmem>>, vector<1x32xf32>
        tpu.vector_store %arg13[%swap3A_49, %swap3A_50], %broadcast_in_dim3A_48 {strides = array<i32>} : memref<1x32xf32, #tpu.memory_space<vmem>>, vector<1x32xf32>,
      } else {
      }
      %get3A_34 = arith.constant 0 : index
      %get3A_35 = arith.constant 0 : index
      %get3A_36 = vector.load %arg12[%get3A_34, %get3A_35] : memref<1x32xf32, #tpu.memory_space<vmem>>, vector<1x32xf32>
      %reduce_sum3A = arith.constant dense<0.000000e+00> : vector<32xf32>
      %reduce_sum3A_37 = vector.multi_reduction <add>, %add3A_24, %reduce_sum3A [0] : vector<2000x32xf32> to vector<32xf32>
      %broadcast_in_dim3A = vector.shape_cast %reduce_sum3A_37 : vector<32xf32> to vector<1x32xf32>
      %add3A_38 = arith.addf %get3A_36, %broadcast_in_dim3A : vector<1x32xf32>
      %swap3A_39 = arith.constant 0 : index
      %swap3A_40 = arith.constant 0 : index
      %swap3A_41 = vector.load %arg12[%swap3A_39, %swap3A_40] : memref<1x32xf32, #tpu.memory_space<vmem>>, vector<1x32xf32>
      tpu.vector_store %arg12[%swap3A_39, %swap3A_40], %add3A_38 {strides = array<i32>} : memref<1x32xf32, #tpu.memory_space<vmem>>, vector<1x32xf32>,
    } else {
    }
    %eq3A_2 = arith.constant 1 : i32
    %eq3A_3 = arith.cmpi eq, %arg0, %eq3A_2 : i32
    %convert_element_type3A_4 = arith.extui %eq3A_3 : i1 to i32
    %cond3A_5 = arith.constant 0 : i32
    %cond3A_6 = arith.cmpi ne, %convert_element_type3A_4, %cond3A_5 : i32
    scf.if %cond3A_6 {
      %get3A = arith.constant 0 : index
      %get3A_7 = arith.constant 0 : index
      %get3A_8 = vector.load %arg12[%get3A, %get3A_7] : memref<1x32xf32, #tpu.memory_space<vmem>>, vector<1x32xf32>
      %mul3A = arith.constant 9.99999974E-5 : f32
      %mul3A_9 = vector.broadcast %mul3A : f32 to vector<1x32xf32>
      %mul3A_10 = arith.mulf %get3A_8, %mul3A_9 : vector<1x32xf32>
      %get3A_11 = arith.constant 0 : index
      %get3A_12 = arith.constant 0 : index
      %get3A_13 = vector.load %arg5[%get3A_11, %get3A_12] : memref<32x32xf32, #tpu.memory_space<vmem>>, vector<32x32xf32>
      %dot_general3A = arith.constant dense<0.000000e+00> : vector<1x32xf32>
      %dot_general3A_14 = tpu.matmul %mul3A_10, %get3A_13, %dot_general3A {dimension_numbers = #tpu.dot_dimension_numbers<[1], [0], [0], [1], [0, 0, 1, 1], [], []>, transpose_lhs_hint = false} : vector<1x32xf32>, vector<32x32xf32>, vector<1x32xf32> -> vector<1x32xf32>
      %tanh3A = math.tanh %dot_general3A_14 : vector<1x32xf32>
      %mul3A_15 = arith.constant 2000 : i32
      %mul3A_16 = arith.muli %arg1, %mul3A_15 : i32
      %get3A_17 = arith.index_cast %mul3A_16 : i32 to index
      %get3A_18 = arith.constant 0 : index
      %get3A_19 = vector.load %arg11[%get3A_17, %get3A_18] : memref<10000x32xf32, #tpu.memory_space<vmem>>, vector<2000x32xf32>
      %dot_general3A_20 = arith.constant dense<0.000000e+00> : vector<2000x1xf32>
      %dot_general3A_21 = tpu.matmul %get3A_19, %tanh3A, %dot_general3A_20 {dimension_numbers = #tpu.dot_dimension_numbers<[1], [1], [0], [0], [0, 0, 1, 0], [], []>, transpose_lhs_hint = false} : vector<2000x32xf32>, vector<1x32xf32>, vector<2000x1xf32> -> vector<2000x1xf32>
      %logistic3A = arith.negf %dot_general3A_21 : vector<2000x1xf32>
      %logistic3A_22 = math.exp %logistic3A : vector<2000x1xf32>
      %logistic3A_23 = arith.constant 1.000000e+00 : f32
      %logistic3A_24 = vector.broadcast %logistic3A_23 : f32 to vector<2000x1xf32>
      %logistic3A_25 = arith.addf %logistic3A_24, %logistic3A_22 : vector<2000x1xf32>
      %logistic3A_26 = arith.divf %logistic3A_24, %logistic3A_25 : vector<2000x1xf32>
      %get3A_27 = arith.constant 0 : index
      %get3A_28 = arith.constant 0 : index
      %get3A_29 = vector.load %arg13[%get3A_27, %get3A_28] : memref<1x32xf32, #tpu.memory_space<vmem>>, vector<1x32xf32>
      %dot_general3A_30 = arith.constant dense<0.000000e+00> : vector<1x32xf32>
      %dot_general3A_31 = tpu.matmul %logistic3A_26, %get3A_19, %dot_general3A_30 {dimension_numbers = #tpu.dot_dimension_numbers<[0], [0], [1], [1], [0, 1, 1, 1], [], []>, transpose_lhs_hint = false} : vector<2000x1xf32>, vector<2000x32xf32>, vector<1x32xf32> -> vector<1x32xf32>
      %add3A = arith.addf %get3A_29, %dot_general3A_31 : vector<1x32xf32>
      %swap3A = arith.constant 0 : index
      %swap3A_32 = arith.constant 0 : index
      %swap3A_33 = vector.load %arg13[%swap3A, %swap3A_32] : memref<1x32xf32, #tpu.memory_space<vmem>>, vector<1x32xf32>
      tpu.vector_store %arg13[%swap3A, %swap3A_32], %add3A {strides = array<i32>} : memref<1x32xf32, #tpu.memory_space<vmem>>, vector<1x32xf32>,
      %eq3A_34 = arith.constant 4 : i32
      %eq3A_35 = arith.cmpi eq, %arg1, %eq3A_34 : i32
      %convert_element_type3A_36 = arith.extui %eq3A_35 : i1 to i32
      %cond3A_37 = arith.constant 0 : i32
      %cond3A_38 = arith.cmpi ne, %convert_element_type3A_36, %cond3A_37 : i32
      scf.if %cond3A_38 {
        %get3A_39 = arith.constant 0 : index
        %get3A_40 = arith.constant 0 : index
        %get3A_41 = vector.load %arg13[%get3A_39, %get3A_40] : memref<1x32xf32, #tpu.memory_space<vmem>>, vector<1x32xf32>
        %get3A_42 = arith.constant 0 : index
        %get3A_43 = arith.constant 0 : index
        %get3A_44 = vector.load %arg6[%get3A_42, %get3A_43] : memref<32x16xf32, #tpu.memory_space<vmem>>, vector<32x16xf32>
        %dot_general3A_45 = arith.constant dense<0.000000e+00> : vector<1x16xf32>
        %dot_general3A_46 = tpu.matmul %get3A_41, %get3A_44, %dot_general3A_45 {dimension_numbers = #tpu.dot_dimension_numbers<[1], [0], [0], [1], [0, 0, 1, 1], [], []>, transpose_lhs_hint = false} : vector<1x32xf32>, vector<32x16xf32>, vector<1x16xf32> -> vector<1x16xf32>
        %get3A_47 = arith.constant 0 : index
        %get3A_48 = arith.constant 0 : index
        %get3A_49 = vector.load %arg7[%get3A_47, %get3A_48] : memref<1x16xf32, #tpu.memory_space<vmem>>, vector<1x16xf32>
        %add3A_50 = arith.addf %dot_general3A_46, %get3A_49 : vector<1x16xf32>
        %max3A = arith.constant 0.000000e+00 : f32
        %max3A_51 = vector.broadcast %max3A : f32 to vector<1x16xf32>
        %max3A_52 = arith.maximumf %add3A_50, %max3A_51 : vector<1x16xf32>
        %get3A_53 = arith.constant 0 : index
        %get3A_54 = arith.constant 0 : index
        %get3A_55 = vector.load %arg8[%get3A_53, %get3A_54] : memref<16x1xf32, #tpu.memory_space<vmem>>, vector<16x1xf32>
        %dot_general3A_56 = arith.constant dense<0.000000e+00> : vector<1x1xf32>
        %dot_general3A_57 = tpu.matmul %max3A_52, %get3A_55, %dot_general3A_56 {dimension_numbers = #tpu.dot_dimension_numbers<[1], [0], [0], [1], [0, 0, 1, 1], [], []>, transpose_lhs_hint = false} : vector<1x16xf32>, vector<16x1xf32>, vector<1x1xf32> -> vector<1x1xf32>
        %get3A_58 = arith.constant 0 : index
        %get3A_59 = arith.constant 0 : index
        %get3A_60 = vector.load %arg9[%get3A_58, %get3A_59] : memref<1x1xf32, #tpu.memory_space<vmem>>, vector<1x1xf32>
        %add3A_61 = arith.addf %dot_general3A_57, %get3A_60 : vector<1x1xf32>
        %logistic3A_62 = arith.negf %add3A_61 : vector<1x1xf32>
        %logistic3A_63 = math.exp %logistic3A_62 : vector<1x1xf32>
        %logistic3A_64 = arith.constant 1.000000e+00 : f32
        %logistic3A_65 = vector.broadcast %logistic3A_64 : f32 to vector<1x1xf32>
        %logistic3A_66 = arith.addf %logistic3A_65, %logistic3A_63 : vector<1x1xf32>
        %logistic3A_67 = arith.divf %logistic3A_65, %logistic3A_66 : vector<1x1xf32>
        %swap3A_68 = arith.constant 0 : index
        %swap3A_69 = arith.constant 0 : index
        %swap3A_70 = vector.load %arg10[%swap3A_68, %swap3A_69] : memref<1x1xf32, #tpu.memory_space<vmem>>, vector<1x1xf32>
        tpu.vector_store %arg10[%swap3A_68, %swap3A_69], %logistic3A_67 {strides = array<i32>} : memref<1x1xf32, #tpu.memory_space<vmem>>, vector<1x1xf32>,
      } else {
      }
    } else {
    }
    return
  }
  func.func @transform_0(%arg0: i32, %arg1: i32) -> (i32, i32, i32) {
    %c0_i32 = arith.constant 0 : i32
    %c0_i32_0 = arith.constant 0 : i32
    %c0_i32_1 = arith.constant 0 : i32
    return %c0_i32, %arg1, %c0_i32_0 : i32, i32, i32
  }
  func.func @transform_1(%arg0: i32, %arg1: i32) -> (i32, i32) {
    %c0_i32 = arith.constant 0 : i32
    %c0_i32_0 = arith.constant 0 : i32
    return %arg1, %c0_i32 : i32, i32
  }
  func.func @transform_2(%arg0: i32, %arg1: i32) -> (i32, i32) {
    %c0_i32 = arith.constant 0 : i32
    %c0_i32_0 = arith.constant 0 : i32
    %c0_i32_1 = arith.constant 0 : i32
    return %c0_i32, %c0_i32_0 : i32, i32
  }
  func.func @transform_3(%arg0: i32, %arg1: i32) -> (i32, i32) {
    %c0_i32 = arith.constant 0 : i32
    %c0_i32_0 = arith.constant 0 : i32
    %c0_i32_1 = arith.constant 0 : i32
    return %c0_i32, %c0_i32_0 : i32, i32
  }
  func.func @transform_4(%arg0: i32, %arg1: i32) -> (i32, i32) {
    %c0_i32 = arith.constant 0 : i32
    %c0_i32_0 = arith.constant 0 : i32
    %c0_i32_1 = arith.constant 0 : i32
    return %c0_i32, %c0_i32_0 : i32, i32
  }
  func.func @transform_5(%arg0: i32, %arg1: i32) -> (i32, i32) {
    %c0_i32 = arith.constant 0 : i32
    %c0_i32_0 = arith.constant 0 : i32
    %c0_i32_1 = arith.constant 0 : i32
    return %c0_i32, %c0_i32_0 : i32, i32
  }
  func.func @transform_6(%arg0: i32, %arg1: i32) -> (i32, i32) {
    %c0_i32 = arith.constant 0 : i32
    %c0_i32_0 = arith.constant 0 : i32
    %c0_i32_1 = arith.constant 0 : i32
    return %c0_i32, %c0_i32_0 : i32, i32
  }
  func.func @transform_7(%arg0: i32, %arg1: i32) -> (i32, i32) {
    %c0_i32 = arith.constant 0 : i32
    %c0_i32_0 = arith.constant 0 : i32
    %c0_i32_1 = arith.constant 0 : i32
    return %c0_i32, %c0_i32_0 : i32, i32
  }
  func.func @transform_8(%arg0: i32, %arg1: i32) -> (i32, i32) {
    %c0_i32 = arith.constant 0 : i32
    %c0_i32_0 = arith.constant 0 : i32
    %c0_i32_1 = arith.constant 0 : i32
    return %c0_i32, %c0_i32_0 : i32, i32
  }
}

</mosaic_0001>

<sc_bundles>
// kernel: kernel.10.cloned.1.call-start
scs
__scs_entry_jumppad:
0x0: {  	(pc) =	sbr.rel $0x88, $3  }
0x1: {  	(tag) =	ssettag $0x0;
	lr =	simm.s32 $0x1  }
0x2: {  	[smem:$0x3F94] =	sst lr;
	_ =	strace $0xD0000000  }
0x3: {  	_ = 	snop  }
0x4: {  	_ = 	snop  }
0x5: {  	_ = 	snop  }
0x6: {  	_ = 	snop  }
0x7: {  	_ = 	snop  }
__scs_overlays_trampoline_lowered:
0x8: {  	[smem:$0x3FA3] =	sst s0  }
0x9: {  	[smem:$0x3FA4] =	sst s1  }
0xa: {  	[smem:$0x3FA5] =	sst s2  }
0xb: {  	[smem:$0x3FA6] =	sst s3  }
0xc: {  	[smem:$0x3FA7] =	sst s4  }
0xd: {  	[smem:$0x3FA8] =	sst s5  }
0xe: {  	[smem:$0x3FA9] =	sst s6  }
0xf: {  	[smem:$0x3FAA] =	sst s7  }
0x10: {  	[smem:$0x3FAB] =	sst s8  }
0x11: {  	[smem:$0x3FAC] =	sst s9;
	s0 =	simm.s32 @!p0 $0x0  }
0x12: {  	s1 =	sld [smem:$0x3F92];
	s0 =	simm.s32 @p0 $0x1  }
0x13: {  	[smem:$0x3FAD] =	sst s0;
	s0 =	simm.s32 @!p1 $0x0  }
0x14: {  	s2 =	sld [smem:$0x3F91];
	s0 =	simm.s32 @p1 $0x1  }
0x15: {  	[smem:$0x3FAE] =	sst s0;
	s0 =	simm.s32 @!p2 $0x0  }
0x16: {  	s3 =	sld [smem:$0x3FDB];
	s0 =	simm.s32 @p2 $0x1  }
0x17: {  	s4 =	simm.s32 $0x1BF5;
	[smem:$0x3FB0] =	sst s0  }
0x18: {  	s0 =	sld [smem:$0x3F93];
	_ =	swait.ge [sflag:s4], $0x0  }
0x19: {  	s7 =	sld [smem:$0x3F94]  }
0x1a: {  	s8 =	sadd.s32 $0xFFFFE003, lr  }
0x1b: {  	s9 =	sadd.s32 $0xFFFFFEF7, lr;
	s5 =	simm.s32 $0xFFFFFFFF;
	p2 =	slt.u32 s8, $0xFFFFF086  }
0x1c: {  	p1 =	slt.u32 s9, $0xF7A;
	s5 =	simm.s32 @!p2 $0x0  }
0x1d: {  	s5 =	simm.s32 @p1 $0x1;
	p0 =	seq.s32 s7, s2  }
0x1e: {  	s7 =	smul.u32 @!p0 $0xF7A, s2;
	p2 =	seq.s32 @!p0 s5, $0x0  }
0x1f: {  	s9 =	smul.u32 $0xF7A, s1;
	s8 =	simm.s32 @!p0 $0x1BF5;
	p2 =	por !p2, p0  }
0x20: {  	[sflag:s8] =	ssyncset.s32 @!p0 $0xFFFFF086;
	s6 =	sadd.s32 @!p0 s3, s7;
	s7 =	simm.s32 @!p0 $0x108  }
0x21: {  	s3 =	sadd.s32 s3, s9;
	s6 =	sadd.s32 @!p0 $0x88, s6;
	s7 =	simm.s32 @p2 $0x1082  }
0x22: {  	[simem:s7], [sflag:s8] =	dma.local @!p0 [hbm:s6], $0xF7A  }
0x23: {  	s9 =	sor.u32 $0xD0000000, s2;
	s6 =	simm.s32 $0x108;
	_ =	swait.ge @!p0 [sflag:s8], $0x0  }
0x24: {  	s3 =	sadd.s32 $0x88, s3;
	s6 =	simm.s32 @!p1 $0x1082;
	[sflag:s4] =	ssyncset.s32 $0xFFFFF086  }
0x25: {  	[simem:s6], [sflag:s4] =	dma.local [hbm:s3], $0xF7A  }
0x26: {  	[smem:$0x3F94] =	sst s1;
	(tag) =	ssettag s2;
	_ =	strace s9  }
0x27: {  	s1 =	sld [smem:$0x3FA4]  }
0x28: {  	s2 =	sld [smem:$0x3FA5]  }
0x29: {  	s4 =	sld [smem:$0x3FA7]  }
0x2a: {  	p0 =	seq.s32 s5, $0x0;
	s5 =	sld [smem:$0x3FA8]  }
0x2b: {  	s6 =	sld [smem:$0x3FA9]  }
0x2c: {  	s7 =	sld [smem:$0x3FAA]  }
0x2d: {  	s3 =	simm.s32 $0x108;
	s8 =	sld [smem:$0x3FAB]  }
0x2e: {  	s3 =	simm.s32 @!p0 $0x1082;
	s9 =	sld [smem:$0x3FAC]  }
0x2f: {  	lr =	sadd.s32 s0, s3;
	s0 =	sld [smem:$0x3FA3]  }
0x30: {  	s3 =	sld [smem:$0x3FA6]  }
0x31: {  	[smem:$0x3FAF] =	sst s10  }
0x32: {  	s10 =	sld [smem:$0x3FAD];
	_ =	sdelay $0x3  }
0x33: {  	p0 =	seq.s32 s10, $0x1;
	s10 =	sld [smem:$0x3FAF];
	_ =	sdelay $0x3  }
0x34: {  	[smem:$0x3FAF] =	sst s10  }
0x35: {  	s10 =	sld [smem:$0x3FAE];
	_ =	sdelay $0x3  }
0x36: {  	p1 =	seq.s32 s10, $0x1;
	s10 =	sld [smem:$0x3FAF];
	_ =	sdelay $0x3  }
0x37: {  	[smem:$0x3FAF] =	sst s10  }
0x38: {  	s10 =	sld [smem:$0x3FB0]  }
0x39: {  	_ = 	snop;
	(pc) =	sbr.ind lr, $3  }
0x3a: {  	_ = 	snop  }
0x3b: {  	_ = 	snop  }
0x3c: {  	p2 =	seq.s32 s10, $0x1;
	s10 =	sld [smem:$0x3FAF]  }
0x3d: {  	_ =	shalt  }
0x3e: {  	_ =	shalt  }
0x3f: {  	_ =	shalt  }
0x40: {  	_ =	shalt  }
0x41: {  	_ =	shalt  }
0x42: {  	_ =	shalt  }
0x43: {  	_ =	shalt  }
0x44: {  	_ =	shalt  }
0x45: {  	_ =	shalt  }
0x46: {  	_ =	shalt  }
0x47: {  	_ =	shalt  }
0x48: {  	_ =	shalt  }
0x49: {  	_ =	shalt  }
0x4a: {  	_ =	shalt  }
0x4b: {  	_ =	shalt  }
0x4c: {  	_ =	shalt  }
0x4d: {  	_ =	shalt  }
0x4e: {  	_ =	shalt  }
0x4f: {  	_ =	shalt  }
0x50: {  	_ =	shalt  }
0x51: {  	_ =	shalt  }
0x52: {  	_ =	shalt  }
0x53: {  	_ =	shalt  }
0x54: {  	_ =	shalt  }
0x55: {  	_ =	shalt  }
0x56: {  	_ =	shalt  }
0x57: {  	_ =	shalt  }
0x58: {  	_ =	shalt  }
0x59: {  	_ =	shalt  }
0x5a: {  	_ =	shalt  }
0x5b: {  	_ =	shalt  }
0x5c: {  	_ =	shalt  }
0x5d: {  	_ =	shalt  }
0x5e: {  	_ =	shalt  }
0x5f: {  	_ =	shalt  }
0x60: {  	_ =	shalt  }
0x61: {  	_ =	shalt  }
0x62: {  	_ =	shalt  }
0x63: {  	_ =	shalt  }
0x64: {  	_ =	shalt  }
0x65: {  	_ =	shalt  }
0x66: {  	_ =	shalt  }
0x67: {  	_ =	shalt  }
0x68: {  	_ =	shalt  }
0x69: {  	_ =	shalt  }
0x6a: {  	_ =	shalt  }
0x6b: {  	_ =	shalt  }
0x6c: {  	_ =	shalt  }
0x6d: {  	_ =	shalt  }
0x6e: {  	_ =	shalt  }
0x6f: {  	_ =	shalt  }
0x70: {  	_ =	shalt  }
0x71: {  	_ =	shalt  }
0x72: {  	_ =	shalt  }
0x73: {  	_ =	shalt  }
0x74: {  	_ =	shalt  }
0x75: {  	_ =	shalt  }
0x76: {  	_ =	shalt  }
0x77: {  	_ =	shalt  }
0x78: {  	_ =	shalt  }
0x79: {  	_ =	shalt  }
0x7a: {  	_ =	shalt  }
0x7b: {  	_ =	shalt  }
0x7c: {  	_ =	shalt  }
0x7d: {  	_ =	shalt  }
0x7e: {  	_ =	shalt  }
0x7f: {  	_ =	shalt  }
0x80: {  	_ =	shalt  }
0x81: {  	_ =	shalt  }
0x82: {  	_ =	shalt  }
0x83: {  	_ =	shalt  }
0x84: {  	_ =	shalt  }
0x85: {  	_ =	shalt  }
0x86: {  	_ =	shalt  }
0x87: {  	_ =	shalt  }
.Lfunc_end0:
.L_simem_size_0:
called_computation_lowered:
.L_overlay_start_0:
0x88: {  	s2 =	sld [smem:$0x3FD9]  }
0x89: {  	s3 =	sld [smem:$0x3FFE];
	_ =	sdelay $0x1  }
0x8a: {  	s1 =	srdreg.scid  }
0x8b: {  	s0 =	sand.u32 $0x1, s1  }
0x8c: {  	s16 =	sshll.u32 s0, $0xA;
	s2 =	sadd.s32 s3, s2  }
0x8d: {  	s2 =	sadd.s32 s2, s16  }
0x8e: {  	[smem:$0x3FBB] =	sst s2  }
0x8f: {  	_ = 	snop  }
0x90: {  	(tm) =	ssettm $0x1  }
0x91: {  	s17 =	sld [smem:$0x3FFB];
	_ =	sdelay $0x3  }
0x92: {  	_ =	strace s17  }
0x93: {  	s2 =	sld [smem:$0x3FFC];
	_ =	sdelay $0x3  }
0x94: {  	_ =	strace s2  }
0x95: {  	s2 =	sld [smem:$0x3FFD];
	_ =	sdelay $0x3  }
0x96: {  	_ =	strace s2  }
0x97: {  	_ =	strace $0x8FFFFFFF  }
0x98: {  	s18 =	sld [smem:$0x3FDB];
	_ =	sdelay $0x1  }
0x99: {  	s19 =	simm.s32 $_scs_section_size  }
0x9a: {  	s4 =	simm.s32 $_size__tile_overlayer_lowered;
	s5 =	simm.s32 $_tile_overlayer_lowered  }
0x9b: {  	s22 =	simm.s32 $0x1BFF;
	s21 =	sshll.u32 s5, $0x1;
	s2 =	sadd.s32 s19, s18  }
0x9c: {  	s6 =	simm.s32 $0x0;
	s20 =	sshll.u32 s4, $0x1;
	s4 =	sadd.s32 s21, s2  }
0x9d: {  	[timem:s6], [sflag:s22] =	dma.local [hbm:s4], s20  }
0x9e: {  	_ =	swait.ge [sflag:s22], s20  }
0x9f: {  	s3 =	ssub.s32 $0x0, s20;
	[sflag:s22] =	ssyncset.done $0x0  }
0xa0: {  	[sflag:s22] =	ssyncadd.s32 s3;
	_ =	sdelay $0x1  }
0xa1: {  	s23 =	simm.s32 $0x1B8B  }
0xa2: {  	_ =	swait.ge [sflag:s23], $0x1  }
0xa3: {  	[sflag:s23] =	ssyncset.done $0x0  }
0xa4: {  	s25 =	simm.s32 $0x1B8E;
	s24 =	sld [smem:$0x3FFE];
	[sflag:s23] =	ssyncadd.s32 $0xFFFFFFFF  }
0xa5: {  	s26 =	simm.s32 $execute0_lowered;
	[smem:$0x3FD2] =	sst s25  }
0xa6: {  	s4 =	sshll.u32 s26, $0x1;
	_ =	strace $0x80000046;
	[dreg:$0x1] =	wrdreg $0xFFFFFFFF  }
0xa7: {  	s28 =	simm.s32 $_size_execute0_lowered;
	s2 =	sadd.s32 s2, s4;
	[dreg:$0x0] =	wrdreg $0x0  }
0xa8: {  	s4 =	sshll.u32 s28, $0x1;
	[dreg:$0x2] =	wrdreg s2  }
0xa9: {  	[dreg:$0x3] =	wrdreg s4  }
0xaa: {  	[dreg:$0x4] =	wrdreg $0xC0  }
0xab: {  	_ =	task [dreg:s6], $0x5FFFF  }
0xac: {  	[dreg:$0x1] =	wrdreg $0xFFFFFFFF  }
0xad: {  	[dreg:$0x0] =	wrdreg $0x60  }
0xae: {  	[dreg:$0x2] =	wrdreg s24  }
0xaf: {  	[dreg:$0x3] =	wrdreg $0x46A00  }
0xb0: {  	[dreg:$0x4] =	wrdreg $0x9  }
0xb1: {  	_ =	task.clear_ibuf [dreg:s6], $0x5FFFF;
	_ =	strace $0x90000046  }
0xb2: {  	s29 =	simm.s32 $0x9;
	_ =	strace $0x80000048  }
0xb3: {  	_ =	swait.ge [sflag:s29], $0x1  }
0xb4: {  	[sflag:s29] =	ssyncadd.s32 $0xFFFFFFFF  }
0xb5: {  	_ =	strace $0x90000048  }
0xb6: {  	_ =	sfence  }
0xb7: {  	s30 =	sld [smem:$0x0];
	_ =	sdelay $0x2  }
0xb8: {  	s31 =	sshll.u32 s1, $0xD;
	s1 =	sshrl.u32 s1, $0x2  }
0xb9: {  	s3 =	sand.u32 $0x4000, s31;
	s1 =	sadd.s32 s1, s30  }
0xba: {  	s0 =	sor.u32 s3, s0;
	s1 =	sshll.u32 s1, $0x11  }
0xbb: {  	s0 =	sor.u32 s1, s0  }
0xbc: {  	s0 =	sadd.s32 $0x8F2B, s0  }
0xbd: {  	[sflag:s0] =	ssyncadd.remote.s32 $0x1  }
0xbe: {  	_ =	sfence.sel $0xFFFF  }
0xbf: {  	[dreg:$0x0] =	wrdreg $0xFFFFFFFF;
	(pc) =	sbr.abs _section_cstart, $3  }
0xc0: {  	[dreg:$0x1] =	wrdreg $0xFFFFFFFF  }
0xc1: {  	_ =	task.clear_ibuf [dreg:s6], $0x2FFFF;
	_ =	strace $0x9FFFFFFF  }
0xc2: {  	(tm) =	ssettm $0x7FFFFFFF  }
0xc3: {  	_ =	shalt  }
tec
execute0_lowered:
.L_overlay_start_1:
0x0: {  	(tag) =	ssettag $0x1  }
0x1: {  	s1 =	srdreg.scid  }
0x2: {  	s31 =	sand.u32 $0x1, s1  }
0x3: {  	s0 =	stileid.u32;
	s1 =	sshll.u32 s31, $0x4  }
0x4: {  	s5 =	rddreg [dreg:$0x0];
	s1 =	sor.u32 s0, s1  }
0x5: {  	s2 =	rddreg [dreg:$0x1];
	s3 =	simm.s32 $0x0;
	s1 =	smul.u32 $0x4EC, s1  }
0x6: {  	[smem:$0x7FF] =	sst s3;
	s4 =	sadd.s32 $0xCE00, s5;
	s25 =	sadd.s32 $0xC800, s5  }
0x7: {  	_ =	strace $0x80000047;
	[dreg:$0x3] =	wrdreg s4;
	s1 =	sadd.s32 s1, s5  }
0x8: {  	[dreg:$0x4] =	wrdreg s25;
	s4 =	simm.s32 $0x2;
	s5 =	sadd.s32 $0x2A00, s1  }
0x9: {  	[tilespmem:s3], [sflag:$0x2] =	stream.linear.gather [hbm4b:s5+s3], $0x2760, $0x38;
	[tilespmem:$0x6EA0] =	vst v63  }
0xa: {  	_ =	swait.ge [sflag:s4], $0x2760  }
0xb: {  	s6 =	simm.s32 $0x2760;
	[sflag:s4] =	ssyncset.done $0x0  }
0xc: {  	s1 =	smul.u32 $0x2800, s0;
	s26 =	rddreg [dreg:$0x3];
	[sflag:s4] =	ssyncadd.s32 $0xFFFFD8A0  }
0xd: {  	[tilespmem:s6], [sflag:$0x2] =	stream.linear.gather [hbm4b:s26+s3], $0x1F40, $0x38;
	[tilespmem:$0x6EA0] =	vst v63  }
0xe: {  	s7 =	sshll.u32 s0, $0x6;
	_ =	swait.ge [sflag:s4], $0x1F40  }
0xf: {  	s7 =	sor.u32 $0x1C02, s7;
	s8 =	sadd.s32 s1, s2;
	[sflag:s4] =	ssyncset.done $0x0  }
0x10: {  	s8 =	sshrl.u32 s8, $0x3;
	s9 =	rddreg [dreg:$0x4];
	[sflag:s4] =	ssyncadd.s32 $0xFFFFE0C0  }
0x11: {  	[spmem:s8], [sflag:s7] =	dma.local [hbm:s9], $0x500  }
0x12: {  	_ =	swait.ge [sflag:s4], $0x500  }
0x13: {  	[sflag:s4] =	ssyncset.done $0x0  }
0x14: {  	[sflag:s4] =	ssyncadd.s32 $0xFFFFFB00  }
0x15: {  	s9 =	simm.s32 $0x1F4;
	[bflag:$0x0] =	sbarrier.arrive $0xFFFF  }
0x16: {  	[spmem:s2] =	stream.indirect.scatter.add.f32 [tilespmem:s6], [sflag:$0x1], $0x10, s3, s9, $0xb8;
	[tilespmem:$0x6EA0] =	vst v63  }
0x17: {  	s10 =	simm.s32 $0x1F8  }
0x18: {  	[spmem:s2] =	stream.indirect.scatter.add.f32 [tilespmem:s6], [sflag:$0x1], $0x10, s10, s9, $0xb8;
	[tilespmem:$0x6EA0] =	vst v63  }
0x19: {  	s11 =	simm.s32 $0x3F0  }
0x1a: {  	[spmem:s2] =	stream.indirect.scatter.add.f32 [tilespmem:s6], [sflag:$0x1], $0x10, s11, s9, $0xb8;
	[tilespmem:$0x6EA0] =	vst v63  }
0x1b: {  	s12 =	simm.s32 $0x5E8  }
0x1c: {  	[spmem:s2] =	stream.indirect.scatter.add.f32 [tilespmem:s6], [sflag:$0x1], $0x10, s12, s9, $0xb8;
	[tilespmem:$0x6EA0] =	vst v63  }
0x1d: {  	s13 =	simm.s32 $0x7E0  }
0x1e: {  	[spmem:s2] =	stream.indirect.scatter.add.f32 [tilespmem:s6], [sflag:$0x1], $0x10, s13, s9, $0xb8;
	[tilespmem:$0x6EA0] =	vst v63  }
0x1f: {  	s14 =	simm.s32 $0x9D8  }
0x20: {  	[spmem:s2] =	stream.indirect.scatter.add.f32 [tilespmem:s6], [sflag:$0x1], $0x10, s14, s9, $0xb8;
	[tilespmem:$0x6EA0] =	vst v63  }
0x21: {  	s15 =	simm.s32 $0xBD0  }
0x22: {  	[spmem:s2] =	stream.indirect.scatter.add.f32 [tilespmem:s6], [sflag:$0x1], $0x10, s15, s9, $0xb8;
	[tilespmem:$0x6EA0] =	vst v63  }
0x23: {  	s16 =	simm.s32 $0xDC8  }
0x24: {  	[spmem:s2] =	stream.indirect.scatter.add.f32 [tilespmem:s6], [sflag:$0x1], $0x10, s16, s9, $0xb8;
	[tilespmem:$0x6EA0] =	vst v63  }
0x25: {  	s17 =	simm.s32 $0xFC0  }
0x26: {  	[spmem:s2] =	stream.indirect.scatter.add.f32 [tilespmem:s6], [sflag:$0x1], $0x10, s17, s9, $0xb8;
	[tilespmem:$0x6EA0] =	vst v63  }
0x27: {  	s18 =	simm.s32 $0x11B8  }
0x28: {  	[spmem:s2] =	stream.indirect.scatter.add.f32 [tilespmem:s6], [sflag:$0x1], $0x10, s18, s9, $0xb8;
	[tilespmem:$0x6EA0] =	vst v63  }
0x29: {  	s19 =	simm.s32 $0x13B0  }
0x2a: {  	[spmem:s2] =	stream.indirect.scatter.add.f32 [tilespmem:s6], [sflag:$0x1], $0x10, s19, s9, $0xb8;
	[tilespmem:$0x6EA0] =	vst v63  }
0x2b: {  	s20 =	simm.s32 $0x15A8  }
0x2c: {  	[spmem:s2] =	stream.indirect.scatter.add.f32 [tilespmem:s6], [sflag:$0x1], $0x10, s20, s9, $0xb8;
	[tilespmem:$0x6EA0] =	vst v63  }
0x2d: {  	s21 =	simm.s32 $0x17A0  }
0x2e: {  	[spmem:s2] =	stream.indirect.scatter.add.f32 [tilespmem:s6], [sflag:$0x1], $0x10, s21, s9, $0xb8;
	[tilespmem:$0x6EA0] =	vst v63  }
0x2f: {  	s22 =	simm.s32 $0x1998  }
0x30: {  	[spmem:s2] =	stream.indirect.scatter.add.f32 [tilespmem:s6], [sflag:$0x1], $0x10, s22, s9, $0xb8;
	[tilespmem:$0x6EA0] =	vst v63  }
0x31: {  	s23 =	simm.s32 $0x1B90  }
0x32: {  	[spmem:s2] =	stream.indirect.scatter.add.f32 [tilespmem:s6], [sflag:$0x1], $0x10, s23, s9, $0xb8;
	[tilespmem:$0x6EA0] =	vst v63  }
0x33: {  	s24 =	simm.s32 $0x1D88  }
0x34: {  	[spmem:s2] =	stream.indirect.scatter.add.f32 [tilespmem:s6], [sflag:$0x1], $0x10, s24, s9, $0xb8;
	[tilespmem:$0x6EA0] =	vst v63  }
0x35: {  	s25 =	simm.s32 $0x1F80  }
0x36: {  	[spmem:s2] =	stream.indirect.scatter.add.f32 [tilespmem:s6], [sflag:$0x1], $0x10, s25, s9, $0xb8;
	[tilespmem:$0x6EA0] =	vst v63  }
0x37: {  	s26 =	simm.s32 $0x2178  }
0x38: {  	[spmem:s2] =	stream.indirect.scatter.add.f32 [tilespmem:s6], [sflag:$0x1], $0x10, s26, s9, $0xb8;
	[tilespmem:$0x6EA0] =	vst v63  }
0x39: {  	s28 =	simm.s32 $0x2370  }
0x3a: {  	[spmem:s2] =	stream.indirect.scatter.add.f32 [tilespmem:s6], [sflag:$0x1], $0x10, s28, s9, $0xb8;
	[tilespmem:$0x6EA0] =	vst v63  }
0x3b: {  	s29 =	simm.s32 $0x2568;
	s30 =	simm.s32 $0x1  }
0x3c: {  	[spmem:s2] =	stream.indirect.scatter.add.f32 [tilespmem:s6], [sflag:$0x1], $0x10, s29, s9, $0xb8;
	[tilespmem:$0x6EA0] =	vst v63  }
0x3d: {  	_ =	swait.ge [sflag:s30], $0x1F40  }
0x3e: {  	[sflag:s30] =	ssyncset.done $0x0  }
0x3f: {  	[sflag:s30] =	ssyncadd.s32 $0xFFFFE0C0  }
0x40: {  	_ =	swait.ge [sflag:s30], $0x1F40  }
0x41: {  	[sflag:s30] =	ssyncset.done $0x0  }
0x42: {  	[sflag:s30] =	ssyncadd.s32 $0xFFFFE0C0  }
0x43: {  	_ =	swait.ge [sflag:s30], $0x1F40  }
0x44: {  	[sflag:s30] =	ssyncset.done $0x0  }
0x45: {  	[sflag:s30] =	ssyncadd.s32 $0xFFFFE0C0  }
0x46: {  	_ =	swait.ge [sflag:s30], $0x1F40  }
0x47: {  	[sflag:s30] =	ssyncset.done $0x0  }
0x48: {  	[sflag:s30] =	ssyncadd.s32 $0xFFFFE0C0  }
0x49: {  	_ =	swait.ge [sflag:s30], $0x1F40  }
0x4a: {  	[sflag:s30] =	ssyncset.done $0x0  }
0x4b: {  	[sflag:s30] =	ssyncadd.s32 $0xFFFFE0C0  }
0x4c: {  	_ =	swait.ge [sflag:s30], $0x1F40  }
0x4d: {  	[sflag:s30] =	ssyncset.done $0x0  }
0x4e: {  	[sflag:s30] =	ssyncadd.s32 $0xFFFFE0C0  }
0x4f: {  	_ =	swait.ge [sflag:s30], $0x1F40  }
0x50: {  	[sflag:s30] =	ssyncset.done $0x0  }
0x51: {  	[sflag:s30] =	ssyncadd.s32 $0xFFFFE0C0  }
0x52: {  	_ =	swait.ge [sflag:s30], $0x1F40  }
0x53: {  	[sflag:s30] =	ssyncset.done $0x0  }
0x54: {  	[sflag:s30] =	ssyncadd.s32 $0xFFFFE0C0  }
0x55: {  	_ =	swait.ge [sflag:s30], $0x1F40  }
0x56: {  	[sflag:s30] =	ssyncset.done $0x0  }
0x57: {  	[sflag:s30] =	ssyncadd.s32 $0xFFFFE0C0  }
0x58: {  	_ =	swait.ge [sflag:s30], $0x1F40  }
0x59: {  	[sflag:s30] =	ssyncset.done $0x0  }
0x5a: {  	[sflag:s30] =	ssyncadd.s32 $0xFFFFE0C0  }
0x5b: {  	_ =	swait.ge [sflag:s30], $0x1F40  }
0x5c: {  	[sflag:s30] =	ssyncset.done $0x0  }
0x5d: {  	[sflag:s30] =	ssyncadd.s32 $0xFFFFE0C0  }
0x5e: {  	_ =	swait.ge [sflag:s30], $0x1F40  }
0x5f: {  	[sflag:s30] =	ssyncset.done $0x0  }
0x60: {  	[sflag:s30] =	ssyncadd.s32 $0xFFFFE0C0  }
0x61: {  	_ =	swait.ge [sflag:s30], $0x1F40  }
0x62: {  	[sflag:s30] =	ssyncset.done $0x0  }
0x63: {  	[sflag:s30] =	ssyncadd.s32 $0xFFFFE0C0  }
0x64: {  	_ =	swait.ge [sflag:s30], $0x1F40  }
0x65: {  	[sflag:s30] =	ssyncset.done $0x0  }
0x66: {  	[sflag:s30] =	ssyncadd.s32 $0xFFFFE0C0  }
0x67: {  	_ =	swait.ge [sflag:s30], $0x1F40  }
0x68: {  	[sflag:s30] =	ssyncset.done $0x0  }
0x69: {  	[sflag:s30] =	ssyncadd.s32 $0xFFFFE0C0  }
0x6a: {  	_ =	swait.ge [sflag:s30], $0x1F40  }
0x6b: {  	[sflag:s30] =	ssyncset.done $0x0  }
0x6c: {  	[sflag:s30] =	ssyncadd.s32 $0xFFFFE0C0  }
0x6d: {  	_ =	swait.ge [sflag:s30], $0x1F40  }
0x6e: {  	[sflag:s30] =	ssyncset.done $0x0  }
0x6f: {  	[sflag:s30] =	ssyncadd.s32 $0xFFFFE0C0  }
0x70: {  	_ =	swait.ge [sflag:s30], $0x1F40  }
0x71: {  	[sflag:s30] =	ssyncset.done $0x0  }
0x72: {  	s0 =	smul.u32 $0x28000, s31;
	[sflag:s30] =	ssyncadd.s32 $0xFFFFE0C0  }
0x73: {  	_ =	swait.ge [sflag:s30], $0x1F40  }
0x74: {  	s0 =	sadd.s32 s1, s0;
	[sflag:s30] =	ssyncset.done $0x0  }
0x75: {  	s1 =	ssub.s32 $0x2, s31;
	s0 =	sshrl.u32 s0, $0x3;
	[sflag:s30] =	ssyncadd.s32 $0xFFFFE0C0  }
0x76: {  	_ =	swait.ge [sflag:s30], $0x1F40;
	[dreg:$0x5] =	wrdreg s0;
	s0 =	sshrl.u32 s1, $0x1  }
0x77: {  	[dreg:$0x6] =	wrdreg s0  }
0x78: {  	[sflag:s30] =	ssyncset.done $0x0;
	s31 =	rddreg [dreg:$0x5]  }
0x79: {  	s0 =	rddreg [dreg:$0x0]  }
0x7a: {  	s0 =	sadd.s32 s31, s0;
	s31 =	rddreg [dreg:$0x6]  }
0x7b: {  	s1 =	ssub.s32 s1, s31  }
0x7c: {  	s1 =	smax.u32 s1, $0x1  }
0x7d: {  	p0 =	sne.s32 s1, $0x1  }
.Ltmp0:
0x7e: {  	[sflag:s30] =	ssyncadd.s32 $0xFFFFE0C0;
	(pc) =	sbr.rel @!p0 .LBB2_2-.Ltmp0, $4  }
0x7f: {  	[bflag:$0x0] =	sbarrier.arrive $0xFFFF;
	s31 =	sadd.s32 $0xD200, s0  }
0x80: {  	[hbm:s31], [sflag:s7] =	dma.local [spmem:s8], $0x500  }
0x81: {  	_ =	swait.ge [sflag:s4], $0x500  }
0x82: {  	s0 =	sadd.s32 $0xFFFFFFFF, s1;
	[sflag:s4] =	ssyncset.done $0x0  }
.LBB2_1:
0x83: {  	[sflag:s4] =	ssyncadd.s32 $0xFFFFFB00  }
0x84: {  	[tilespmem:s3], [sflag:$0x2] =	stream.linear.gather [hbm4b:s5+s3], $0x2760, $0x38;
	[tilespmem:$0x6EA0] =	vst v63  }
0x85: {  	_ =	swait.ge [sflag:s4], $0x2760  }
0x86: {  	[sflag:s4] =	ssyncset.done $0x0  }
0x87: {  	s1 =	rddreg [dreg:$0x3];
	[sflag:s4] =	ssyncadd.s32 $0xFFFFD8A0  }
0x88: {  	[tilespmem:s6], [sflag:$0x2] =	stream.linear.gather [hbm4b:s1+s3], $0x1F40, $0x38;
	[tilespmem:$0x6EA0] =	vst v63  }
0x89: {  	_ =	swait.ge [sflag:s4], $0x1F40  }
0x8a: {  	[sflag:s4] =	ssyncset.done $0x0  }
0x8b: {  	s1 =	rddreg [dreg:$0x4];
	[sflag:s4] =	ssyncadd.s32 $0xFFFFE0C0  }
0x8c: {  	[spmem:s8], [sflag:s7] =	dma.local [hbm:s1], $0x500  }
0x8d: {  	_ =	swait.ge [sflag:s4], $0x500  }
0x8e: {  	[sflag:s4] =	ssyncset.done $0x0  }
0x8f: {  	[sflag:s4] =	ssyncadd.s32 $0xFFFFFB00  }
0x90: {  	[bflag:$0x0] =	sbarrier.arrive $0xFFFF  }
0x91: {  	[spmem:s2] =	stream.indirect.scatter.add.f32 [tilespmem:s6], [sflag:$0x1], $0x10, s3, s9, $0xb8;
	[tilespmem:$0x6EA0] =	vst v63  }
0x92: {  	_ = 	snop  }
0x93: {  	[spmem:s2] =	stream.indirect.scatter.add.f32 [tilespmem:s6], [sflag:$0x1], $0x10, s10, s9, $0xb8;
	[tilespmem:$0x6EA0] =	vst v63  }
0x94: {  	_ = 	snop  }
0x95: {  	[spmem:s2] =	stream.indirect.scatter.add.f32 [tilespmem:s6], [sflag:$0x1], $0x10, s11, s9, $0xb8;
	[tilespmem:$0x6EA0] =	vst v63  }
0x96: {  	_ = 	snop  }
0x97: {  	[spmem:s2] =	stream.indirect.scatter.add.f32 [tilespmem:s6], [sflag:$0x1], $0x10, s12, s9, $0xb8;
	[tilespmem:$0x6EA0] =	vst v63  }
0x98: {  	_ = 	snop  }
0x99: {  	[spmem:s2] =	stream.indirect.scatter.add.f32 [tilespmem:s6], [sflag:$0x1], $0x10, s13, s9, $0xb8;
	[tilespmem:$0x6EA0] =	vst v63  }
0x9a: {  	_ = 	snop  }
0x9b: {  	[spmem:s2] =	stream.indirect.scatter.add.f32 [tilespmem:s6], [sflag:$0x1], $0x10, s14, s9, $0xb8;
	[tilespmem:$0x6EA0] =	vst v63  }
0x9c: {  	_ = 	snop  }
0x9d: {  	[spmem:s2] =	stream.indirect.scatter.add.f32 [tilespmem:s6], [sflag:$0x1], $0x10, s15, s9, $0xb8;
	[tilespmem:$0x6EA0] =	vst v63  }
0x9e: {  	_ = 	snop  }
0x9f: {  	[spmem:s2] =	stream.indirect.scatter.add.f32 [tilespmem:s6], [sflag:$0x1], $0x10, s16, s9, $0xb8;
	[tilespmem:$0x6EA0] =	vst v63  }
0xa0: {  	_ = 	snop  }
0xa1: {  	[spmem:s2] =	stream.indirect.scatter.add.f32 [tilespmem:s6], [sflag:$0x1], $0x10, s17, s9, $0xb8;
	[tilespmem:$0x6EA0] =	vst v63  }
0xa2: {  	_ = 	snop  }
0xa3: {  	[spmem:s2] =	stream.indirect.scatter.add.f32 [tilespmem:s6], [sflag:$0x1], $0x10, s18, s9, $0xb8;
	[tilespmem:$0x6EA0] =	vst v63  }
0xa4: {  	_ = 	snop  }
0xa5: {  	[spmem:s2] =	stream.indirect.scatter.add.f32 [tilespmem:s6], [sflag:$0x1], $0x10, s19, s9, $0xb8;
	[tilespmem:$0x6EA0] =	vst v63  }
0xa6: {  	_ = 	snop  }
0xa7: {  	[spmem:s2] =	stream.indirect.scatter.add.f32 [tilespmem:s6], [sflag:$0x1], $0x10, s20, s9, $0xb8;
	[tilespmem:$0x6EA0] =	vst v63  }
0xa8: {  	_ = 	snop  }
0xa9: {  	[spmem:s2] =	stream.indirect.scatter.add.f32 [tilespmem:s6], [sflag:$0x1], $0x10, s21, s9, $0xb8;
	[tilespmem:$0x6EA0] =	vst v63  }
0xaa: {  	_ = 	snop  }
0xab: {  	[spmem:s2] =	stream.indirect.scatter.add.f32 [tilespmem:s6], [sflag:$0x1], $0x10, s22, s9, $0xb8;
	[tilespmem:$0x6EA0] =	vst v63  }
0xac: {  	_ = 	snop  }
0xad: {  	[spmem:s2] =	stream.indirect.scatter.add.f32 [tilespmem:s6], [sflag:$0x1], $0x10, s23, s9, $0xb8;
	[tilespmem:$0x6EA0] =	vst v63  }
0xae: {  	_ = 	snop  }
0xaf: {  	[spmem:s2] =	stream.indirect.scatter.add.f32 [tilespmem:s6], [sflag:$0x1], $0x10, s24, s9, $0xb8;
	[tilespmem:$0x6EA0] =	vst v63  }
0xb0: {  	_ = 	snop  }
0xb1: {  	[spmem:s2] =	stream.indirect.scatter.add.f32 [tilespmem:s6], [sflag:$0x1], $0x10, s25, s9, $0xb8;
	[tilespmem:$0x6EA0] =	vst v63  }
0xb2: {  	_ = 	snop  }
0xb3: {  	[spmem:s2] =	stream.indirect.scatter.add.f32 [tilespmem:s6], [sflag:$0x1], $0x10, s26, s9, $0xb8;
	[tilespmem:$0x6EA0] =	vst v63  }
0xb4: {  	_ = 	snop  }
0xb5: {  	[spmem:s2] =	stream.indirect.scatter.add.f32 [tilespmem:s6], [sflag:$0x1], $0x10, s28, s9, $0xb8;
	[tilespmem:$0x6EA0] =	vst v63  }
0xb6: {  	_ = 	snop  }
0xb7: {  	[spmem:s2] =	stream.indirect.scatter.add.f32 [tilespmem:s6], [sflag:$0x1], $0x10, s29, s9, $0xb8;
	[tilespmem:$0x6EA0] =	vst v63  }
0xb8: {  	_ =	swait.ge [sflag:s30], $0x1F40  }
0xb9: {  	[sflag:s30] =	ssyncset.done $0x0  }
0xba: {  	[sflag:s30] =	ssyncadd.s32 $0xFFFFE0C0  }
0xbb: {  	_ =	swait.ge [sflag:s30], $0x1F40  }
0xbc: {  	[sflag:s30] =	ssyncset.done $0x0  }
0xbd: {  	[sflag:s30] =	ssyncadd.s32 $0xFFFFE0C0  }
0xbe: {  	_ =	swait.ge [sflag:s30], $0x1F40  }
0xbf: {  	[sflag:s30] =	ssyncset.done $0x0  }
0xc0: {  	[sflag:s30] =	ssyncadd.s32 $0xFFFFE0C0  }
0xc1: {  	_ =	swait.ge [sflag:s30], $0x1F40  }
0xc2: {  	[sflag:s30] =	ssyncset.done $0x0  }
0xc3: {  	[sflag:s30] =	ssyncadd.s32 $0xFFFFE0C0  }
0xc4: {  	_ =	swait.ge [sflag:s30], $0x1F40  }
0xc5: {  	[sflag:s30] =	ssyncset.done $0x0  }
0xc6: {  	[sflag:s30] =	ssyncadd.s32 $0xFFFFE0C0  }
0xc7: {  	_ =	swait.ge [sflag:s30], $0x1F40  }
0xc8: {  	[sflag:s30] =	ssyncset.done $0x0  }
0xc9: {  	[sflag:s30] =	ssyncadd.s32 $0xFFFFE0C0  }
0xca: {  	_ =	swait.ge [sflag:s30], $0x1F40  }
0xcb: {  	[sflag:s30] =	ssyncset.done $0x0  }
0xcc: {  	[sflag:s30] =	ssyncadd.s32 $0xFFFFE0C0  }
0xcd: {  	_ =	swait.ge [sflag:s30], $0x1F40  }
0xce: {  	[sflag:s30] =	ssyncset.done $0x0  }
0xcf: {  	[sflag:s30] =	ssyncadd.s32 $0xFFFFE0C0  }
0xd0: {  	_ =	swait.ge [sflag:s30], $0x1F40  }
0xd1: {  	[sflag:s30] =	ssyncset.done $0x0  }
0xd2: {  	[sflag:s30] =	ssyncadd.s32 $0xFFFFE0C0  }
0xd3: {  	_ =	swait.ge [sflag:s30], $0x1F40  }
0xd4: {  	[sflag:s30] =	ssyncset.done $0x0  }
0xd5: {  	[sflag:s30] =	ssyncadd.s32 $0xFFFFE0C0  }
0xd6: {  	_ =	swait.ge [sflag:s30], $0x1F40  }
0xd7: {  	[sflag:s30] =	ssyncset.done $0x0  }
0xd8: {  	[sflag:s30] =	ssyncadd.s32 $0xFFFFE0C0  }
0xd9: {  	_ =	swait.ge [sflag:s30], $0x1F40  }
0xda: {  	[sflag:s30] =	ssyncset.done $0x0  }
0xdb: {  	[sflag:s30] =	ssyncadd.s32 $0xFFFFE0C0  }
0xdc: {  	_ =	swait.ge [sflag:s30], $0x1F40  }
0xdd: {  	[sflag:s30] =	ssyncset.done $0x0  }
0xde: {  	[sflag:s30] =	ssyncadd.s32 $0xFFFFE0C0  }
0xdf: {  	_ =	swait.ge [sflag:s30], $0x1F40  }
0xe0: {  	[sflag:s30] =	ssyncset.done $0x0  }
0xe1: {  	[sflag:s30] =	ssyncadd.s32 $0xFFFFE0C0  }
0xe2: {  	_ =	swait.ge [sflag:s30], $0x1F40  }
0xe3: {  	[sflag:s30] =	ssyncset.done $0x0  }
0xe4: {  	[sflag:s30] =	ssyncadd.s32 $0xFFFFE0C0  }
0xe5: {  	_ =	swait.ge [sflag:s30], $0x1F40  }
0xe6: {  	[sflag:s30] =	ssyncset.done $0x0  }
0xe7: {  	[sflag:s30] =	ssyncadd.s32 $0xFFFFE0C0  }
0xe8: {  	_ =	swait.ge [sflag:s30], $0x1F40  }
0xe9: {  	[sflag:s30] =	ssyncset.done $0x0  }
0xea: {  	[sflag:s30] =	ssyncadd.s32 $0xFFFFE0C0  }
0xeb: {  	_ =	swait.ge [sflag:s30], $0x1F40  }
0xec: {  	[sflag:s30] =	ssyncset.done $0x0  }
0xed: {  	[sflag:s30] =	ssyncadd.s32 $0xFFFFE0C0  }
0xee: {  	_ =	swait.ge [sflag:s30], $0x1F40  }
0xef: {  	[sflag:s30] =	ssyncset.done $0x0  }
0xf0: {  	[sflag:s30] =	ssyncadd.s32 $0xFFFFE0C0  }
0xf1: {  	_ =	swait.ge [sflag:s30], $0x1F40  }
0xf2: {  	p0 =	sne.s32 s0, $0x1;
	[sflag:s30] =	ssyncset.done $0x0  }
.Ltmp1:
0xf3: {  	[sflag:s30] =	ssyncadd.s32 $0xFFFFE0C0;
	(pc) =	sbr.rel @p0 .LBB2_1-.Ltmp1, $4  }
0xf4: {  	[bflag:$0x0] =	sbarrier.arrive $0xFFFF  }
0xf5: {  	[hbm:s31], [sflag:s7] =	dma.local [spmem:s8], $0x500  }
0xf6: {  	_ =	swait.ge [sflag:s4], $0x500  }
0xf7: {  	s0 =	sadd.s32 $0xFFFFFFFF, s0;
	[sflag:s4] =	ssyncset.done $0x0  }
.LBB2_2:
0xf8: {  	[sflag:s4] =	ssyncadd.s32 $0xFFFFFB00  }
0xf9: {  	_ =	sfence.sel $0x180000  }
0xfa: {  	[bflag:$0x0] =	sbarrier.arrive $0xFFFF  }
0xfb: {  	_ =	strace $0x90000047  }
0xfc: {  	s0 =	stileid.u32;
	[bflag:$0x2] =	sbarrier.arrive $0xFFFF  }
0xfd: {  	p0 =	sne.s32 s0, $0x0;
	s0 =	rddreg [dreg:$0x2]  }
0xfe: {  	s0 =	sadd.s32 @!p0 $0x100000, s0  }
0xff: {  	[sflag:s0] =	ssyncadd.tile.s32 @!p0 $0x1;
	_ =	shalt  }
.Lfunc_end2:
_tile_overlayer_lowered:
.L_overlay_start_2:
0x100: {  	(tag) =	ssettag $0x2  }
0x101: {  	s0 =	rddreg [dreg:$0x0];
	s2 =	stileid.u32  }
0x102: {  	s1 =	rddreg [dreg:$0x1];
	p0 =	sne.s32 s2, $0x0  }
0x103: {  	s3 =	rddreg [dreg:$0x2];
	[bflag:$0x3] =	sbarrier.arrive $0xFFFF;
	s2 =	simm.s32 @!p0 $0x1C02  }
0x104: {  	[timem:s3], [sflag:s2] =	dma.local @!p0 [hbm:s0], s1  }
0x105: {  	s0 =	simm.s32 @!p0 $0x2  }
0x106: {  	_ =	swait.ge @!p0 [sflag:s0], s1  }
0x107: {  	s1 =	ssub.s32 @!p0 $0x0, s1;
	[sflag:s0] =	ssyncset.done @!p0 $0x0  }
0x108: {  	[sflag:s0] =	ssyncadd.s32 @!p0 s1  }
0x109: {  	[bflag:$0x3] =	sbarrier.arrive $0xFFFF  }
0x10a: {  	_ =	shalt  }

// kernel: kernel.13.cloned.1.call-start
scs
__scs_entry_jumppad:
0x0: {  	(pc) =	sbr.rel $0x88, $3  }
0x1: {  	(tag) =	ssettag $0x0;
	lr =	simm.s32 $0x1  }
0x2: {  	[smem:$0x3F94] =	sst lr;
	_ =	strace $0xD0000000  }
0x3: {  	_ = 	snop  }
0x4: {  	_ = 	snop  }
0x5: {  	_ = 	snop  }
0x6: {  	_ = 	snop  }
0x7: {  	_ = 	snop  }
__scs_overlays_trampoline_lowered:
0x8: {  	[smem:$0x3FA3] =	sst s0  }
0x9: {  	[smem:$0x3FA4] =	sst s1  }
0xa: {  	[smem:$0x3FA5] =	sst s2  }
0xb: {  	[smem:$0x3FA6] =	sst s3  }
0xc: {  	[smem:$0x3FA7] =	sst s4  }
0xd: {  	[smem:$0x3FA8] =	sst s5  }
0xe: {  	[smem:$0x3FA9] =	sst s6  }
0xf: {  	[smem:$0x3FAA] =	sst s7  }
0x10: {  	[smem:$0x3FAB] =	sst s8  }
0x11: {  	[smem:$0x3FAC] =	sst s9;
	s0 =	simm.s32 @!p0 $0x0  }
0x12: {  	s1 =	sld [smem:$0x3F92];
	s0 =	simm.s32 @p0 $0x1  }
0x13: {  	[smem:$0x3FAD] =	sst s0;
	s0 =	simm.s32 @!p1 $0x0  }
0x14: {  	s2 =	sld [smem:$0x3F91];
	s0 =	simm.s32 @p1 $0x1  }
0x15: {  	[smem:$0x3FAE] =	sst s0;
	s0 =	simm.s32 @!p2 $0x0  }
0x16: {  	s3 =	sld [smem:$0x3FDB];
	s0 =	simm.s32 @p2 $0x1  }
0x17: {  	s4 =	simm.s32 $0x1BF5;
	[smem:$0x3FB0] =	sst s0  }
0x18: {  	s0 =	sld [smem:$0x3F93];
	_ =	swait.ge [sflag:s4], $0x0  }
0x19: {  	s7 =	sld [smem:$0x3F94]  }
0x1a: {  	s8 =	sadd.s32 $0xFFFFE003, lr  }
0x1b: {  	s9 =	sadd.s32 $0xFFFFFEF7, lr;
	s5 =	simm.s32 $0xFFFFFFFF;
	p2 =	slt.u32 s8, $0xFFFFF086  }
0x1c: {  	p1 =	slt.u32 s9, $0xF7A;
	s5 =	simm.s32 @!p2 $0x0  }
0x1d: {  	s5 =	simm.s32 @p1 $0x1;
	p0 =	seq.s32 s7, s2  }
0x1e: {  	s7 =	smul.u32 @!p0 $0xF7A, s2;
	p2 =	seq.s32 @!p0 s5, $0x0  }
0x1f: {  	s9 =	smul.u32 $0xF7A, s1;
	s8 =	simm.s32 @!p0 $0x1BF5;
	p2 =	por !p2, p0  }
0x20: {  	[sflag:s8] =	ssyncset.s32 @!p0 $0xFFFFF086;
	s6 =	sadd.s32 @!p0 s3, s7;
	s7 =	simm.s32 @!p0 $0x108  }
0x21: {  	s3 =	sadd.s32 s3, s9;
	s6 =	sadd.s32 @!p0 $0x88, s6;
	s7 =	simm.s32 @p2 $0x1082  }
0x22: {  	[simem:s7], [sflag:s8] =	dma.local @!p0 [hbm:s6], $0xF7A  }
0x23: {  	s9 =	sor.u32 $0xD0000000, s2;
	s6 =	simm.s32 $0x108;
	_ =	swait.ge @!p0 [sflag:s8], $0x0  }
0x24: {  	s3 =	sadd.s32 $0x88, s3;
	s6 =	simm.s32 @!p1 $0x1082;
	[sflag:s4] =	ssyncset.s32 $0xFFFFF086  }
0x25: {  	[simem:s6], [sflag:s4] =	dma.local [hbm:s3], $0xF7A  }
0x26: {  	[smem:$0x3F94] =	sst s1;
	(tag) =	ssettag s2;
	_ =	strace s9  }
0x27: {  	s1 =	sld [smem:$0x3FA4]  }
0x28: {  	s2 =	sld [smem:$0x3FA5]  }
0x29: {  	s4 =	sld [smem:$0x3FA7]  }
0x2a: {  	p0 =	seq.s32 s5, $0x0;
	s5 =	sld [smem:$0x3FA8]  }
0x2b: {  	s6 =	sld [smem:$0x3FA9]  }
0x2c: {  	s7 =	sld [smem:$0x3FAA]  }
0x2d: {  	s3 =	simm.s32 $0x108;
	s8 =	sld [smem:$0x3FAB]  }
0x2e: {  	s3 =	simm.s32 @!p0 $0x1082;
	s9 =	sld [smem:$0x3FAC]  }
0x2f: {  	lr =	sadd.s32 s0, s3;
	s0 =	sld [smem:$0x3FA3]  }
0x30: {  	s3 =	sld [smem:$0x3FA6]  }
0x31: {  	[smem:$0x3FAF] =	sst s10  }
0x32: {  	s10 =	sld [smem:$0x3FAD];
	_ =	sdelay $0x3  }
0x33: {  	p0 =	seq.s32 s10, $0x1;
	s10 =	sld [smem:$0x3FAF];
	_ =	sdelay $0x3  }
0x34: {  	[smem:$0x3FAF] =	sst s10  }
0x35: {  	s10 =	sld [smem:$0x3FAE];
	_ =	sdelay $0x3  }
0x36: {  	p1 =	seq.s32 s10, $0x1;
	s10 =	sld [smem:$0x3FAF];
	_ =	sdelay $0x3  }
0x37: {  	[smem:$0x3FAF] =	sst s10  }
0x38: {  	s10 =	sld [smem:$0x3FB0]  }
0x39: {  	_ = 	snop;
	(pc) =	sbr.ind lr, $3  }
0x3a: {  	_ = 	snop  }
0x3b: {  	_ = 	snop  }
0x3c: {  	p2 =	seq.s32 s10, $0x1;
	s10 =	sld [smem:$0x3FAF]  }
0x3d: {  	_ =	shalt  }
0x3e: {  	_ =	shalt  }
0x3f: {  	_ =	shalt  }
0x40: {  	_ =	shalt  }
0x41: {  	_ =	shalt  }
0x42: {  	_ =	shalt  }
0x43: {  	_ =	shalt  }
0x44: {  	_ =	shalt  }
0x45: {  	_ =	shalt  }
0x46: {  	_ =	shalt  }
0x47: {  	_ =	shalt  }
0x48: {  	_ =	shalt  }
0x49: {  	_ =	shalt  }
0x4a: {  	_ =	shalt  }
0x4b: {  	_ =	shalt  }
0x4c: {  	_ =	shalt  }
0x4d: {  	_ =	shalt  }
0x4e: {  	_ =	shalt  }
0x4f: {  	_ =	shalt  }
0x50: {  	_ =	shalt  }
0x51: {  	_ =	shalt  }
0x52: {  	_ =	shalt  }
0x53: {  	_ =	shalt  }
0x54: {  	_ =	shalt  }
0x55: {  	_ =	shalt  }
0x56: {  	_ =	shalt  }
0x57: {  	_ =	shalt  }
0x58: {  	_ =	shalt  }
0x59: {  	_ =	shalt  }
0x5a: {  	_ =	shalt  }
0x5b: {  	_ =	shalt  }
0x5c: {  	_ =	shalt  }
0x5d: {  	_ =	shalt  }
0x5e: {  	_ =	shalt  }
0x5f: {  	_ =	shalt  }
0x60: {  	_ =	shalt  }
0x61: {  	_ =	shalt  }
0x62: {  	_ =	shalt  }
0x63: {  	_ =	shalt  }
0x64: {  	_ =	shalt  }
0x65: {  	_ =	shalt  }
0x66: {  	_ =	shalt  }
0x67: {  	_ =	shalt  }
0x68: {  	_ =	shalt  }
0x69: {  	_ =	shalt  }
0x6a: {  	_ =	shalt  }
0x6b: {  	_ =	shalt  }
0x6c: {  	_ =	shalt  }
0x6d: {  	_ =	shalt  }
0x6e: {  	_ =	shalt  }
0x6f: {  	_ =	shalt  }
0x70: {  	_ =	shalt  }
0x71: {  	_ =	shalt  }
0x72: {  	_ =	shalt  }
0x73: {  	_ =	shalt  }
0x74: {  	_ =	shalt  }
0x75: {  	_ =	shalt  }
0x76: {  	_ =	shalt  }
0x77: {  	_ =	shalt  }
0x78: {  	_ =	shalt  }
0x79: {  	_ =	shalt  }
0x7a: {  	_ =	shalt  }
0x7b: {  	_ =	shalt  }
0x7c: {  	_ =	shalt  }
0x7d: {  	_ =	shalt  }
0x7e: {  	_ =	shalt  }
0x7f: {  	_ =	shalt  }
0x80: {  	_ =	shalt  }
0x81: {  	_ =	shalt  }
0x82: {  	_ =	shalt  }
0x83: {  	_ =	shalt  }
0x84: {  	_ =	shalt  }
0x85: {  	_ =	shalt  }
0x86: {  	_ =	shalt  }
0x87: {  	_ =	shalt  }
.Lfunc_end0:
.L_simem_size_0:
called_computation.1_lowered:
.L_overlay_start_0:
0x88: {  	s2 =	sld [smem:$0x3FD9]  }
0x89: {  	s3 =	sld [smem:$0x3FFE];
	_ =	sdelay $0x1  }
0x8a: {  	s1 =	srdreg.scid  }
0x8b: {  	s0 =	sand.u32 $0x1, s1  }
0x8c: {  	s16 =	sshll.u32 s0, $0xA;
	s2 =	sadd.s32 s3, s2  }
0x8d: {  	s2 =	sadd.s32 s2, s16  }
0x8e: {  	[smem:$0x3FBB] =	sst s2  }
0x8f: {  	_ = 	snop  }
0x90: {  	(tm) =	ssettm $0x1  }
0x91: {  	s17 =	sld [smem:$0x3FFB];
	_ =	sdelay $0x3  }
0x92: {  	_ =	strace s17  }
0x93: {  	s2 =	sld [smem:$0x3FFC];
	_ =	sdelay $0x3  }
0x94: {  	_ =	strace s2  }
0x95: {  	s2 =	sld [smem:$0x3FFD];
	_ =	sdelay $0x3  }
0x96: {  	_ =	strace s2  }
0x97: {  	_ =	strace $0x8FFFFFFF  }
0x98: {  	s18 =	sld [smem:$0x3FDB];
	_ =	sdelay $0x1  }
0x99: {  	s19 =	simm.s32 $_scs_section_size  }
0x9a: {  	s4 =	simm.s32 $_size__tile_overlayer_lowered;
	s5 =	simm.s32 $_tile_overlayer_lowered  }
0x9b: {  	s22 =	simm.s32 $0x1BFF;
	s21 =	sshll.u32 s5, $0x1;
	s2 =	sadd.s32 s19, s18  }
0x9c: {  	s6 =	simm.s32 $0x0;
	s20 =	sshll.u32 s4, $0x1;
	s4 =	sadd.s32 s21, s2  }
0x9d: {  	[timem:s6], [sflag:s22] =	dma.local [hbm:s4], s20  }
0x9e: {  	_ =	swait.ge [sflag:s22], s20  }
0x9f: {  	s3 =	ssub.s32 $0x0, s20;
	[sflag:s22] =	ssyncset.done $0x0  }
0xa0: {  	[sflag:s22] =	ssyncadd.s32 s3;
	_ =	sdelay $0x1  }
0xa1: {  	s23 =	simm.s32 $0x1B8B  }
0xa2: {  	_ =	swait.ge [sflag:s23], $0x1  }
0xa3: {  	[sflag:s23] =	ssyncset.done $0x0  }
0xa4: {  	s25 =	simm.s32 $0x1B8E;
	s24 =	sld [smem:$0x3FFE];
	[sflag:s23] =	ssyncadd.s32 $0xFFFFFFFF  }
0xa5: {  	s26 =	simm.s32 $execute0_lowered;
	[smem:$0x3FD2] =	sst s25  }
0xa6: {  	s4 =	sshll.u32 s26, $0x1;
	_ =	strace $0x80000049;
	[dreg:$0x1] =	wrdreg $0xFFFFFFFF  }
0xa7: {  	s28 =	simm.s32 $_size_execute0_lowered;
	s2 =	sadd.s32 s2, s4;
	[dreg:$0x0] =	wrdreg $0x0  }
0xa8: {  	s4 =	sshll.u32 s28, $0x1;
	[dreg:$0x2] =	wrdreg s2  }
0xa9: {  	[dreg:$0x3] =	wrdreg s4  }
0xaa: {  	[dreg:$0x4] =	wrdreg $0xC0  }
0xab: {  	_ =	task [dreg:s6], $0x5FFFF  }
0xac: {  	[dreg:$0x1] =	wrdreg $0xFFFFFFFF  }
0xad: {  	[dreg:$0x0] =	wrdreg $0x60  }
0xae: {  	[dreg:$0x2] =	wrdreg s24  }
0xaf: {  	[dreg:$0x3] =	wrdreg $0x8D000  }
0xb0: {  	[dreg:$0x4] =	wrdreg $0x9  }
0xb1: {  	_ =	task.clear_ibuf [dreg:s6], $0x5FFFF;
	_ =	strace $0x90000049  }
0xb2: {  	s29 =	simm.s32 $0x9;
	_ =	strace $0x8000004B  }
0xb3: {  	_ =	swait.ge [sflag:s29], $0x1  }
0xb4: {  	[sflag:s29] =	ssyncadd.s32 $0xFFFFFFFF  }
0xb5: {  	_ =	strace $0x9000004B  }
0xb6: {  	_ =	sfence  }
0xb7: {  	s30 =	sld [smem:$0x0];
	_ =	sdelay $0x2  }
0xb8: {  	s31 =	sshll.u32 s1, $0xD;
	s1 =	sshrl.u32 s1, $0x2  }
0xb9: {  	s3 =	sand.u32 $0x4000, s31;
	s1 =	sadd.s32 s1, s30  }
0xba: {  	s0 =	sor.u32 s3, s0;
	s1 =	sshll.u32 s1, $0x11  }
0xbb: {  	s0 =	sor.u32 s1, s0  }
0xbc: {  	s0 =	sadd.s32 $0x8F2B, s0  }
0xbd: {  	[sflag:s0] =	ssyncadd.remote.s32 $0x1  }
0xbe: {  	_ =	sfence.sel $0xFFFF  }
0xbf: {  	[dreg:$0x0] =	wrdreg $0xFFFFFFFF;
	(pc) =	sbr.abs _section_cstart, $3  }
0xc0: {  	[dreg:$0x1] =	wrdreg $0xFFFFFFFF  }
0xc1: {  	_ =	task.clear_ibuf [dreg:s6], $0x2FFFF;
	_ =	strace $0x9FFFFFFF  }
0xc2: {  	(tm) =	ssettm $0x7FFFFFFF  }
0xc3: {  	_ =	shalt  }
tec
execute0_lowered:
.L_overlay_start_1:
0x0: {  	(tag) =	ssettag $0x1  }
0x1: {  	s0 =	srdreg.scid  }
0x2: {  	s1 =	rddreg [dreg:$0x0];
	s10 =	stileid.u32  }
0x3: {  	s2 =	rddreg [dreg:$0x1];
	s3 =	simm.s32 $0x0;
	s13 =	simm.s32 $0x80  }
0x4: {  	s15 =	simm.s32 $0x100;
	s16 =	simm.s32 $0x880;
	s17 =	simm.s32 $0x180  }
0x5: {  	s18 =	simm.s32 $0x900;
	[smem:$0x7FF] =	sst s3;
	s9 =	sadd.s32 $0xC800, s1  }
0x6: {  	s19 =	simm.s32 $0x200;
	_ =	strace $0x8000004A;
	[dreg:$0x12] =	wrdreg s9  }
0x7: {  	s20 =	simm.s32 $0x980;
	s21 =	simm.s32 $0x280;
	[dreg:$0x5] =	wrdreg s13  }
0x8: {  	s22 =	simm.s32 $0xA00;
	s23 =	simm.s32 $0x300;
	[dreg:$0x6] =	wrdreg s15  }
0x9: {  	s28 =	simm.s32 $0x580;
	s5 =	smul.u32 $0x2800, s10;
	[dreg:$0x7] =	wrdreg s16  }
0xa: {  	s29 =	simm.s32 $0xD00;
	s6 =	smul.u32 $0x14000, s10;
	[dreg:$0x8] =	wrdreg s17  }
0xb: {  	s0 =	sand.u32 $0x1, s0;
	s26 =	smul.u32 $0x50000, s10;
	[dreg:$0x9] =	wrdreg s18  }
0xc: {  	s30 =	simm.s32 $0x600;
	s4 =	smul.u32 $0x28000, s0;
	[dreg:$0xa] =	wrdreg s19  }
0xd: {  	s31 =	simm.s32 $0xD80;
	s7 =	smul.u32 $0x140000, s0;
	[dreg:$0xb] =	wrdreg s20  }
0xe: {  	s8 =	ssub.s32 $0x2, s0;
	p0 =	seq.s32 s0, $0x1;
	[dreg:$0xc] =	wrdreg s21  }
0xf: {  	s15 =	simm.s32 $0x800;
	[dreg:$0xd] =	wrdreg s22;
	s16 =	simm.s32 $0x7D  }
0x10: {  	[dreg:$0xe] =	wrdreg s23;
	s17 =	simm.s32 $0x1000;
	s18 =	simm.s32 $0x4E80  }
0x11: {  	s19 =	simm.s32 $0x1;
	s20 =	simm.s32 $0x2;
	s21 =	simm.s32 $0x400  }
0x12: {  	s22 =	simm.s32 $0xB80;
	s23 =	simm.s32 $0x480;
	s24 =	sshrl.u32 s8, $0x1  }
0x13: {  	s9 =	sadd.s32 s6, s2;
	s11 =	sshrl.u32 s26, $0x2;
	s26 =	simm.s32 $0xB00  }
0x14: {  	s5 =	sadd.s32 s5, s4;
	s4 =	sadd.s32 $0x2B200, s1;
	s7 =	sadd.s32 s6, s7  }
0x15: {  	s25 =	ssub.s32 s8, s24;
	s6 =	sshrl.u32 s6, $0x3;
	[dreg:$0x13] =	wrdreg s9  }
0x16: {  	s24 =	simm.s32 $0xA80;
	[dreg:$0x11] =	wrdreg s26;
	s26 =	simm.s32 $0xC80  }
0x17: {  	s8 =	simm.s32 $0x780;
	s5 =	sshrl.u32 s5, $0x3;
	s7 =	sshrl.u32 s7, $0x3  }
0x18: {  	s0 =	sadd.s32 s4, s6;
	s14 =	smax.u32 s25, $0x1;
	[dreg:$0xf] =	wrdreg s24  }
0x19: {  	s25 =	simm.s32 $0x380;
	s24 =	simm.s32 $0xC00;
	[dreg:$0x14] =	wrdreg s0  }
0x1a: {  	s5 =	sadd.s32 s5, s1;
	s1 =	sadd.s32 s7, s1;
	[dreg:$0x16] =	wrdreg s14  }
0x1b: {  	s0 =	sadd.s32 s11, s2;
	[dreg:$0x10] =	wrdreg s25;
	s12 =	sadd.s32 $0x17200, s5  }
0x1c: {  	s14 =	simm.s32 $0x3;
	s1 =	sadd.s32 $0x53200, s1;
	[dreg:$0x3] =	wrdreg s12  }
0x1d: {  	s25 =	simm.s32 $0x500;
	s5 =	sadd.s32 $0x21200, s5;
	[dreg:$0x15] =	wrdreg s1  }
0x1e: {  	s7 =	simm.s32 $0xE80;
	s0 =	sshrl.u32 @p0 s0, $0x3;
	[dreg:$0x4] =	wrdreg s5  }
0x1f: {  	s11 =	simm.s32 $0x0;
	s5 =	sshll.u32 @p0 s10, $0x6;
	[dreg:$0x18] =	wrdreg s0  }
0x20: {  	s1 =	sshll.u32 @!p0 s10, $0x6;
	s0 =	simm.s32 $0xE00;
	s5 =	sor.u32 @p0 $0x1C03, s5  }
0x21: {  	s10 =	simm.s32 $0xF80;
	s1 =	sor.u32 @!p0 $0x1C03, s1;
	[dreg:$0x17] =	wrdreg s5  }
0x22: {  	[dreg:$0x19] =	wrdreg s1;
	s1 =	sshrl.u32 @!p0 s9, $0x3;
	s5 =	simm.s32 $0x700  }
0x23: {  	s9 =	simm.s32 $0xF00;
	[dreg:$0x1a] =	wrdreg s1;
	s1 =	simm.s32 $0x680  }
.LBB2_1:
0x24: {  	[dreg:$0x1b] =	wrdreg s11  }
0x25: {  	s6 =	rddreg [dreg:$0x12]  }
0x26: {  	s11 =	rddreg [dreg:$0x17]  }
0x27: {  	s12 =	rddreg [dreg:$0x18]  }
0x28: {  	[spmem:s12], [sflag:s11] =	dma.local @p0 [hbm:s6], $0x2800  }
0x29: {  	s6 =	rddreg [dreg:$0x14]  }
0x2a: {  	s11 =	rddreg [dreg:$0x19]  }
0x2b: {  	s12 =	rddreg [dreg:$0x1a]  }
0x2c: {  	[spmem:s12], [sflag:s11] =	dma.local @!p0 [hbm:s6], $0x2800  }
0x2d: {  	_ =	swait.ge [sflag:s14], $0x2800  }
0x2e: {  	[sflag:s14] =	ssyncset.done $0x0  }
0x2f: {  	[sflag:s14] =	ssyncadd.s32 $0xFFFFD800  }
0x30: {  	[bflag:$0x0] =	sbarrier.arrive $0xFFFF  }
0x31: {  	s11 =	rddreg [dreg:$0x4]  }
0x32: {  	s6 =	sadd.s32 $0x0, s11  }
0x33: {  	[tilespmem:s3], [sflag:$0x3] =	stream.linear.gather [hbm4b:s6+s3], $0x800, $0x38;
	[tilespmem:$0x1CD00] =	vst v63  }
0x34: {  	_ =	swait.ge [sflag:s14], $0x800  }
0x35: {  	s12 =	rddreg [dreg:$0x3];
	[sflag:s14] =	ssyncset.done $0x0  }
0x36: {  	[sflag:s14] =	ssyncadd.s32 $0xFFFFF800;
	s6 =	sadd.s32 $0x0, s12  }
0x37: {  	[tilespmem:s15], [sflag:$0x3] =	stream.linear.gather [hbm4b:s6+s3], $0x800, $0x38;
	[tilespmem:$0x1CD00] =	vst v63  }
0x38: {  	_ =	swait.ge [sflag:s14], $0x800  }
0x39: {  	[sflag:s14] =	ssyncset.done $0x0  }
0x3a: {  	[sflag:s14] =	ssyncadd.s32 $0xFFFFF800  }
0x3b: {  	[tilespmem:s17], [sflag:$0x1] =	stream.indirect.gather [hbm4b:s4+s16], $0x80, s3, s16, $0xb8;
	[tilespmem:$0x1CD00] =	vst v63  }
0x3c: {  	s13 =	rddreg [dreg:$0x5]  }
0x3d: {  	[tilespmem:s18], [sflag:$0x2] =	stream.indirect.gather [hbm4b:s4+s16], $0x80, s13, s16, $0xb8;
	[tilespmem:$0x1CD00] =	vst v63  }
0x3e: {  	_ =	swait.ge [sflag:s19], $0x3E80  }
0x3f: {  	[sflag:s19] =	ssyncset.done $0x0  }
0x40: {  	[sflag:s19] =	ssyncadd.s32 $0xFFFFC180  }
0x41: {  	[spmem:s2] =	stream.indirect.scatter.add.f32 [tilespmem:s17], [sflag:$0x3], $0x80, s15, s16, $0xb8;
	[tilespmem:$0x1CD00] =	vst v63  }
0x42: {  	_ =	swait.ge [sflag:s14], $0x3E80  }
0x43: {  	[sflag:s14] =	ssyncset.done $0x0  }
0x44: {  	s11 =	rddreg [dreg:$0x6];
	[sflag:s14] =	ssyncadd.s32 $0xFFFFC180  }
0x45: {  	[tilespmem:s17], [sflag:$0x1] =	stream.indirect.gather [hbm4b:s4+s16], $0x80, s11, s16, $0xb8;
	[tilespmem:$0x1CD00] =	vst v63  }
0x46: {  	_ =	swait.ge [sflag:s20], $0x3E80  }
0x47: {  	[sflag:s20] =	ssyncset.done $0x0  }
0x48: {  	s12 =	rddreg [dreg:$0x7];
	[sflag:s20] =	ssyncadd.s32 $0xFFFFC180  }
0x49: {  	[spmem:s2] =	stream.indirect.scatter.add.f32 [tilespmem:s18], [sflag:$0x3], $0x80, s12, s16, $0xb8;
	[tilespmem:$0x1CD00] =	vst v63  }
0x4a: {  	_ =	swait.ge [sflag:s14], $0x3E80  }
0x4b: {  	[sflag:s14] =	ssyncset.done $0x0  }
0x4c: {  	s13 =	rddreg [dreg:$0x8];
	[sflag:s14] =	ssyncadd.s32 $0xFFFFC180  }
0x4d: {  	[tilespmem:s18], [sflag:$0x2] =	stream.indirect.gather [hbm4b:s4+s16], $0x80, s13, s16, $0xb8;
	[tilespmem:$0x1CD00] =	vst v63  }
0x4e: {  	_ =	swait.ge [sflag:s19], $0x3E80  }
0x4f: {  	[sflag:s19] =	ssyncset.done $0x0  }
0x50: {  	s11 =	rddreg [dreg:$0x9];
	[sflag:s19] =	ssyncadd.s32 $0xFFFFC180  }
0x51: {  	[spmem:s2] =	stream.indirect.scatter.add.f32 [tilespmem:s17], [sflag:$0x3], $0x80, s11, s16, $0xb8;
	[tilespmem:$0x1CD00] =	vst v63  }
0x52: {  	_ =	swait.ge [sflag:s14], $0x3E80  }
0x53: {  	[sflag:s14] =	ssyncset.done $0x0  }
0x54: {  	s12 =	rddreg [dreg:$0xa];
	[sflag:s14] =	ssyncadd.s32 $0xFFFFC180  }
0x55: {  	[tilespmem:s17], [sflag:$0x1] =	stream.indirect.gather [hbm4b:s4+s16], $0x80, s12, s16, $0xb8;
	[tilespmem:$0x1CD00] =	vst v63  }
0x56: {  	_ =	swait.ge [sflag:s20], $0x3E80  }
0x57: {  	[sflag:s20] =	ssyncset.done $0x0  }
0x58: {  	s13 =	rddreg [dreg:$0xb];
	[sflag:s20] =	ssyncadd.s32 $0xFFFFC180  }
0x59: {  	[spmem:s2] =	stream.indirect.scatter.add.f32 [tilespmem:s18], [sflag:$0x3], $0x80, s13, s16, $0xb8;
	[tilespmem:$0x1CD00] =	vst v63  }
0x5a: {  	_ =	swait.ge [sflag:s14], $0x3E80  }
0x5b: {  	[sflag:s14] =	ssyncset.done $0x0  }
0x5c: {  	s11 =	rddreg [dreg:$0xc];
	[sflag:s14] =	ssyncadd.s32 $0xFFFFC180  }
0x5d: {  	[tilespmem:s18], [sflag:$0x2] =	stream.indirect.gather [hbm4b:s4+s16], $0x80, s11, s16, $0xb8;
	[tilespmem:$0x1CD00] =	vst v63  }
0x5e: {  	_ =	swait.ge [sflag:s19], $0x3E80  }
0x5f: {  	[sflag:s19] =	ssyncset.done $0x0  }
0x60: {  	s12 =	rddreg [dreg:$0xd];
	[sflag:s19] =	ssyncadd.s32 $0xFFFFC180  }
0x61: {  	[spmem:s2] =	stream.indirect.scatter.add.f32 [tilespmem:s17], [sflag:$0x3], $0x80, s12, s16, $0xb8;
	[tilespmem:$0x1CD00] =	vst v63  }
0x62: {  	_ =	swait.ge [sflag:s14], $0x3E80  }
0x63: {  	[sflag:s14] =	ssyncset.done $0x0  }
0x64: {  	s13 =	rddreg [dreg:$0xe];
	[sflag:s14] =	ssyncadd.s32 $0xFFFFC180  }
0x65: {  	[tilespmem:s17], [sflag:$0x1] =	stream.indirect.gather [hbm4b:s4+s16], $0x80, s13, s16, $0xb8;
	[tilespmem:$0x1CD00] =	vst v63  }
0x66: {  	_ =	swait.ge [sflag:s20], $0x3E80  }
0x67: {  	[sflag:s20] =	ssyncset.done $0x0  }
0x68: {  	s11 =	rddreg [dreg:$0xf];
	[sflag:s20] =	ssyncadd.s32 $0xFFFFC180  }
0x69: {  	[spmem:s2] =	stream.indirect.scatter.add.f32 [tilespmem:s18], [sflag:$0x3], $0x80, s11, s16, $0xb8;
	[tilespmem:$0x1CD00] =	vst v63  }
0x6a: {  	_ =	swait.ge [sflag:s14], $0x3E80  }
0x6b: {  	[sflag:s14] =	ssyncset.done $0x0  }
0x6c: {  	s12 =	rddreg [dreg:$0x10];
	[sflag:s14] =	ssyncadd.s32 $0xFFFFC180  }
0x6d: {  	[tilespmem:s18], [sflag:$0x2] =	stream.indirect.gather [hbm4b:s4+s16], $0x80, s12, s16, $0xb8;
	[tilespmem:$0x1CD00] =	vst v63  }
0x6e: {  	_ =	swait.ge [sflag:s19], $0x3E80  }
0x6f: {  	[sflag:s19] =	ssyncset.done $0x0  }
0x70: {  	s13 =	rddreg [dreg:$0x11];
	[sflag:s19] =	ssyncadd.s32 $0xFFFFC180  }
0x71: {  	[spmem:s2] =	stream.indirect.scatter.add.f32 [tilespmem:s17], [sflag:$0x3], $0x80, s13, s16, $0xb8;
	[tilespmem:$0x1CD00] =	vst v63  }
0x72: {  	_ =	swait.ge [sflag:s14], $0x3E80  }
0x73: {  	[sflag:s14] =	ssyncset.done $0x0  }
0x74: {  	[sflag:s14] =	ssyncadd.s32 $0xFFFFC180  }
0x75: {  	[tilespmem:s17], [sflag:$0x1] =	stream.indirect.gather [hbm4b:s4+s16], $0x80, s21, s16, $0xb8;
	[tilespmem:$0x1CD00] =	vst v63  }
0x76: {  	_ =	swait.ge [sflag:s20], $0x3E80  }
0x77: {  	[sflag:s20] =	ssyncset.done $0x0  }
0x78: {  	[sflag:s20] =	ssyncadd.s32 $0xFFFFC180  }
0x79: {  	[spmem:s2] =	stream.indirect.scatter.add.f32 [tilespmem:s18], [sflag:$0x3], $0x80, s22, s16, $0xb8;
	[tilespmem:$0x1CD00] =	vst v63  }
0x7a: {  	_ =	swait.ge [sflag:s14], $0x3E80  }
0x7b: {  	[sflag:s14] =	ssyncset.done $0x0  }
0x7c: {  	[sflag:s14] =	ssyncadd.s32 $0xFFFFC180  }
0x7d: {  	[tilespmem:s18], [sflag:$0x2] =	stream.indirect.gather [hbm4b:s4+s16], $0x80, s23, s16, $0xb8;
	[tilespmem:$0x1CD00] =	vst v63  }
0x7e: {  	_ =	swait.ge [sflag:s19], $0x3E80  }
0x7f: {  	[sflag:s19] =	ssyncset.done $0x0  }
0x80: {  	[sflag:s19] =	ssyncadd.s32 $0xFFFFC180  }
0x81: {  	[spmem:s2] =	stream.indirect.scatter.add.f32 [tilespmem:s17], [sflag:$0x3], $0x80, s24, s16, $0xb8;
	[tilespmem:$0x1CD00] =	vst v63  }
0x82: {  	_ =	swait.ge [sflag:s14], $0x3E80  }
0x83: {  	[sflag:s14] =	ssyncset.done $0x0  }
0x84: {  	[sflag:s14] =	ssyncadd.s32 $0xFFFFC180  }
0x85: {  	[tilespmem:s17], [sflag:$0x1] =	stream.indirect.gather [hbm4b:s4+s16], $0x80, s25, s16, $0xb8;
	[tilespmem:$0x1CD00] =	vst v63  }
0x86: {  	_ =	swait.ge [sflag:s20], $0x3E80  }
0x87: {  	[sflag:s20] =	ssyncset.done $0x0  }
0x88: {  	[sflag:s20] =	ssyncadd.s32 $0xFFFFC180  }
0x89: {  	[spmem:s2] =	stream.indirect.scatter.add.f32 [tilespmem:s18], [sflag:$0x3], $0x80, s26, s16, $0xb8;
	[tilespmem:$0x1CD00] =	vst v63  }
0x8a: {  	_ =	swait.ge [sflag:s14], $0x3E80  }
0x8b: {  	[sflag:s14] =	ssyncset.done $0x0  }
0x8c: {  	[sflag:s14] =	ssyncadd.s32 $0xFFFFC180  }
0x8d: {  	[tilespmem:s18], [sflag:$0x2] =	stream.indirect.gather [hbm4b:s4+s16], $0x80, s28, s16, $0xb8;
	[tilespmem:$0x1CD00] =	vst v63  }
0x8e: {  	_ =	swait.ge [sflag:s19], $0x3E80  }
0x8f: {  	[sflag:s19] =	ssyncset.done $0x0  }
0x90: {  	[sflag:s19] =	ssyncadd.s32 $0xFFFFC180  }
0x91: {  	[spmem:s2] =	stream.indirect.scatter.add.f32 [tilespmem:s17], [sflag:$0x3], $0x80, s29, s16, $0xb8;
	[tilespmem:$0x1CD00] =	vst v63  }
0x92: {  	_ =	swait.ge [sflag:s14], $0x3E80  }
0x93: {  	[sflag:s14] =	ssyncset.done $0x0  }
0x94: {  	[sflag:s14] =	ssyncadd.s32 $0xFFFFC180  }
0x95: {  	[tilespmem:s17], [sflag:$0x1] =	stream.indirect.gather [hbm4b:s4+s16], $0x80, s30, s16, $0xb8;
	[tilespmem:$0x1CD00] =	vst v63  }
0x96: {  	_ =	swait.ge [sflag:s20], $0x3E80  }
0x97: {  	[sflag:s20] =	ssyncset.done $0x0  }
0x98: {  	[sflag:s20] =	ssyncadd.s32 $0xFFFFC180  }
0x99: {  	[spmem:s2] =	stream.indirect.scatter.add.f32 [tilespmem:s18], [sflag:$0x3], $0x80, s31, s16, $0xb8;
	[tilespmem:$0x1CD00] =	vst v63  }
0x9a: {  	_ =	swait.ge [sflag:s14], $0x3E80  }
0x9b: {  	[sflag:s14] =	ssyncset.done $0x0  }
0x9c: {  	[sflag:s14] =	ssyncadd.s32 $0xFFFFC180  }
0x9d: {  	[tilespmem:s18], [sflag:$0x2] =	stream.indirect.gather [hbm4b:s4+s16], $0x80, s1, s16, $0xb8;
	[tilespmem:$0x1CD00] =	vst v63  }
0x9e: {  	_ =	swait.ge [sflag:s19], $0x3E80  }
0x9f: {  	[sflag:s19] =	ssyncset.done $0x0  }
0xa0: {  	[sflag:s19] =	ssyncadd.s32 $0xFFFFC180  }
0xa1: {  	[spmem:s2] =	stream.indirect.scatter.add.f32 [tilespmem:s17], [sflag:$0x3], $0x80, s0, s16, $0xb8;
	[tilespmem:$0x1CD00] =	vst v63  }
0xa2: {  	_ =	swait.ge [sflag:s14], $0x3E80  }
0xa3: {  	[sflag:s14] =	ssyncset.done $0x0  }
0xa4: {  	[sflag:s14] =	ssyncadd.s32 $0xFFFFC180  }
0xa5: {  	[tilespmem:s17], [sflag:$0x1] =	stream.indirect.gather [hbm4b:s4+s16], $0x80, s5, s16, $0xb8;
	[tilespmem:$0x1CD00] =	vst v63  }
0xa6: {  	_ =	swait.ge [sflag:s20], $0x3E80  }
0xa7: {  	[sflag:s20] =	ssyncset.done $0x0  }
0xa8: {  	[sflag:s20] =	ssyncadd.s32 $0xFFFFC180  }
0xa9: {  	[spmem:s2] =	stream.indirect.scatter.add.f32 [tilespmem:s18], [sflag:$0x3], $0x80, s7, s16, $0xb8;
	[tilespmem:$0x1CD00] =	vst v63  }
0xaa: {  	_ =	swait.ge [sflag:s14], $0x3E80  }
0xab: {  	[sflag:s14] =	ssyncset.done $0x0  }
0xac: {  	[sflag:s14] =	ssyncadd.s32 $0xFFFFC180  }
0xad: {  	[tilespmem:s18], [sflag:$0x2] =	stream.indirect.gather [hbm4b:s4+s16], $0x80, s8, s16, $0xb8;
	[tilespmem:$0x1CD00] =	vst v63  }
0xae: {  	_ =	swait.ge [sflag:s19], $0x3E80  }
0xaf: {  	[sflag:s19] =	ssyncset.done $0x0  }
0xb0: {  	[sflag:s19] =	ssyncadd.s32 $0xFFFFC180  }
0xb1: {  	[spmem:s2] =	stream.indirect.scatter.add.f32 [tilespmem:s17], [sflag:$0x3], $0x80, s9, s16, $0xb8;
	[tilespmem:$0x1CD00] =	vst v63  }
0xb2: {  	_ =	swait.ge [sflag:s14], $0x3E80  }
0xb3: {  	[sflag:s14] =	ssyncset.done $0x0  }
0xb4: {  	[sflag:s14] =	ssyncadd.s32 $0xFFFFC180  }
0xb5: {  	_ =	swait.ge [sflag:s20], $0x3E80  }
0xb6: {  	[sflag:s20] =	ssyncset.done $0x0  }
0xb7: {  	[sflag:s20] =	ssyncadd.s32 $0xFFFFC180  }
0xb8: {  	[spmem:s2] =	stream.indirect.scatter.add.f32 [tilespmem:s18], [sflag:$0x3], $0x80, s10, s16, $0xb8;
	[tilespmem:$0x1CD00] =	vst v63  }
0xb9: {  	s6 =	simm.s32 $0x100;
	_ =	swait.ge [sflag:s14], $0x3E80  }
0xba: {  	s12 =	simm.s32 $0x200;
	s13 =	rddreg [dreg:$0x4];
	[sflag:s14] =	ssyncset.done $0x0  }
.LBB2_2:
0xbb: {  	[sflag:s14] =	ssyncadd.s32 $0xFFFFC180;
	s13 =	sadd.s32 s6, s13  }
0xbc: {  	[tilespmem:s3], [sflag:$0x3] =	stream.linear.gather [hbm4b:s13+s3], $0x800, $0x38;
	[tilespmem:$0x1CD00] =	vst v63  }
0xbd: {  	_ =	swait.ge [sflag:s14], $0x800  }
0xbe: {  	s13 =	rddreg [dreg:$0x3];
	[sflag:s14] =	ssyncset.done $0x0  }
0xbf: {  	[sflag:s14] =	ssyncadd.s32 $0xFFFFF800;
	s13 =	sadd.s32 s6, s13  }
0xc0: {  	[tilespmem:s15], [sflag:$0x3] =	stream.linear.gather [hbm4b:s13+s3], $0x800, $0x38;
	[tilespmem:$0x1CD00] =	vst v63  }
0xc1: {  	_ =	swait.ge [sflag:s14], $0x800  }
0xc2: {  	[sflag:s14] =	ssyncset.done $0x0  }
0xc3: {  	[sflag:s14] =	ssyncadd.s32 $0xFFFFF800  }
0xc4: {  	[tilespmem:s17], [sflag:$0x1] =	stream.indirect.gather [hbm4b:s4+s16], $0x80, s3, s16, $0xb8;
	[tilespmem:$0x1CD00] =	vst v63  }
0xc5: {  	s13 =	rddreg [dreg:$0x5]  }
0xc6: {  	[tilespmem:s18], [sflag:$0x2] =	stream.indirect.gather [hbm4b:s4+s16], $0x80, s13, s16, $0xb8;
	[tilespmem:$0x1CD00] =	vst v63  }
0xc7: {  	_ =	swait.ge [sflag:s19], $0x3E80  }
0xc8: {  	[sflag:s19] =	ssyncset.done $0x0  }
0xc9: {  	[sflag:s19] =	ssyncadd.s32 $0xFFFFC180  }
0xca: {  	[spmem:s2] =	stream.indirect.scatter.add.f32 [tilespmem:s17], [sflag:$0x3], $0x80, s15, s16, $0xb8;
	[tilespmem:$0x1CD00] =	vst v63  }
0xcb: {  	_ =	swait.ge [sflag:s14], $0x3E80  }
0xcc: {  	[sflag:s14] =	ssyncset.done $0x0  }
0xcd: {  	s13 =	rddreg [dreg:$0x6];
	[sflag:s14] =	ssyncadd.s32 $0xFFFFC180  }
0xce: {  	[tilespmem:s17], [sflag:$0x1] =	stream.indirect.gather [hbm4b:s4+s16], $0x80, s13, s16, $0xb8;
	[tilespmem:$0x1CD00] =	vst v63  }
0xcf: {  	_ =	swait.ge [sflag:s20], $0x3E80  }
0xd0: {  	[sflag:s20] =	ssyncset.done $0x0  }
0xd1: {  	s13 =	rddreg [dreg:$0x7];
	[sflag:s20] =	ssyncadd.s32 $0xFFFFC180  }
0xd2: {  	[spmem:s2] =	stream.indirect.scatter.add.f32 [tilespmem:s18], [sflag:$0x3], $0x80, s13, s16, $0xb8;
	[tilespmem:$0x1CD00] =	vst v63  }
0xd3: {  	_ =	swait.ge [sflag:s14], $0x3E80  }
0xd4: {  	[sflag:s14] =	ssyncset.done $0x0  }
0xd5: {  	s13 =	rddreg [dreg:$0x8];
	[sflag:s14] =	ssyncadd.s32 $0xFFFFC180  }
0xd6: {  	[tilespmem:s18], [sflag:$0x2] =	stream.indirect.gather [hbm4b:s4+s16], $0x80, s13, s16, $0xb8;
	[tilespmem:$0x1CD00] =	vst v63  }
0xd7: {  	_ =	swait.ge [sflag:s19], $0x3E80  }
0xd8: {  	[sflag:s19] =	ssyncset.done $0x0  }
0xd9: {  	s13 =	rddreg [dreg:$0x9];
	[sflag:s19] =	ssyncadd.s32 $0xFFFFC180  }
0xda: {  	[spmem:s2] =	stream.indirect.scatter.add.f32 [tilespmem:s17], [sflag:$0x3], $0x80, s13, s16, $0xb8;
	[tilespmem:$0x1CD00] =	vst v63  }
0xdb: {  	_ =	swait.ge [sflag:s14], $0x3E80  }
0xdc: {  	[sflag:s14] =	ssyncset.done $0x0  }
0xdd: {  	s13 =	rddreg [dreg:$0xa];
	[sflag:s14] =	ssyncadd.s32 $0xFFFFC180  }
0xde: {  	[tilespmem:s17], [sflag:$0x1] =	stream.indirect.gather [hbm4b:s4+s16], $0x80, s13, s16, $0xb8;
	[tilespmem:$0x1CD00] =	vst v63  }
0xdf: {  	_ =	swait.ge [sflag:s20], $0x3E80  }
0xe0: {  	[sflag:s20] =	ssyncset.done $0x0  }
0xe1: {  	s13 =	rddreg [dreg:$0xb];
	[sflag:s20] =	ssyncadd.s32 $0xFFFFC180  }
0xe2: {  	[spmem:s2] =	stream.indirect.scatter.add.f32 [tilespmem:s18], [sflag:$0x3], $0x80, s13, s16, $0xb8;
	[tilespmem:$0x1CD00] =	vst v63  }
0xe3: {  	_ =	swait.ge [sflag:s14], $0x3E80  }
0xe4: {  	[sflag:s14] =	ssyncset.done $0x0  }
0xe5: {  	s13 =	rddreg [dreg:$0xc];
	[sflag:s14] =	ssyncadd.s32 $0xFFFFC180  }
0xe6: {  	[tilespmem:s18], [sflag:$0x2] =	stream.indirect.gather [hbm4b:s4+s16], $0x80, s13, s16, $0xb8;
	[tilespmem:$0x1CD00] =	vst v63  }
0xe7: {  	_ =	swait.ge [sflag:s19], $0x3E80  }
0xe8: {  	[sflag:s19] =	ssyncset.done $0x0  }
0xe9: {  	s13 =	rddreg [dreg:$0xd];
	[sflag:s19] =	ssyncadd.s32 $0xFFFFC180  }
0xea: {  	[spmem:s2] =	stream.indirect.scatter.add.f32 [tilespmem:s17], [sflag:$0x3], $0x80, s13, s16, $0xb8;
	[tilespmem:$0x1CD00] =	vst v63  }
0xeb: {  	_ =	swait.ge [sflag:s14], $0x3E80  }
0xec: {  	[sflag:s14] =	ssyncset.done $0x0  }
0xed: {  	s13 =	rddreg [dreg:$0xe];
	[sflag:s14] =	ssyncadd.s32 $0xFFFFC180  }
0xee: {  	[tilespmem:s17], [sflag:$0x1] =	stream.indirect.gather [hbm4b:s4+s16], $0x80, s13, s16, $0xb8;
	[tilespmem:$0x1CD00] =	vst v63  }
0xef: {  	_ =	swait.ge [sflag:s20], $0x3E80  }
0xf0: {  	[sflag:s20] =	ssyncset.done $0x0  }
0xf1: {  	s13 =	rddreg [dreg:$0xf];
	[sflag:s20] =	ssyncadd.s32 $0xFFFFC180  }
0xf2: {  	[spmem:s2] =	stream.indirect.scatter.add.f32 [tilespmem:s18], [sflag:$0x3], $0x80, s13, s16, $0xb8;
	[tilespmem:$0x1CD00] =	vst v63  }
0xf3: {  	_ =	swait.ge [sflag:s14], $0x3E80  }
0xf4: {  	[sflag:s14] =	ssyncset.done $0x0  }
0xf5: {  	s13 =	rddreg [dreg:$0x10];
	[sflag:s14] =	ssyncadd.s32 $0xFFFFC180  }
0xf6: {  	[tilespmem:s18], [sflag:$0x2] =	stream.indirect.gather [hbm4b:s4+s16], $0x80, s13, s16, $0xb8;
	[tilespmem:$0x1CD00] =	vst v63  }
0xf7: {  	_ =	swait.ge [sflag:s19], $0x3E80  }
0xf8: {  	[sflag:s19] =	ssyncset.done $0x0  }
0xf9: {  	s13 =	rddreg [dreg:$0x11];
	[sflag:s19] =	ssyncadd.s32 $0xFFFFC180  }
0xfa: {  	[spmem:s2] =	stream.indirect.scatter.add.f32 [tilespmem:s17], [sflag:$0x3], $0x80, s13, s16, $0xb8;
	[tilespmem:$0x1CD00] =	vst v63  }
0xfb: {  	_ =	swait.ge [sflag:s14], $0x3E80  }
0xfc: {  	[sflag:s14] =	ssyncset.done $0x0  }
0xfd: {  	[sflag:s14] =	ssyncadd.s32 $0xFFFFC180  }
0xfe: {  	[tilespmem:s17], [sflag:$0x1] =	stream.indirect.gather [hbm4b:s4+s16], $0x80, s21, s16, $0xb8;
	[tilespmem:$0x1CD00] =	vst v63  }
0xff: {  	_ =	swait.ge [sflag:s20], $0x3E80  }
0x100: {  	[sflag:s20] =	ssyncset.done $0x0  }
0x101: {  	[sflag:s20] =	ssyncadd.s32 $0xFFFFC180  }
0x102: {  	[spmem:s2] =	stream.indirect.scatter.add.f32 [tilespmem:s18], [sflag:$0x3], $0x80, s22, s16, $0xb8;
	[tilespmem:$0x1CD00] =	vst v63  }
0x103: {  	_ =	swait.ge [sflag:s14], $0x3E80  }
0x104: {  	[sflag:s14] =	ssyncset.done $0x0  }
0x105: {  	[sflag:s14] =	ssyncadd.s32 $0xFFFFC180  }
0x106: {  	[tilespmem:s18], [sflag:$0x2] =	stream.indirect.gather [hbm4b:s4+s16], $0x80, s23, s16, $0xb8;
	[tilespmem:$0x1CD00] =	vst v63  }
0x107: {  	_ =	swait.ge [sflag:s19], $0x3E80  }
0x108: {  	[sflag:s19] =	ssyncset.done $0x0  }
0x109: {  	[sflag:s19] =	ssyncadd.s32 $0xFFFFC180  }
0x10a: {  	[spmem:s2] =	stream.indirect.scatter.add.f32 [tilespmem:s17], [sflag:$0x3], $0x80, s24, s16, $0xb8;
	[tilespmem:$0x1CD00] =	vst v63  }
0x10b: {  	_ =	swait.ge [sflag:s14], $0x3E80  }
0x10c: {  	[sflag:s14] =	ssyncset.done $0x0  }
0x10d: {  	[sflag:s14] =	ssyncadd.s32 $0xFFFFC180  }
0x10e: {  	[tilespmem:s17], [sflag:$0x1] =	stream.indirect.gather [hbm4b:s4+s16], $0x80, s25, s16, $0xb8;
	[tilespmem:$0x1CD00] =	vst v63  }
0x10f: {  	_ =	swait.ge [sflag:s20], $0x3E80  }
0x110: {  	[sflag:s20] =	ssyncset.done $0x0  }
0x111: {  	[sflag:s20] =	ssyncadd.s32 $0xFFFFC180  }
0x112: {  	[spmem:s2] =	stream.indirect.scatter.add.f32 [tilespmem:s18], [sflag:$0x3], $0x80, s26, s16, $0xb8;
	[tilespmem:$0x1CD00] =	vst v63  }
0x113: {  	_ =	swait.ge [sflag:s14], $0x3E80  }
0x114: {  	[sflag:s14] =	ssyncset.done $0x0  }
0x115: {  	[sflag:s14] =	ssyncadd.s32 $0xFFFFC180  }
0x116: {  	[tilespmem:s18], [sflag:$0x2] =	stream.indirect.gather [hbm4b:s4+s16], $0x80, s28, s16, $0xb8;
	[tilespmem:$0x1CD00] =	vst v63  }
0x117: {  	_ =	swait.ge [sflag:s19], $0x3E80  }
0x118: {  	[sflag:s19] =	ssyncset.done $0x0  }
0x119: {  	[sflag:s19] =	ssyncadd.s32 $0xFFFFC180  }
0x11a: {  	[spmem:s2] =	stream.indirect.scatter.add.f32 [tilespmem:s17], [sflag:$0x3], $0x80, s29, s16, $0xb8;
	[tilespmem:$0x1CD00] =	vst v63  }
0x11b: {  	_ =	swait.ge [sflag:s14], $0x3E80  }
0x11c: {  	[sflag:s14] =	ssyncset.done $0x0  }
0x11d: {  	[sflag:s14] =	ssyncadd.s32 $0xFFFFC180  }
0x11e: {  	[tilespmem:s17], [sflag:$0x1] =	stream.indirect.gather [hbm4b:s4+s16], $0x80, s30, s16, $0xb8;
	[tilespmem:$0x1CD00] =	vst v63  }
0x11f: {  	_ =	swait.ge [sflag:s20], $0x3E80  }
0x120: {  	[sflag:s20] =	ssyncset.done $0x0  }
0x121: {  	[sflag:s20] =	ssyncadd.s32 $0xFFFFC180  }
0x122: {  	[spmem:s2] =	stream.indirect.scatter.add.f32 [tilespmem:s18], [sflag:$0x3], $0x80, s31, s16, $0xb8;
	[tilespmem:$0x1CD00] =	vst v63  }
0x123: {  	_ =	swait.ge [sflag:s14], $0x3E80  }
0x124: {  	[sflag:s14] =	ssyncset.done $0x0  }
0x125: {  	[sflag:s14] =	ssyncadd.s32 $0xFFFFC180  }
0x126: {  	[tilespmem:s18], [sflag:$0x2] =	stream.indirect.gather [hbm4b:s4+s16], $0x80, s1, s16, $0xb8;
	[tilespmem:$0x1CD00] =	vst v63  }
0x127: {  	_ =	swait.ge [sflag:s19], $0x3E80  }
0x128: {  	[sflag:s19] =	ssyncset.done $0x0  }
0x129: {  	[sflag:s19] =	ssyncadd.s32 $0xFFFFC180  }
0x12a: {  	[spmem:s2] =	stream.indirect.scatter.add.f32 [tilespmem:s17], [sflag:$0x3], $0x80, s0, s16, $0xb8;
	[tilespmem:$0x1CD00] =	vst v63  }
0x12b: {  	_ =	swait.ge [sflag:s14], $0x3E80  }
0x12c: {  	[sflag:s14] =	ssyncset.done $0x0  }
0x12d: {  	[sflag:s14] =	ssyncadd.s32 $0xFFFFC180  }
0x12e: {  	[tilespmem:s17], [sflag:$0x1] =	stream.indirect.gather [hbm4b:s4+s16], $0x80, s5, s16, $0xb8;
	[tilespmem:$0x1CD00] =	vst v63  }
0x12f: {  	_ =	swait.ge [sflag:s20], $0x3E80  }
0x130: {  	[sflag:s20] =	ssyncset.done $0x0  }
0x131: {  	[sflag:s20] =	ssyncadd.s32 $0xFFFFC180  }
0x132: {  	[spmem:s2] =	stream.indirect.scatter.add.f32 [tilespmem:s18], [sflag:$0x3], $0x80, s7, s16, $0xb8;
	[tilespmem:$0x1CD00] =	vst v63  }
0x133: {  	_ =	swait.ge [sflag:s14], $0x3E80  }
0x134: {  	[sflag:s14] =	ssyncset.done $0x0  }
0x135: {  	[sflag:s14] =	ssyncadd.s32 $0xFFFFC180  }
0x136: {  	[tilespmem:s18], [sflag:$0x2] =	stream.indirect.gather [hbm4b:s4+s16], $0x80, s8, s16, $0xb8;
	[tilespmem:$0x1CD00] =	vst v63  }
0x137: {  	_ =	swait.ge [sflag:s19], $0x3E80  }
0x138: {  	[sflag:s19] =	ssyncset.done $0x0  }
0x139: {  	[sflag:s19] =	ssyncadd.s32 $0xFFFFC180  }
0x13a: {  	[spmem:s2] =	stream.indirect.scatter.add.f32 [tilespmem:s17], [sflag:$0x3], $0x80, s9, s16, $0xb8;
	[tilespmem:$0x1CD00] =	vst v63  }
0x13b: {  	_ =	swait.ge [sflag:s14], $0x3E80  }
0x13c: {  	[sflag:s14] =	ssyncset.done $0x0  }
0x13d: {  	[sflag:s14] =	ssyncadd.s32 $0xFFFFC180  }
0x13e: {  	p1 =	sne.s32 s12, $0x400;
	_ =	swait.ge [sflag:s20], $0x3E80  }
.Ltmp0:
0x13f: {  	[sflag:s20] =	ssyncset.done $0x0;
	(pc) =	sbr.rel @p1 .LBB2_2-.Ltmp0, $4  }
0x140: {  	[sflag:s20] =	ssyncadd.s32 $0xFFFFC180  }
0x141: {  	[spmem:s2] =	stream.indirect.scatter.add.f32 [tilespmem:s18], [sflag:$0x3], $0x80, s10, s16, $0xb8;
	[tilespmem:$0x1CD00] =	vst v63  }
0x142: {  	s11 =	smov.u32 s12;
	s12 =	sadd.s32 $0x100, s12;
	_ =	swait.ge [sflag:s14], $0x3E80  }
0x143: {  	s6 =	smov.u32 s11;
	s13 =	rddreg [dreg:$0x4];
	[sflag:s14] =	ssyncset.done $0x0  }
0x144: {  	[sflag:s14] =	ssyncadd.s32 $0xFFFFC180;
	s11 =	sadd.s32 s6, s13  }
0x145: {  	[tilespmem:s3], [sflag:$0x3] =	stream.linear.gather [hbm4b:s11+s3], $0x800, $0x38;
	[tilespmem:$0x1CD00] =	vst v63  }
0x146: {  	_ =	swait.ge [sflag:s14], $0x800  }
0x147: {  	s12 =	rddreg [dreg:$0x3];
	[sflag:s14] =	ssyncset.done $0x0  }
0x148: {  	[sflag:s14] =	ssyncadd.s32 $0xFFFFF800;
	s13 =	sadd.s32 s6, s12  }
0x149: {  	[tilespmem:s15], [sflag:$0x3] =	stream.linear.gather [hbm4b:s13+s3], $0x800, $0x38;
	[tilespmem:$0x1CD00] =	vst v63  }
0x14a: {  	_ =	swait.ge [sflag:s14], $0x800  }
0x14b: {  	[sflag:s14] =	ssyncset.done $0x0  }
0x14c: {  	[sflag:s14] =	ssyncadd.s32 $0xFFFFF800  }
0x14d: {  	[tilespmem:s17], [sflag:$0x1] =	stream.indirect.gather [hbm4b:s4+s16], $0x80, s3, s16, $0xb8;
	[tilespmem:$0x1CD00] =	vst v63  }
0x14e: {  	s11 =	rddreg [dreg:$0x5]  }
0x14f: {  	[tilespmem:s18], [sflag:$0x2] =	stream.indirect.gather [hbm4b:s4+s16], $0x80, s11, s16, $0xb8;
	[tilespmem:$0x1CD00] =	vst v63  }
0x150: {  	_ =	swait.ge [sflag:s19], $0x3E80  }
0x151: {  	[sflag:s19] =	ssyncset.done $0x0  }
0x152: {  	[sflag:s19] =	ssyncadd.s32 $0xFFFFC180  }
0x153: {  	[spmem:s2] =	stream.indirect.scatter.add.f32 [tilespmem:s17], [sflag:$0x3], $0x80, s15, s16, $0xb8;
	[tilespmem:$0x1CD00] =	vst v63  }
0x154: {  	_ =	swait.ge [sflag:s14], $0x3E80  }
0x155: {  	[sflag:s14] =	ssyncset.done $0x0  }
0x156: {  	s12 =	rddreg [dreg:$0x6];
	[sflag:s14] =	ssyncadd.s32 $0xFFFFC180  }
0x157: {  	[tilespmem:s17], [sflag:$0x1] =	stream.indirect.gather [hbm4b:s4+s16], $0x80, s12, s16, $0xb8;
	[tilespmem:$0x1CD00] =	vst v63  }
0x158: {  	_ =	swait.ge [sflag:s20], $0x3E80  }
0x159: {  	[sflag:s20] =	ssyncset.done $0x0  }
0x15a: {  	s13 =	rddreg [dreg:$0x7];
	[sflag:s20] =	ssyncadd.s32 $0xFFFFC180  }
0x15b: {  	[spmem:s2] =	stream.indirect.scatter.add.f32 [tilespmem:s18], [sflag:$0x3], $0x80, s13, s16, $0xb8;
	[tilespmem:$0x1CD00] =	vst v63  }
0x15c: {  	_ =	swait.ge [sflag:s14], $0x3E80  }
0x15d: {  	[sflag:s14] =	ssyncset.done $0x0  }
0x15e: {  	s11 =	rddreg [dreg:$0x8];
	[sflag:s14] =	ssyncadd.s32 $0xFFFFC180  }
0x15f: {  	[tilespmem:s18], [sflag:$0x2] =	stream.indirect.gather [hbm4b:s4+s16], $0x80, s11, s16, $0xb8;
	[tilespmem:$0x1CD00] =	vst v63  }
0x160: {  	_ =	swait.ge [sflag:s19], $0x3E80  }
0x161: {  	[sflag:s19] =	ssyncset.done $0x0  }
0x162: {  	s12 =	rddreg [dreg:$0x9];
	[sflag:s19] =	ssyncadd.s32 $0xFFFFC180  }
0x163: {  	[spmem:s2] =	stream.indirect.scatter.add.f32 [tilespmem:s17], [sflag:$0x3], $0x80, s12, s16, $0xb8;
	[tilespmem:$0x1CD00] =	vst v63  }
0x164: {  	_ =	swait.ge [sflag:s14], $0x3E80  }
0x165: {  	[sflag:s14] =	ssyncset.done $0x0  }
0x166: {  	s13 =	rddreg [dreg:$0xa];
	[sflag:s14] =	ssyncadd.s32 $0xFFFFC180  }
0x167: {  	[tilespmem:s17], [sflag:$0x1] =	stream.indirect.gather [hbm4b:s4+s16], $0x80, s13, s16, $0xb8;
	[tilespmem:$0x1CD00] =	vst v63  }
0x168: {  	_ =	swait.ge [sflag:s20], $0x3E80  }
0x169: {  	[sflag:s20] =	ssyncset.done $0x0  }
0x16a: {  	s11 =	rddreg [dreg:$0xb];
	[sflag:s20] =	ssyncadd.s32 $0xFFFFC180  }
0x16b: {  	[spmem:s2] =	stream.indirect.scatter.add.f32 [tilespmem:s18], [sflag:$0x3], $0x80, s11, s16, $0xb8;
	[tilespmem:$0x1CD00] =	vst v63  }
0x16c: {  	_ =	swait.ge [sflag:s14], $0x3E80  }
0x16d: {  	[sflag:s14] =	ssyncset.done $0x0  }
0x16e: {  	s12 =	rddreg [dreg:$0xc];
	[sflag:s14] =	ssyncadd.s32 $0xFFFFC180  }
0x16f: {  	[tilespmem:s18], [sflag:$0x2] =	stream.indirect.gather [hbm4b:s4+s16], $0x80, s12, s16, $0xb8;
	[tilespmem:$0x1CD00] =	vst v63  }
0x170: {  	_ =	swait.ge [sflag:s19], $0x3E80  }
0x171: {  	[sflag:s19] =	ssyncset.done $0x0  }
0x172: {  	s13 =	rddreg [dreg:$0xd];
	[sflag:s19] =	ssyncadd.s32 $0xFFFFC180  }
0x173: {  	[spmem:s2] =	stream.indirect.scatter.add.f32 [tilespmem:s17], [sflag:$0x3], $0x80, s13, s16, $0xb8;
	[tilespmem:$0x1CD00] =	vst v63  }
0x174: {  	_ =	swait.ge [sflag:s14], $0x3E80  }
0x175: {  	[sflag:s14] =	ssyncset.done $0x0  }
0x176: {  	s11 =	rddreg [dreg:$0xe];
	[sflag:s14] =	ssyncadd.s32 $0xFFFFC180  }
0x177: {  	[tilespmem:s17], [sflag:$0x1] =	stream.indirect.gather [hbm4b:s4+s16], $0x80, s11, s16, $0xb8;
	[tilespmem:$0x1CD00] =	vst v63  }
0x178: {  	_ =	swait.ge [sflag:s20], $0x3E80  }
0x179: {  	[sflag:s20] =	ssyncset.done $0x0  }
0x17a: {  	s12 =	rddreg [dreg:$0xf];
	[sflag:s20] =	ssyncadd.s32 $0xFFFFC180  }
0x17b: {  	[spmem:s2] =	stream.indirect.scatter.add.f32 [tilespmem:s18], [sflag:$0x3], $0x80, s12, s16, $0xb8;
	[tilespmem:$0x1CD00] =	vst v63  }
0x17c: {  	_ =	swait.ge [sflag:s14], $0x3E80  }
0x17d: {  	[sflag:s14] =	ssyncset.done $0x0  }
0x17e: {  	s13 =	rddreg [dreg:$0x10];
	[sflag:s14] =	ssyncadd.s32 $0xFFFFC180  }
0x17f: {  	[tilespmem:s18], [sflag:$0x2] =	stream.indirect.gather [hbm4b:s4+s16], $0x80, s13, s16, $0xb8;
	[tilespmem:$0x1CD00] =	vst v63  }
0x180: {  	_ =	swait.ge [sflag:s19], $0x3E80  }
0x181: {  	[sflag:s19] =	ssyncset.done $0x0  }
0x182: {  	s11 =	rddreg [dreg:$0x11];
	[sflag:s19] =	ssyncadd.s32 $0xFFFFC180  }
0x183: {  	[spmem:s2] =	stream.indirect.scatter.add.f32 [tilespmem:s17], [sflag:$0x3], $0x80, s11, s16, $0xb8;
	[tilespmem:$0x1CD00] =	vst v63  }
0x184: {  	_ =	swait.ge [sflag:s14], $0x3E80  }
0x185: {  	[sflag:s14] =	ssyncset.done $0x0  }
0x186: {  	[sflag:s14] =	ssyncadd.s32 $0xFFFFC180  }
0x187: {  	[tilespmem:s17], [sflag:$0x1] =	stream.indirect.gather [hbm4b:s4+s16], $0x80, s21, s16, $0xb8;
	[tilespmem:$0x1CD00] =	vst v63  }
0x188: {  	_ =	swait.ge [sflag:s20], $0x3E80  }
0x189: {  	[sflag:s20] =	ssyncset.done $0x0  }
0x18a: {  	[sflag:s20] =	ssyncadd.s32 $0xFFFFC180  }
0x18b: {  	[spmem:s2] =	stream.indirect.scatter.add.f32 [tilespmem:s18], [sflag:$0x3], $0x80, s22, s16, $0xb8;
	[tilespmem:$0x1CD00] =	vst v63  }
0x18c: {  	_ =	swait.ge [sflag:s14], $0x3E80  }
0x18d: {  	[sflag:s14] =	ssyncset.done $0x0  }
0x18e: {  	[sflag:s14] =	ssyncadd.s32 $0xFFFFC180  }
0x18f: {  	[tilespmem:s18], [sflag:$0x2] =	stream.indirect.gather [hbm4b:s4+s16], $0x80, s23, s16, $0xb8;
	[tilespmem:$0x1CD00] =	vst v63  }
0x190: {  	_ =	swait.ge [sflag:s19], $0x3E80  }
0x191: {  	[sflag:s19] =	ssyncset.done $0x0  }
0x192: {  	[sflag:s19] =	ssyncadd.s32 $0xFFFFC180  }
0x193: {  	[spmem:s2] =	stream.indirect.scatter.add.f32 [tilespmem:s17], [sflag:$0x3], $0x80, s24, s16, $0xb8;
	[tilespmem:$0x1CD00] =	vst v63  }
0x194: {  	_ =	swait.ge [sflag:s14], $0x3E80  }
0x195: {  	[sflag:s14] =	ssyncset.done $0x0  }
0x196: {  	[sflag:s14] =	ssyncadd.s32 $0xFFFFC180  }
0x197: {  	[tilespmem:s17], [sflag:$0x1] =	stream.indirect.gather [hbm4b:s4+s16], $0x80, s25, s16, $0xb8;
	[tilespmem:$0x1CD00] =	vst v63  }
0x198: {  	_ =	swait.ge [sflag:s20], $0x3E80  }
0x199: {  	[sflag:s20] =	ssyncset.done $0x0  }
0x19a: {  	[sflag:s20] =	ssyncadd.s32 $0xFFFFC180  }
0x19b: {  	[spmem:s2] =	stream.indirect.scatter.add.f32 [tilespmem:s18], [sflag:$0x3], $0x80, s26, s16, $0xb8;
	[tilespmem:$0x1CD00] =	vst v63  }
0x19c: {  	_ =	swait.ge [sflag:s14], $0x3E80  }
0x19d: {  	[sflag:s14] =	ssyncset.done $0x0  }
0x19e: {  	[sflag:s14] =	ssyncadd.s32 $0xFFFFC180  }
0x19f: {  	[tilespmem:s18], [sflag:$0x2] =	stream.indirect.gather [hbm4b:s4+s16], $0x80, s28, s16, $0xb8;
	[tilespmem:$0x1CD00] =	vst v63  }
0x1a0: {  	_ =	swait.ge [sflag:s19], $0x3E80  }
0x1a1: {  	[sflag:s19] =	ssyncset.done $0x0  }
0x1a2: {  	[sflag:s19] =	ssyncadd.s32 $0xFFFFC180  }
0x1a3: {  	[spmem:s2] =	stream.indirect.scatter.add.f32 [tilespmem:s17], [sflag:$0x3], $0x80, s29, s16, $0xb8;
	[tilespmem:$0x1CD00] =	vst v63  }
0x1a4: {  	_ =	swait.ge [sflag:s14], $0x3E80  }
0x1a5: {  	[sflag:s14] =	ssyncset.done $0x0  }
0x1a6: {  	[sflag:s14] =	ssyncadd.s32 $0xFFFFC180  }
0x1a7: {  	[tilespmem:s17], [sflag:$0x1] =	stream.indirect.gather [hbm4b:s4+s16], $0x80, s30, s16, $0xb8;
	[tilespmem:$0x1CD00] =	vst v63  }
0x1a8: {  	_ =	swait.ge [sflag:s20], $0x3E80  }
0x1a9: {  	[sflag:s20] =	ssyncset.done $0x0  }
0x1aa: {  	[sflag:s20] =	ssyncadd.s32 $0xFFFFC180  }
0x1ab: {  	[spmem:s2] =	stream.indirect.scatter.add.f32 [tilespmem:s18], [sflag:$0x3], $0x80, s31, s16, $0xb8;
	[tilespmem:$0x1CD00] =	vst v63  }
0x1ac: {  	_ =	swait.ge [sflag:s14], $0x3E80  }
0x1ad: {  	[sflag:s14] =	ssyncset.done $0x0  }
0x1ae: {  	[sflag:s14] =	ssyncadd.s32 $0xFFFFC180  }
0x1af: {  	[tilespmem:s18], [sflag:$0x2] =	stream.indirect.gather [hbm4b:s4+s16], $0x80, s1, s16, $0xb8;
	[tilespmem:$0x1CD00] =	vst v63  }
0x1b0: {  	_ =	swait.ge [sflag:s19], $0x3E80  }
0x1b1: {  	[sflag:s19] =	ssyncset.done $0x0  }
0x1b2: {  	[sflag:s19] =	ssyncadd.s32 $0xFFFFC180  }
0x1b3: {  	[spmem:s2] =	stream.indirect.scatter.add.f32 [tilespmem:s17], [sflag:$0x3], $0x80, s0, s16, $0xb8;
	[tilespmem:$0x1CD00] =	vst v63  }
0x1b4: {  	_ =	swait.ge [sflag:s14], $0x3E80  }
0x1b5: {  	[sflag:s14] =	ssyncset.done $0x0  }
0x1b6: {  	[sflag:s14] =	ssyncadd.s32 $0xFFFFC180  }
0x1b7: {  	[tilespmem:s17], [sflag:$0x1] =	stream.indirect.gather [hbm4b:s4+s16], $0x80, s5, s16, $0xb8;
	[tilespmem:$0x1CD00] =	vst v63  }
0x1b8: {  	_ =	swait.ge [sflag:s20], $0x3E80  }
0x1b9: {  	[sflag:s20] =	ssyncset.done $0x0  }
0x1ba: {  	[sflag:s20] =	ssyncadd.s32 $0xFFFFC180  }
0x1bb: {  	[spmem:s2] =	stream.indirect.scatter.add.f32 [tilespmem:s18], [sflag:$0x3], $0x80, s7, s16, $0xb8;
	[tilespmem:$0x1CD00] =	vst v63  }
0x1bc: {  	_ =	swait.ge [sflag:s14], $0x3E80  }
0x1bd: {  	[sflag:s14] =	ssyncset.done $0x0  }
0x1be: {  	[sflag:s14] =	ssyncadd.s32 $0xFFFFC180  }
0x1bf: {  	[tilespmem:s18], [sflag:$0x2] =	stream.indirect.gather [hbm4b:s4+s16], $0x80, s8, s16, $0xb8;
	[tilespmem:$0x1CD00] =	vst v63  }
0x1c0: {  	_ =	swait.ge [sflag:s19], $0x3E80  }
0x1c1: {  	[sflag:s19] =	ssyncset.done $0x0  }
0x1c2: {  	[sflag:s19] =	ssyncadd.s32 $0xFFFFC180  }
0x1c3: {  	[spmem:s2] =	stream.indirect.scatter.add.f32 [tilespmem:s17], [sflag:$0x3], $0x80, s9, s16, $0xb8;
	[tilespmem:$0x1CD00] =	vst v63  }
0x1c4: {  	_ =	swait.ge [sflag:s14], $0x3E80  }
0x1c5: {  	[sflag:s14] =	ssyncset.done $0x0  }
0x1c6: {  	[sflag:s14] =	ssyncadd.s32 $0xFFFFC180  }
0x1c7: {  	_ =	swait.ge [sflag:s20], $0x3E80  }
0x1c8: {  	[sflag:s20] =	ssyncset.done $0x0  }
0x1c9: {  	[sflag:s20] =	ssyncadd.s32 $0xFFFFC180  }
0x1ca: {  	[spmem:s2] =	stream.indirect.scatter.add.f32 [tilespmem:s18], [sflag:$0x3], $0x80, s10, s16, $0xb8;
	[tilespmem:$0x1CD00] =	vst v63  }
0x1cb: {  	_ =	swait.ge [sflag:s14], $0x3E80  }
0x1cc: {  	[sflag:s14] =	ssyncset.done $0x0  }
0x1cd: {  	[sflag:s14] =	ssyncadd.s32 $0xFFFFC180  }
0x1ce: {  	s12 =	stileid.u32;
	[bflag:$0x0] =	sbarrier.arrive $0xFFFF  }
0x1cf: {  	s6 =	sshll.u32 s12, $0x6;
	s13 =	rddreg [dreg:$0x13]  }
0x1d0: {  	s6 =	sor.u32 $0x1C03, s6;
	s12 =	rddreg [dreg:$0x15];
	s11 =	sshrl.u32 s13, $0x3  }
0x1d1: {  	[hbm:s12], [sflag:s6] =	dma.local [spmem:s11], $0x2800  }
0x1d2: {  	_ =	swait.ge [sflag:s14], $0x2800  }
0x1d3: {  	s12 =	rddreg [dreg:$0x1b]  }
0x1d4: {  	s13 =	rddreg [dreg:$0x16];
	s11 =	sadd.s32 $0x1, s12  }
0x1d5: {  	p1 =	sne.s32 s11, s13  }
.Ltmp1:
0x1d6: {  	_ = 	snop;
	(pc) =	sbr.rel @p1 .LBB2_1-.Ltmp1, $3  }
0x1d7: {  	_ =	sdelay $0x1  }
0x1d8: {  	[sflag:s14] =	ssyncset.done $0x0  }
0x1d9: {  	[sflag:s14] =	ssyncadd.s32 $0xFFFFD800  }
0x1da: {  	_ =	sfence.sel $0x180000  }
0x1db: {  	[bflag:$0x0] =	sbarrier.arrive $0xFFFF  }
0x1dc: {  	_ =	strace $0x9000004A  }
0x1dd: {  	s0 =	stileid.u32;
	[bflag:$0x2] =	sbarrier.arrive $0xFFFF  }
0x1de: {  	p0 =	sne.s32 s0, $0x0;
	s0 =	rddreg [dreg:$0x2]  }
0x1df: {  	s0 =	sadd.s32 @!p0 $0x100000, s0  }
0x1e0: {  	[sflag:s0] =	ssyncadd.tile.s32 @!p0 $0x1;
	_ =	shalt  }
.Lfunc_end2:
_tile_overlayer_lowered:
.L_overlay_start_2:
0x1e1: {  	(tag) =	ssettag $0x2  }
0x1e2: {  	s0 =	rddreg [dreg:$0x0];
	s2 =	stileid.u32  }
0x1e3: {  	s1 =	rddreg [dreg:$0x1];
	p0 =	sne.s32 s2, $0x0  }
0x1e4: {  	s3 =	rddreg [dreg:$0x2];
	[bflag:$0x3] =	sbarrier.arrive $0xFFFF;
	s2 =	simm.s32 @!p0 $0x1C03  }
0x1e5: {  	[timem:s3], [sflag:s2] =	dma.local @!p0 [hbm:s0], s1  }
0x1e6: {  	s0 =	simm.s32 @!p0 $0x3  }
0x1e7: {  	_ =	swait.ge @!p0 [sflag:s0], s1  }
0x1e8: {  	s1 =	ssub.s32 @!p0 $0x0, s1;
	[sflag:s0] =	ssyncset.done @!p0 $0x0  }
0x1e9: {  	[sflag:s0] =	ssyncadd.s32 @!p0 s1  }
0x1ea: {  	[bflag:$0x3] =	sbarrier.arrive $0xFFFF  }
0x1eb: {  	_ =	shalt  }

// kernel: kernel.16.cloned.1.call-start
scs
__scs_entry_jumppad:
0x0: {  	(pc) =	sbr.rel $0x88, $3  }
0x1: {  	(tag) =	ssettag $0x0;
	lr =	simm.s32 $0x1  }
0x2: {  	[smem:$0x3F94] =	sst lr;
	_ =	strace $0xD0000000  }
0x3: {  	_ = 	snop  }
0x4: {  	_ = 	snop  }
0x5: {  	_ = 	snop  }
0x6: {  	_ = 	snop  }
0x7: {  	_ = 	snop  }
__scs_overlays_trampoline_lowered:
0x8: {  	[smem:$0x3FA3] =	sst s0  }
0x9: {  	[smem:$0x3FA4] =	sst s1  }
0xa: {  	[smem:$0x3FA5] =	sst s2  }
0xb: {  	[smem:$0x3FA6] =	sst s3  }
0xc: {  	[smem:$0x3FA7] =	sst s4  }
0xd: {  	[smem:$0x3FA8] =	sst s5  }
0xe: {  	[smem:$0x3FA9] =	sst s6  }
0xf: {  	[smem:$0x3FAA] =	sst s7  }
0x10: {  	[smem:$0x3FAB] =	sst s8  }
0x11: {  	[smem:$0x3FAC] =	sst s9;
	s0 =	simm.s32 @!p0 $0x0  }
0x12: {  	s1 =	sld [smem:$0x3F92];
	s0 =	simm.s32 @p0 $0x1  }
0x13: {  	[smem:$0x3FAD] =	sst s0;
	s0 =	simm.s32 @!p1 $0x0  }
0x14: {  	s2 =	sld [smem:$0x3F91];
	s0 =	simm.s32 @p1 $0x1  }
0x15: {  	[smem:$0x3FAE] =	sst s0;
	s0 =	simm.s32 @!p2 $0x0  }
0x16: {  	s3 =	sld [smem:$0x3FDB];
	s0 =	simm.s32 @p2 $0x1  }
0x17: {  	s4 =	simm.s32 $0x1BF5;
	[smem:$0x3FB0] =	sst s0  }
0x18: {  	s0 =	sld [smem:$0x3F93];
	_ =	swait.ge [sflag:s4], $0x0  }
0x19: {  	s7 =	sld [smem:$0x3F94]  }
0x1a: {  	s8 =	sadd.s32 $0xFFFFE003, lr  }
0x1b: {  	s9 =	sadd.s32 $0xFFFFFEF7, lr;
	s5 =	simm.s32 $0xFFFFFFFF;
	p2 =	slt.u32 s8, $0xFFFFF086  }
0x1c: {  	p1 =	slt.u32 s9, $0xF7A;
	s5 =	simm.s32 @!p2 $0x0  }
0x1d: {  	s5 =	simm.s32 @p1 $0x1;
	p0 =	seq.s32 s7, s2  }
0x1e: {  	s7 =	smul.u32 @!p0 $0xF7A, s2;
	p2 =	seq.s32 @!p0 s5, $0x0  }
0x1f: {  	s9 =	smul.u32 $0xF7A, s1;
	s8 =	simm.s32 @!p0 $0x1BF5;
	p2 =	por !p2, p0  }
0x20: {  	[sflag:s8] =	ssyncset.s32 @!p0 $0xFFFFF086;
	s6 =	sadd.s32 @!p0 s3, s7;
	s7 =	simm.s32 @!p0 $0x108  }
0x21: {  	s3 =	sadd.s32 s3, s9;
	s6 =	sadd.s32 @!p0 $0x88, s6;
	s7 =	simm.s32 @p2 $0x1082  }
0x22: {  	[simem:s7], [sflag:s8] =	dma.local @!p0 [hbm:s6], $0xF7A  }
0x23: {  	s9 =	sor.u32 $0xD0000000, s2;
	s6 =	simm.s32 $0x108;
	_ =	swait.ge @!p0 [sflag:s8], $0x0  }
0x24: {  	s3 =	sadd.s32 $0x88, s3;
	s6 =	simm.s32 @!p1 $0x1082;
	[sflag:s4] =	ssyncset.s32 $0xFFFFF086  }
0x25: {  	[simem:s6], [sflag:s4] =	dma.local [hbm:s3], $0xF7A  }
0x26: {  	[smem:$0x3F94] =	sst s1;
	(tag) =	ssettag s2;
	_ =	strace s9  }
0x27: {  	s1 =	sld [smem:$0x3FA4]  }
0x28: {  	s2 =	sld [smem:$0x3FA5]  }
0x29: {  	s4 =	sld [smem:$0x3FA7]  }
0x2a: {  	p0 =	seq.s32 s5, $0x0;
	s5 =	sld [smem:$0x3FA8]  }
0x2b: {  	s6 =	sld [smem:$0x3FA9]  }
0x2c: {  	s7 =	sld [smem:$0x3FAA]  }
0x2d: {  	s3 =	simm.s32 $0x108;
	s8 =	sld [smem:$0x3FAB]  }
0x2e: {  	s3 =	simm.s32 @!p0 $0x1082;
	s9 =	sld [smem:$0x3FAC]  }
0x2f: {  	lr =	sadd.s32 s0, s3;
	s0 =	sld [smem:$0x3FA3]  }
0x30: {  	s3 =	sld [smem:$0x3FA6]  }
0x31: {  	[smem:$0x3FAF] =	sst s10  }
0x32: {  	s10 =	sld [smem:$0x3FAD];
	_ =	sdelay $0x3  }
0x33: {  	p0 =	seq.s32 s10, $0x1;
	s10 =	sld [smem:$0x3FAF];
	_ =	sdelay $0x3  }
0x34: {  	[smem:$0x3FAF] =	sst s10  }
0x35: {  	s10 =	sld [smem:$0x3FAE];
	_ =	sdelay $0x3  }
0x36: {  	p1 =	seq.s32 s10, $0x1;
	s10 =	sld [smem:$0x3FAF];
	_ =	sdelay $0x3  }
0x37: {  	[smem:$0x3FAF] =	sst s10  }
0x38: {  	s10 =	sld [smem:$0x3FB0]  }
0x39: {  	_ = 	snop;
	(pc) =	sbr.ind lr, $3  }
0x3a: {  	_ = 	snop  }
0x3b: {  	_ = 	snop  }
0x3c: {  	p2 =	seq.s32 s10, $0x1;
	s10 =	sld [smem:$0x3FAF]  }
0x3d: {  	_ =	shalt  }
0x3e: {  	_ =	shalt  }
0x3f: {  	_ =	shalt  }
0x40: {  	_ =	shalt  }
0x41: {  	_ =	shalt  }
0x42: {  	_ =	shalt  }
0x43: {  	_ =	shalt  }
0x44: {  	_ =	shalt  }
0x45: {  	_ =	shalt  }
0x46: {  	_ =	shalt  }
0x47: {  	_ =	shalt  }
0x48: {  	_ =	shalt  }
0x49: {  	_ =	shalt  }
0x4a: {  	_ =	shalt  }
0x4b: {  	_ =	shalt  }
0x4c: {  	_ =	shalt  }
0x4d: {  	_ =	shalt  }
0x4e: {  	_ =	shalt  }
0x4f: {  	_ =	shalt  }
0x50: {  	_ =	shalt  }
0x51: {  	_ =	shalt  }
0x52: {  	_ =	shalt  }
0x53: {  	_ =	shalt  }
0x54: {  	_ =	shalt  }
0x55: {  	_ =	shalt  }
0x56: {  	_ =	shalt  }
0x57: {  	_ =	shalt  }
0x58: {  	_ =	shalt  }
0x59: {  	_ =	shalt  }
0x5a: {  	_ =	shalt  }
0x5b: {  	_ =	shalt  }
0x5c: {  	_ =	shalt  }
0x5d: {  	_ =	shalt  }
0x5e: {  	_ =	shalt  }
0x5f: {  	_ =	shalt  }
0x60: {  	_ =	shalt  }
0x61: {  	_ =	shalt  }
0x62: {  	_ =	shalt  }
0x63: {  	_ =	shalt  }
0x64: {  	_ =	shalt  }
0x65: {  	_ =	shalt  }
0x66: {  	_ =	shalt  }
0x67: {  	_ =	shalt  }
0x68: {  	_ =	shalt  }
0x69: {  	_ =	shalt  }
0x6a: {  	_ =	shalt  }
0x6b: {  	_ =	shalt  }
0x6c: {  	_ =	shalt  }
0x6d: {  	_ =	shalt  }
0x6e: {  	_ =	shalt  }
0x6f: {  	_ =	shalt  }
0x70: {  	_ =	shalt  }
0x71: {  	_ =	shalt  }
0x72: {  	_ =	shalt  }
0x73: {  	_ =	shalt  }
0x74: {  	_ =	shalt  }
0x75: {  	_ =	shalt  }
0x76: {  	_ =	shalt  }
0x77: {  	_ =	shalt  }
0x78: {  	_ =	shalt  }
0x79: {  	_ =	shalt  }
0x7a: {  	_ =	shalt  }
0x7b: {  	_ =	shalt  }
0x7c: {  	_ =	shalt  }
0x7d: {  	_ =	shalt  }
0x7e: {  	_ =	shalt  }
0x7f: {  	_ =	shalt  }
0x80: {  	_ =	shalt  }
0x81: {  	_ =	shalt  }
0x82: {  	_ =	shalt  }
0x83: {  	_ =	shalt  }
0x84: {  	_ =	shalt  }
0x85: {  	_ =	shalt  }
0x86: {  	_ =	shalt  }
0x87: {  	_ =	shalt  }
.Lfunc_end0:
.L_simem_size_0:
called_computation.2_lowered:
.L_overlay_start_0:
0x88: {  	s2 =	sld [smem:$0x3FD9]  }
0x89: {  	s3 =	sld [smem:$0x3FFE];
	_ =	sdelay $0x1  }
0x8a: {  	s1 =	srdreg.scid  }
0x8b: {  	s0 =	sand.u32 $0x1, s1  }
0x8c: {  	s16 =	sshll.u32 s0, $0xA;
	s2 =	sadd.s32 s3, s2  }
0x8d: {  	s2 =	sadd.s32 s2, s16  }
0x8e: {  	[smem:$0x3FBB] =	sst s2  }
0x8f: {  	_ = 	snop  }
0x90: {  	(tm) =	ssettm $0x1  }
0x91: {  	s17 =	sld [smem:$0x3FFB];
	_ =	sdelay $0x3  }
0x92: {  	_ =	strace s17  }
0x93: {  	s2 =	sld [smem:$0x3FFC];
	_ =	sdelay $0x3  }
0x94: {  	_ =	strace s2  }
0x95: {  	s2 =	sld [smem:$0x3FFD];
	_ =	sdelay $0x3  }
0x96: {  	_ =	strace s2  }
0x97: {  	_ =	strace $0x8FFFFFFF  }
0x98: {  	s18 =	sld [smem:$0x3FDB];
	_ =	sdelay $0x1  }
0x99: {  	s19 =	simm.s32 $_scs_section_size  }
0x9a: {  	s4 =	simm.s32 $_size__tile_overlayer_lowered;
	s5 =	simm.s32 $_tile_overlayer_lowered  }
0x9b: {  	s22 =	simm.s32 $0x1BFF;
	s21 =	sshll.u32 s5, $0x1;
	s2 =	sadd.s32 s19, s18  }
0x9c: {  	s6 =	simm.s32 $0x0;
	s20 =	sshll.u32 s4, $0x1;
	s4 =	sadd.s32 s21, s2  }
0x9d: {  	[timem:s6], [sflag:s22] =	dma.local [hbm:s4], s20  }
0x9e: {  	_ =	swait.ge [sflag:s22], s20  }
0x9f: {  	s3 =	ssub.s32 $0x0, s20;
	[sflag:s22] =	ssyncset.done $0x0  }
0xa0: {  	[sflag:s22] =	ssyncadd.s32 s3;
	_ =	sdelay $0x1  }
0xa1: {  	s23 =	simm.s32 $0x1B8B  }
0xa2: {  	_ =	swait.ge [sflag:s23], $0x1  }
0xa3: {  	[sflag:s23] =	ssyncset.done $0x0  }
0xa4: {  	s25 =	simm.s32 $0x1B8E;
	s24 =	sld [smem:$0x3FFE];
	[sflag:s23] =	ssyncadd.s32 $0xFFFFFFFF  }
0xa5: {  	s26 =	simm.s32 $execute0_lowered;
	[smem:$0x3FD2] =	sst s25  }
0xa6: {  	s4 =	sshll.u32 s26, $0x1;
	_ =	strace $0x8000004C;
	[dreg:$0x1] =	wrdreg $0xFFFFFFFF  }
0xa7: {  	s28 =	simm.s32 $_size_execute0_lowered;
	s2 =	sadd.s32 s2, s4;
	[dreg:$0x0] =	wrdreg $0x0  }
0xa8: {  	s4 =	sshll.u32 s28, $0x1;
	[dreg:$0x2] =	wrdreg s2  }
0xa9: {  	[dreg:$0x3] =	wrdreg s4  }
0xaa: {  	[dreg:$0x4] =	wrdreg $0xC0  }
0xab: {  	_ =	task [dreg:s6], $0x5FFFF  }
0xac: {  	[dreg:$0x1] =	wrdreg $0xFFFFFFFF  }
0xad: {  	[dreg:$0x0] =	wrdreg $0x60  }
0xae: {  	[dreg:$0x2] =	wrdreg s24  }
0xaf: {  	[dreg:$0x3] =	wrdreg $0x14A000  }
0xb0: {  	[dreg:$0x4] =	wrdreg $0x9  }
0xb1: {  	_ =	task.clear_ibuf [dreg:s6], $0x5FFFF;
	_ =	strace $0x9000004C  }
0xb2: {  	s29 =	simm.s32 $0x9;
	_ =	strace $0x8000004E  }
0xb3: {  	_ =	swait.ge [sflag:s29], $0x1  }
0xb4: {  	[sflag:s29] =	ssyncadd.s32 $0xFFFFFFFF  }
0xb5: {  	_ =	strace $0x9000004E  }
0xb6: {  	_ =	sfence  }
0xb7: {  	s30 =	sld [smem:$0x0];
	_ =	sdelay $0x2  }
0xb8: {  	s31 =	sshll.u32 s1, $0xD;
	s1 =	sshrl.u32 s1, $0x2  }
0xb9: {  	s3 =	sand.u32 $0x4000, s31;
	s1 =	sadd.s32 s1, s30  }
0xba: {  	s0 =	sor.u32 s3, s0;
	s1 =	sshll.u32 s1, $0x11  }
0xbb: {  	s0 =	sor.u32 s1, s0  }
0xbc: {  	s0 =	sadd.s32 $0x8F2B, s0  }
0xbd: {  	[sflag:s0] =	ssyncadd.remote.s32 $0x1  }
0xbe: {  	_ =	sfence.sel $0xFFFF  }
0xbf: {  	[dreg:$0x0] =	wrdreg $0xFFFFFFFF;
	(pc) =	sbr.abs _section_cstart, $3  }
0xc0: {  	[dreg:$0x1] =	wrdreg $0xFFFFFFFF  }
0xc1: {  	_ =	task.clear_ibuf [dreg:s6], $0x2FFFF;
	_ =	strace $0x9FFFFFFF  }
0xc2: {  	(tm) =	ssettm $0x7FFFFFFF  }
0xc3: {  	_ =	shalt  }
tec
execute0_lowered:
.L_overlay_start_1:
0x0: {  	(tag) =	ssettag $0x1  }
0x1: {  	s0 =	srdreg.scid;
	s6 =	rddreg [dreg:$0x0]  }
0x2: {  	s13 =	stileid.u32;
	s2 =	rddreg [dreg:$0x1];
	s3 =	simm.s32 $0x0  }
0x3: {  	s18 =	simm.s32 $0xFA;
	s19 =	simm.s32 $0x5000;
	s21 =	simm.s32 $0x8E80  }
0x4: {  	s23 =	simm.s32 $0xCD00;
	s28 =	simm.s32 $0x2;
	s29 =	simm.s32 $0x3  }
0x5: {  	s30 =	simm.s32 $0x4;
	s20 =	simm.s32 $0x0;
	s8 =	smul.u32 $0xA000, s13  }
0x6: {  	s0 =	sand.u32 $0x1, s0;
	[smem:$0x7FF] =	sst s3;
	s11 =	smul.u32 $0x28000, s13  }
0x7: {  	s4 =	sadd.s32 $0xC800, s6;
	s1 =	sshll.u32 s0, $0x4;
	s5 =	smul.u32 $0xA0000, s0  }
0x8: {  	_ =	strace $0x8000004D;
	s9 =	ssub.s32 $0x2, s0;
	p0 =	seq.s32 s0, $0x1  }
0x9: {  	s1 =	sor.u32 s13, s1;
	s25 =	sshrl.u32 s9, $0x1;
	s26 =	sshrl.u32 s8, $0x3  }
0xa: {  	s31 =	sshrl.u32 s11, $0x2;
	s1 =	smul.u32 $0x500, s1;
	s7 =	sadd.s32 s8, s5  }
0xb: {  	s5 =	sadd.s32 $0x20800, s6;
	s12 =	ssub.s32 s9, s25;
	s8 =	sadd.s32 s8, s2  }
0xc: {  	s9 =	sadd.s32 s4, s26;
	s0 =	sadd.s32 s31, s2;
	s25 =	simm.s32 $0x10B80  }
0xd: {  	s26 =	simm.s32 $0x1;
	s7 =	sshrl.u32 s7, $0x3;
	s11 =	smax.u32 s12, $0x1  }
0xe: {  	s12 =	simm.s32 $0x5;
	s15 =	sshrl.u32 @p0 s0, $0x3;
	s17 =	sshrl.u32 @!p0 s8, $0x3  }
0xf: {  	s0 =	simm.s32 $0x4F00;
	s1 =	sadd.s32 s1, s6;
	s10 =	sadd.s32 s7, s6  }
0x10: {  	s6 =	sadd.s32 $0xAD200, s1;
	s7 =	sadd.s32 $0xA3200, s1;
	s1 =	sshll.u32 @p0 s13, $0x6  }
0x11: {  	s10 =	sadd.s32 $0x21C00, s10;
	s13 =	sshll.u32 @!p0 s13, $0x6;
	s14 =	sor.u32 @p0 $0x1C05, s1  }
0x12: {  	s16 =	sor.u32 @!p0 $0x1C05, s13;
	s1 =	simm.s32 $0x4D00;
	s13 =	simm.s32 $0x4E00  }
.LBB2_1:
0x13: {  	[tilespmem:s3], [sflag:$0x5] =	stream.linear.gather [hbm4b:s6+s3], $0x2800, $0x38;
	[tilespmem:$0x1EA00] =	vst v63  }
0x14: {  	_ =	swait.ge [sflag:s12], $0x2800  }
0x15: {  	[sflag:s12] =	ssyncset.done $0x0  }
0x16: {  	s22 =	simm.s32 $0x2800;
	[sflag:s12] =	ssyncadd.s32 $0xFFFFD800  }
0x17: {  	[tilespmem:s22], [sflag:$0x5] =	stream.linear.gather [hbm4b:s7+s3], $0x2800, $0x38;
	[tilespmem:$0x1EA00] =	vst v63  }
0x18: {  	_ =	swait.ge [sflag:s12], $0x2800  }
0x19: {  	[sflag:s12] =	ssyncset.done $0x0  }
0x1a: {  	[sflag:s12] =	ssyncadd.s32 $0xFFFFD800  }
0x1b: {  	[spmem:s15], [sflag:s14] =	dma.local @p0 [hbm:s5], $0x1400  }
0x1c: {  	[spmem:s17], [sflag:s16] =	dma.local @!p0 [hbm:s9], $0x1400  }
0x1d: {  	_ =	swait.ge [sflag:s12], $0x1400  }
0x1e: {  	[sflag:s12] =	ssyncset.done $0x0  }
0x1f: {  	[sflag:s12] =	ssyncadd.s32 $0xFFFFEC00  }
0x20: {  	[bflag:$0x0] =	sbarrier.arrive $0xFFFF  }
0x21: {  	[tilespmem:s19], [sflag:$0x1] =	stream.indirect.gather [hbm4b:s4+s18], $0x40, s3, s18, $0xb8;
	[tilespmem:$0x1EA00] =	vst v63  }
0x22: {  	s24 =	simm.s32 $0x100  }
0x23: {  	[tilespmem:s21], [sflag:$0x2] =	stream.indirect.gather [hbm4b:s4+s18], $0x40, s24, s18, $0xb8;
	[tilespmem:$0x1EA00] =	vst v63  }
0x24: {  	s31 =	simm.s32 $0x200  }
0x25: {  	[tilespmem:s23], [sflag:$0x3] =	stream.indirect.gather [hbm4b:s4+s18], $0x40, s31, s18, $0xb8;
	[tilespmem:$0x1EA00] =	vst v63  }
0x26: {  	s24 =	simm.s32 $0x300  }
0x27: {  	[tilespmem:s25], [sflag:$0x4] =	stream.indirect.gather [hbm4b:s4+s18], $0x40, s24, s18, $0xb8;
	[tilespmem:$0x1EA00] =	vst v63  }
0x28: {  	_ =	swait.ge [sflag:s26], $0x3E80  }
0x29: {  	[sflag:s26] =	ssyncset.done $0x0  }
0x2a: {  	s31 =	simm.s32 $0x2800;
	[sflag:s26] =	ssyncadd.s32 $0xFFFFC180  }
0x2b: {  	[spmem:s2] =	stream.indirect.scatter.add.f32 [tilespmem:s19], [sflag:$0x5], $0x40, s31, s18, $0xb8;
	[tilespmem:$0x1EA00] =	vst v63  }
0x2c: {  	_ =	swait.ge [sflag:s12], $0x3E80  }
0x2d: {  	[sflag:s12] =	ssyncset.done $0x0  }
0x2e: {  	s24 =	simm.s32 $0x400;
	[sflag:s12] =	ssyncadd.s32 $0xFFFFC180  }
0x2f: {  	[tilespmem:s19], [sflag:$0x1] =	stream.indirect.gather [hbm4b:s4+s18], $0x40, s24, s18, $0xb8;
	[tilespmem:$0x1EA00] =	vst v63  }
0x30: {  	_ =	swait.ge [sflag:s28], $0x3E80  }
0x31: {  	[sflag:s28] =	ssyncset.done $0x0  }
0x32: {  	s31 =	simm.s32 $0x2900;
	[sflag:s28] =	ssyncadd.s32 $0xFFFFC180  }
0x33: {  	[spmem:s2] =	stream.indirect.scatter.add.f32 [tilespmem:s21], [sflag:$0x5], $0x40, s31, s18, $0xb8;
	[tilespmem:$0x1EA00] =	vst v63  }
0x34: {  	_ =	swait.ge [sflag:s12], $0x3E80  }
0x35: {  	[sflag:s12] =	ssyncset.done $0x0  }
0x36: {  	s24 =	simm.s32 $0x500;
	[sflag:s12] =	ssyncadd.s32 $0xFFFFC180  }
0x37: {  	[tilespmem:s21], [sflag:$0x2] =	stream.indirect.gather [hbm4b:s4+s18], $0x40, s24, s18, $0xb8;
	[tilespmem:$0x1EA00] =	vst v63  }
0x38: {  	_ =	swait.ge [sflag:s29], $0x3E80  }
0x39: {  	[sflag:s29] =	ssyncset.done $0x0  }
0x3a: {  	s31 =	simm.s32 $0x2A00;
	[sflag:s29] =	ssyncadd.s32 $0xFFFFC180  }
0x3b: {  	[spmem:s2] =	stream.indirect.scatter.add.f32 [tilespmem:s23], [sflag:$0x5], $0x40, s31, s18, $0xb8;
	[tilespmem:$0x1EA00] =	vst v63  }
0x3c: {  	_ =	swait.ge [sflag:s12], $0x3E80  }
0x3d: {  	[sflag:s12] =	ssyncset.done $0x0  }
0x3e: {  	s24 =	simm.s32 $0x600;
	[sflag:s12] =	ssyncadd.s32 $0xFFFFC180  }
0x3f: {  	[tilespmem:s23], [sflag:$0x3] =	stream.indirect.gather [hbm4b:s4+s18], $0x40, s24, s18, $0xb8;
	[tilespmem:$0x1EA00] =	vst v63  }
0x40: {  	_ =	swait.ge [sflag:s30], $0x3E80  }
0x41: {  	[sflag:s30] =	ssyncset.done $0x0  }
0x42: {  	s31 =	simm.s32 $0x2B00;
	[sflag:s30] =	ssyncadd.s32 $0xFFFFC180  }
0x43: {  	[spmem:s2] =	stream.indirect.scatter.add.f32 [tilespmem:s25], [sflag:$0x5], $0x40, s31, s18, $0xb8;
	[tilespmem:$0x1EA00] =	vst v63  }
0x44: {  	_ =	swait.ge [sflag:s12], $0x3E80  }
0x45: {  	[sflag:s12] =	ssyncset.done $0x0  }
0x46: {  	s22 =	simm.s32 $0x1000;
	s24 =	simm.s32 $0x700;
	[sflag:s12] =	ssyncadd.s32 $0xFFFFC180  }
.LBB2_2:
0x47: {  	[tilespmem:s25], [sflag:$0x4] =	stream.indirect.gather [hbm4b:s4+s18], $0x40, s24, s18, $0xb8;
	[tilespmem:$0x1EA00] =	vst v63  }
0x48: {  	s24 =	smov.u32 s22  }
0x49: {  	p1 =	sne.s32 s22, $0x8000;
	s22 =	sadd.s32 $0x1000, s22;
	_ =	swait.ge [sflag:s26], $0x3E80  }
0x4a: {  	s24 =	sshra.s32 s24, $0x2;
	[sflag:s26] =	ssyncset.done $0x0  }
0x4b: {  	s31 =	sadd.s32 $0x2800, s24;
	[sflag:s26] =	ssyncadd.s32 $0xFFFFC180  }
0x4c: {  	[spmem:s2] =	stream.indirect.scatter.add.f32 [tilespmem:s19], [sflag:$0x5], $0x40, s31, s18, $0xb8;
	[tilespmem:$0x1EA00] =	vst v63  }
0x4d: {  	_ =	swait.ge [sflag:s12], $0x3E80  }
0x4e: {  	[sflag:s12] =	ssyncset.done $0x0  }
0x4f: {  	s31 =	sadd.s32 $0x400, s24;
	[sflag:s12] =	ssyncadd.s32 $0xFFFFC180  }
0x50: {  	[tilespmem:s19], [sflag:$0x1] =	stream.indirect.gather [hbm4b:s4+s18], $0x40, s31, s18, $0xb8;
	[tilespmem:$0x1EA00] =	vst v63  }
0x51: {  	_ =	swait.ge [sflag:s28], $0x3E80  }
0x52: {  	[sflag:s28] =	ssyncset.done $0x0  }
0x53: {  	s31 =	sadd.s32 $0x2900, s24;
	[sflag:s28] =	ssyncadd.s32 $0xFFFFC180  }
0x54: {  	[spmem:s2] =	stream.indirect.scatter.add.f32 [tilespmem:s21], [sflag:$0x5], $0x40, s31, s18, $0xb8;
	[tilespmem:$0x1EA00] =	vst v63  }
0x55: {  	_ =	swait.ge [sflag:s12], $0x3E80  }
0x56: {  	[sflag:s12] =	ssyncset.done $0x0  }
0x57: {  	s31 =	sadd.s32 $0x500, s24;
	[sflag:s12] =	ssyncadd.s32 $0xFFFFC180  }
0x58: {  	[tilespmem:s21], [sflag:$0x2] =	stream.indirect.gather [hbm4b:s4+s18], $0x40, s31, s18, $0xb8;
	[tilespmem:$0x1EA00] =	vst v63  }
0x59: {  	_ =	swait.ge [sflag:s29], $0x3E80  }
0x5a: {  	[sflag:s29] =	ssyncset.done $0x0  }
0x5b: {  	s31 =	sadd.s32 $0x2A00, s24;
	[sflag:s29] =	ssyncadd.s32 $0xFFFFC180  }
0x5c: {  	[spmem:s2] =	stream.indirect.scatter.add.f32 [tilespmem:s23], [sflag:$0x5], $0x40, s31, s18, $0xb8;
	[tilespmem:$0x1EA00] =	vst v63  }
0x5d: {  	_ =	swait.ge [sflag:s12], $0x3E80  }
0x5e: {  	[sflag:s12] =	ssyncset.done $0x0  }
0x5f: {  	s31 =	sadd.s32 $0x600, s24;
	[sflag:s12] =	ssyncadd.s32 $0xFFFFC180  }
0x60: {  	[tilespmem:s23], [sflag:$0x3] =	stream.indirect.gather [hbm4b:s4+s18], $0x40, s31, s18, $0xb8;
	[tilespmem:$0x1EA00] =	vst v63  }
0x61: {  	_ =	swait.ge [sflag:s30], $0x3E80  }
0x62: {  	[sflag:s30] =	ssyncset.done $0x0  }
.Ltmp0:
0x63: {  	s31 =	sadd.s32 $0x2B00, s24;
	[sflag:s30] =	ssyncadd.s32 $0xFFFFC180;
	(pc) =	sbr.rel @p1 .LBB2_2-.Ltmp0, $4  }
0x64: {  	[spmem:s2] =	stream.indirect.scatter.add.f32 [tilespmem:s25], [sflag:$0x5], $0x40, s31, s18, $0xb8;
	[tilespmem:$0x1EA00] =	vst v63  }
0x65: {  	_ =	swait.ge [sflag:s12], $0x3E80  }
0x66: {  	[sflag:s12] =	ssyncset.done $0x0  }
0x67: {  	s24 =	sadd.s32 $0x700, s24;
	[sflag:s12] =	ssyncadd.s32 $0xFFFFC180  }
0x68: {  	[tilespmem:s25], [sflag:$0x4] =	stream.indirect.gather [hbm4b:s4+s18], $0x40, s24, s18, $0xb8;
	[tilespmem:$0x1EA00] =	vst v63  }
0x69: {  	_ =	swait.ge [sflag:s26], $0x3E80  }
0x6a: {  	[sflag:s26] =	ssyncset.done $0x0  }
0x6b: {  	s22 =	simm.s32 $0x4C00;
	[sflag:s26] =	ssyncadd.s32 $0xFFFFC180  }
0x6c: {  	[spmem:s2] =	stream.indirect.scatter.add.f32 [tilespmem:s19], [sflag:$0x5], $0x40, s22, s18, $0xb8;
	[tilespmem:$0x1EA00] =	vst v63  }
0x6d: {  	_ =	swait.ge [sflag:s12], $0x3E80  }
0x6e: {  	[sflag:s12] =	ssyncset.done $0x0  }
0x6f: {  	[sflag:s12] =	ssyncadd.s32 $0xFFFFC180  }
0x70: {  	_ =	swait.ge [sflag:s28], $0x3E80  }
0x71: {  	[sflag:s28] =	ssyncset.done $0x0  }
0x72: {  	[sflag:s28] =	ssyncadd.s32 $0xFFFFC180  }
0x73: {  	[spmem:s2] =	stream.indirect.scatter.add.f32 [tilespmem:s21], [sflag:$0x5], $0x40, s1, s18, $0xb8;
	[tilespmem:$0x1EA00] =	vst v63  }
0x74: {  	_ =	swait.ge [sflag:s12], $0x3E80  }
0x75: {  	[sflag:s12] =	ssyncset.done $0x0  }
0x76: {  	[sflag:s12] =	ssyncadd.s32 $0xFFFFC180  }
0x77: {  	_ =	swait.ge [sflag:s29], $0x3E80  }
0x78: {  	[sflag:s29] =	ssyncset.done $0x0  }
0x79: {  	[sflag:s29] =	ssyncadd.s32 $0xFFFFC180  }
0x7a: {  	[spmem:s2] =	stream.indirect.scatter.add.f32 [tilespmem:s23], [sflag:$0x5], $0x40, s13, s18, $0xb8;
	[tilespmem:$0x1EA00] =	vst v63  }
0x7b: {  	_ =	swait.ge [sflag:s12], $0x3E80  }
0x7c: {  	[sflag:s12] =	ssyncset.done $0x0  }
0x7d: {  	[sflag:s12] =	ssyncadd.s32 $0xFFFFC180  }
0x7e: {  	_ =	swait.ge [sflag:s30], $0x3E80  }
0x7f: {  	[sflag:s30] =	ssyncset.done $0x0  }
0x80: {  	[sflag:s30] =	ssyncadd.s32 $0xFFFFC180  }
0x81: {  	[spmem:s2] =	stream.indirect.scatter.add.f32 [tilespmem:s25], [sflag:$0x5], $0x40, s0, s18, $0xb8;
	[tilespmem:$0x1EA00] =	vst v63  }
0x82: {  	s24 =	stileid.u32;
	_ =	swait.ge [sflag:s12], $0x3E80  }
0x83: {  	s31 =	sshrl.u32 s8, $0x3;
	s20 =	sadd.s32 $0x1, s20;
	[sflag:s12] =	ssyncset.done $0x0  }
0x84: {  	p1 =	sne.s32 s20, s11;
	s22 =	sshll.u32 s24, $0x6;
	[sflag:s12] =	ssyncadd.s32 $0xFFFFC180  }
.Ltmp1:
0x85: {  	s22 =	sor.u32 $0x1C05, s22;
	[bflag:$0x0] =	sbarrier.arrive $0xFFFF;
	(pc) =	sbr.rel @p1 .LBB2_1-.Ltmp1, $4  }
0x86: {  	[hbm:s10], [sflag:s22] =	dma.local [spmem:s31], $0x1400  }
0x87: {  	_ =	swait.ge [sflag:s12], $0x1400  }
0x88: {  	[sflag:s12] =	ssyncset.done $0x0  }
0x89: {  	[sflag:s12] =	ssyncadd.s32 $0xFFFFEC00  }
0x8a: {  	_ =	sfence.sel $0x180000  }
0x8b: {  	[bflag:$0x0] =	sbarrier.arrive $0xFFFF  }
0x8c: {  	_ =	strace $0x9000004D  }
0x8d: {  	s0 =	stileid.u32;
	[bflag:$0x2] =	sbarrier.arrive $0xFFFF  }
0x8e: {  	p0 =	sne.s32 s0, $0x0;
	s0 =	rddreg [dreg:$0x2]  }
0x8f: {  	s0 =	sadd.s32 @!p0 $0x100000, s0  }
0x90: {  	[sflag:s0] =	ssyncadd.tile.s32 @!p0 $0x1;
	_ =	shalt  }
.Lfunc_end2:
_tile_overlayer_lowered:
.L_overlay_start_2:
0x91: {  	(tag) =	ssettag $0x2  }
0x92: {  	s0 =	rddreg [dreg:$0x0];
	s2 =	stileid.u32  }
0x93: {  	s1 =	rddreg [dreg:$0x1];
	p0 =	sne.s32 s2, $0x0  }
0x94: {  	s3 =	rddreg [dreg:$0x2];
	[bflag:$0x3] =	sbarrier.arrive $0xFFFF;
	s2 =	simm.s32 @!p0 $0x1C05  }
0x95: {  	[timem:s3], [sflag:s2] =	dma.local @!p0 [hbm:s0], s1  }
0x96: {  	s0 =	simm.s32 @!p0 $0x5  }
0x97: {  	_ =	swait.ge @!p0 [sflag:s0], s1  }
0x98: {  	s1 =	ssub.s32 @!p0 $0x0, s1;
	[sflag:s0] =	ssyncset.done @!p0 $0x0  }
0x99: {  	[sflag:s0] =	ssyncadd.s32 @!p0 s1  }
0x9a: {  	[bflag:$0x3] =	sbarrier.arrive $0xFFFF  }
0x9b: {  	_ =	shalt  }

// kernel: kernel.19.cloned.1.call-start
scs
__scs_entry_jumppad:
0x0: {  	(pc) =	sbr.rel $0x88, $3  }
0x1: {  	(tag) =	ssettag $0x0;
	lr =	simm.s32 $0x1  }
0x2: {  	[smem:$0x3F94] =	sst lr;
	_ =	strace $0xD0000000  }
0x3: {  	_ = 	snop  }
0x4: {  	_ = 	snop  }
0x5: {  	_ = 	snop  }
0x6: {  	_ = 	snop  }
0x7: {  	_ = 	snop  }
__scs_overlays_trampoline_lowered:
0x8: {  	[smem:$0x3FA3] =	sst s0  }
0x9: {  	[smem:$0x3FA4] =	sst s1  }
0xa: {  	[smem:$0x3FA5] =	sst s2  }
0xb: {  	[smem:$0x3FA6] =	sst s3  }
0xc: {  	[smem:$0x3FA7] =	sst s4  }
0xd: {  	[smem:$0x3FA8] =	sst s5  }
0xe: {  	[smem:$0x3FA9] =	sst s6  }
0xf: {  	[smem:$0x3FAA] =	sst s7  }
0x10: {  	[smem:$0x3FAB] =	sst s8  }
0x11: {  	[smem:$0x3FAC] =	sst s9;
	s0 =	simm.s32 @!p0 $0x0  }
0x12: {  	s1 =	sld [smem:$0x3F92];
	s0 =	simm.s32 @p0 $0x1  }
0x13: {  	[smem:$0x3FAD] =	sst s0;
	s0 =	simm.s32 @!p1 $0x0  }
0x14: {  	s2 =	sld [smem:$0x3F91];
	s0 =	simm.s32 @p1 $0x1  }
0x15: {  	[smem:$0x3FAE] =	sst s0;
	s0 =	simm.s32 @!p2 $0x0  }
0x16: {  	s3 =	sld [smem:$0x3FDB];
	s0 =	simm.s32 @p2 $0x1  }
0x17: {  	s4 =	simm.s32 $0x1BF5;
	[smem:$0x3FB0] =	sst s0  }
0x18: {  	s0 =	sld [smem:$0x3F93];
	_ =	swait.ge [sflag:s4], $0x0  }
0x19: {  	s7 =	sld [smem:$0x3F94]  }
0x1a: {  	s8 =	sadd.s32 $0xFFFFE003, lr  }
0x1b: {  	s9 =	sadd.s32 $0xFFFFFEF7, lr;
	s5 =	simm.s32 $0xFFFFFFFF;
	p2 =	slt.u32 s8, $0xFFFFF086  }
0x1c: {  	p1 =	slt.u32 s9, $0xF7A;
	s5 =	simm.s32 @!p2 $0x0  }
0x1d: {  	s5 =	simm.s32 @p1 $0x1;
	p0 =	seq.s32 s7, s2  }
0x1e: {  	s7 =	smul.u32 @!p0 $0xF7A, s2;
	p2 =	seq.s32 @!p0 s5, $0x0  }
0x1f: {  	s9 =	smul.u32 $0xF7A, s1;
	s8 =	simm.s32 @!p0 $0x1BF5;
	p2 =	por !p2, p0  }
0x20: {  	[sflag:s8] =	ssyncset.s32 @!p0 $0xFFFFF086;
	s6 =	sadd.s32 @!p0 s3, s7;
	s7 =	simm.s32 @!p0 $0x108  }
0x21: {  	s3 =	sadd.s32 s3, s9;
	s6 =	sadd.s32 @!p0 $0x88, s6;
	s7 =	simm.s32 @p2 $0x1082  }
0x22: {  	[simem:s7], [sflag:s8] =	dma.local @!p0 [hbm:s6], $0xF7A  }
0x23: {  	s9 =	sor.u32 $0xD0000000, s2;
	s6 =	simm.s32 $0x108;
	_ =	swait.ge @!p0 [sflag:s8], $0x0  }
0x24: {  	s3 =	sadd.s32 $0x88, s3;
	s6 =	simm.s32 @!p1 $0x1082;
	[sflag:s4] =	ssyncset.s32 $0xFFFFF086  }
0x25: {  	[simem:s6], [sflag:s4] =	dma.local [hbm:s3], $0xF7A  }
0x26: {  	[smem:$0x3F94] =	sst s1;
	(tag) =	ssettag s2;
	_ =	strace s9  }
0x27: {  	s1 =	sld [smem:$0x3FA4]  }
0x28: {  	s2 =	sld [smem:$0x3FA5]  }
0x29: {  	s4 =	sld [smem:$0x3FA7]  }
0x2a: {  	p0 =	seq.s32 s5, $0x0;
	s5 =	sld [smem:$0x3FA8]  }
0x2b: {  	s6 =	sld [smem:$0x3FA9]  }
0x2c: {  	s7 =	sld [smem:$0x3FAA]  }
0x2d: {  	s3 =	simm.s32 $0x108;
	s8 =	sld [smem:$0x3FAB]  }
0x2e: {  	s3 =	simm.s32 @!p0 $0x1082;
	s9 =	sld [smem:$0x3FAC]  }
0x2f: {  	lr =	sadd.s32 s0, s3;
	s0 =	sld [smem:$0x3FA3]  }
0x30: {  	s3 =	sld [smem:$0x3FA6]  }
0x31: {  	[smem:$0x3FAF] =	sst s10  }
0x32: {  	s10 =	sld [smem:$0x3FAD];
	_ =	sdelay $0x3  }
0x33: {  	p0 =	seq.s32 s10, $0x1;
	s10 =	sld [smem:$0x3FAF];
	_ =	sdelay $0x3  }
0x34: {  	[smem:$0x3FAF] =	sst s10  }
0x35: {  	s10 =	sld [smem:$0x3FAE];
	_ =	sdelay $0x3  }
0x36: {  	p1 =	seq.s32 s10, $0x1;
	s10 =	sld [smem:$0x3FAF];
	_ =	sdelay $0x3  }
0x37: {  	[smem:$0x3FAF] =	sst s10  }
0x38: {  	s10 =	sld [smem:$0x3FB0]  }
0x39: {  	_ = 	snop;
	(pc) =	sbr.ind lr, $3  }
0x3a: {  	_ = 	snop  }
0x3b: {  	_ = 	snop  }
0x3c: {  	p2 =	seq.s32 s10, $0x1;
	s10 =	sld [smem:$0x3FAF]  }
0x3d: {  	_ =	shalt  }
0x3e: {  	_ =	shalt  }
0x3f: {  	_ =	shalt  }
0x40: {  	_ =	shalt  }
0x41: {  	_ =	shalt  }
0x42: {  	_ =	shalt  }
0x43: {  	_ =	shalt  }
0x44: {  	_ =	shalt  }
0x45: {  	_ =	shalt  }
0x46: {  	_ =	shalt  }
0x47: {  	_ =	shalt  }
0x48: {  	_ =	shalt  }
0x49: {  	_ =	shalt  }
0x4a: {  	_ =	shalt  }
0x4b: {  	_ =	shalt  }
0x4c: {  	_ =	shalt  }
0x4d: {  	_ =	shalt  }
0x4e: {  	_ =	shalt  }
0x4f: {  	_ =	shalt  }
0x50: {  	_ =	shalt  }
0x51: {  	_ =	shalt  }
0x52: {  	_ =	shalt  }
0x53: {  	_ =	shalt  }
0x54: {  	_ =	shalt  }
0x55: {  	_ =	shalt  }
0x56: {  	_ =	shalt  }
0x57: {  	_ =	shalt  }
0x58: {  	_ =	shalt  }
0x59: {  	_ =	shalt  }
0x5a: {  	_ =	shalt  }
0x5b: {  	_ =	shalt  }
0x5c: {  	_ =	shalt  }
0x5d: {  	_ =	shalt  }
0x5e: {  	_ =	shalt  }
0x5f: {  	_ =	shalt  }
0x60: {  	_ =	shalt  }
0x61: {  	_ =	shalt  }
0x62: {  	_ =	shalt  }
0x63: {  	_ =	shalt  }
0x64: {  	_ =	shalt  }
0x65: {  	_ =	shalt  }
0x66: {  	_ =	shalt  }
0x67: {  	_ =	shalt  }
0x68: {  	_ =	shalt  }
0x69: {  	_ =	shalt  }
0x6a: {  	_ =	shalt  }
0x6b: {  	_ =	shalt  }
0x6c: {  	_ =	shalt  }
0x6d: {  	_ =	shalt  }
0x6e: {  	_ =	shalt  }
0x6f: {  	_ =	shalt  }
0x70: {  	_ =	shalt  }
0x71: {  	_ =	shalt  }
0x72: {  	_ =	shalt  }
0x73: {  	_ =	shalt  }
0x74: {  	_ =	shalt  }
0x75: {  	_ =	shalt  }
0x76: {  	_ =	shalt  }
0x77: {  	_ =	shalt  }
0x78: {  	_ =	shalt  }
0x79: {  	_ =	shalt  }
0x7a: {  	_ =	shalt  }
0x7b: {  	_ =	shalt  }
0x7c: {  	_ =	shalt  }
0x7d: {  	_ =	shalt  }
0x7e: {  	_ =	shalt  }
0x7f: {  	_ =	shalt  }
0x80: {  	_ =	shalt  }
0x81: {  	_ =	shalt  }
0x82: {  	_ =	shalt  }
0x83: {  	_ =	shalt  }
0x84: {  	_ =	shalt  }
0x85: {  	_ =	shalt  }
0x86: {  	_ =	shalt  }
0x87: {  	_ =	shalt  }
.Lfunc_end0:
.L_simem_size_0:
called_computation.3_lowered:
.L_overlay_start_0:
0x88: {  	s2 =	sld [smem:$0x3FD9]  }
0x89: {  	s3 =	sld [smem:$0x3FFE];
	_ =	sdelay $0x1  }
0x8a: {  	s1 =	srdreg.scid  }
0x8b: {  	s0 =	sand.u32 $0x1, s1  }
0x8c: {  	s16 =	sshll.u32 s0, $0xA;
	s2 =	sadd.s32 s3, s2  }
0x8d: {  	s2 =	sadd.s32 s2, s16  }
0x8e: {  	[smem:$0x3FBB] =	sst s2  }
0x8f: {  	_ = 	snop  }
0x90: {  	(tm) =	ssettm $0x1  }
0x91: {  	s17 =	sld [smem:$0x3FFB];
	_ =	sdelay $0x3  }
0x92: {  	_ =	strace s17  }
0x93: {  	s2 =	sld [smem:$0x3FFC];
	_ =	sdelay $0x3  }
0x94: {  	_ =	strace s2  }
0x95: {  	s2 =	sld [smem:$0x3FFD];
	_ =	sdelay $0x3  }
0x96: {  	_ =	strace s2  }
0x97: {  	_ =	strace $0x8FFFFFFF  }
0x98: {  	s18 =	sld [smem:$0x3FDB];
	_ =	sdelay $0x1  }
0x99: {  	s19 =	simm.s32 $_scs_section_size  }
0x9a: {  	s4 =	simm.s32 $_size__tile_overlayer_lowered;
	s5 =	simm.s32 $_tile_overlayer_lowered  }
0x9b: {  	s22 =	simm.s32 $0x1BFF;
	s21 =	sshll.u32 s5, $0x1;
	s2 =	sadd.s32 s19, s18  }
0x9c: {  	s6 =	simm.s32 $0x0;
	s20 =	sshll.u32 s4, $0x1;
	s4 =	sadd.s32 s21, s2  }
0x9d: {  	[timem:s6], [sflag:s22] =	dma.local [hbm:s4], s20  }
0x9e: {  	_ =	swait.ge [sflag:s22], s20  }
0x9f: {  	s3 =	ssub.s32 $0x0, s20;
	[sflag:s22] =	ssyncset.done $0x0  }
0xa0: {  	[sflag:s22] =	ssyncadd.s32 s3;
	_ =	sdelay $0x1  }
0xa1: {  	s23 =	simm.s32 $0x1B8B  }
0xa2: {  	_ =	swait.ge [sflag:s23], $0x1  }
0xa3: {  	[sflag:s23] =	ssyncset.done $0x0  }
0xa4: {  	s25 =	simm.s32 $0x1B8E;
	s24 =	sld [smem:$0x3FFE];
	[sflag:s23] =	ssyncadd.s32 $0xFFFFFFFF  }
0xa5: {  	s26 =	simm.s32 $execute0_lowered;
	[smem:$0x3FD2] =	sst s25  }
0xa6: {  	s4 =	sshll.u32 s26, $0x1;
	_ =	strace $0x8000004F;
	[dreg:$0x1] =	wrdreg $0xFFFFFFFF  }
0xa7: {  	s28 =	simm.s32 $_size_execute0_lowered;
	s2 =	sadd.s32 s2, s4;
	[dreg:$0x0] =	wrdreg $0x0  }
0xa8: {  	s4 =	sshll.u32 s28, $0x1;
	[dreg:$0x2] =	wrdreg s2  }
0xa9: {  	[dreg:$0x3] =	wrdreg s4  }
0xaa: {  	[dreg:$0x4] =	wrdreg $0xC0  }
0xab: {  	_ =	task [dreg:s6], $0x5FFFF  }
0xac: {  	[dreg:$0x1] =	wrdreg $0xFFFFFFFF  }
0xad: {  	[dreg:$0x0] =	wrdreg $0x60  }
0xae: {  	[dreg:$0x2] =	wrdreg s24  }
0xaf: {  	[dreg:$0x3] =	wrdreg $0x148C00  }
0xb0: {  	[dreg:$0x4] =	wrdreg $0x9  }
0xb1: {  	_ =	task.clear_ibuf [dreg:s6], $0x5FFFF;
	_ =	strace $0x9000004F  }
0xb2: {  	s29 =	simm.s32 $0x9;
	_ =	strace $0x80000051  }
0xb3: {  	_ =	swait.ge [sflag:s29], $0x1  }
0xb4: {  	[sflag:s29] =	ssyncadd.s32 $0xFFFFFFFF  }
0xb5: {  	_ =	strace $0x90000051  }
0xb6: {  	_ =	sfence  }
0xb7: {  	s30 =	sld [smem:$0x0];
	_ =	sdelay $0x2  }
0xb8: {  	s31 =	sshll.u32 s1, $0xD;
	s1 =	sshrl.u32 s1, $0x2  }
0xb9: {  	s3 =	sand.u32 $0x4000, s31;
	s1 =	sadd.s32 s1, s30  }
0xba: {  	s0 =	sor.u32 s3, s0;
	s1 =	sshll.u32 s1, $0x11  }
0xbb: {  	s0 =	sor.u32 s1, s0  }
0xbc: {  	s0 =	sadd.s32 $0x8F2B, s0  }
0xbd: {  	[sflag:s0] =	ssyncadd.remote.s32 $0x1  }
0xbe: {  	_ =	sfence.sel $0xFFFF  }
0xbf: {  	[dreg:$0x0] =	wrdreg $0xFFFFFFFF;
	(pc) =	sbr.abs _section_cstart, $3  }
0xc0: {  	[dreg:$0x1] =	wrdreg $0xFFFFFFFF  }
0xc1: {  	_ =	task.clear_ibuf [dreg:s6], $0x2FFFF;
	_ =	strace $0x9FFFFFFF  }
0xc2: {  	(tm) =	ssettm $0x7FFFFFFF  }
0xc3: {  	_ =	shalt  }
tec
execute0_lowered:
.L_overlay_start_1:
0x0: {  	(tag) =	ssettag $0x1  }
0x1: {  	s0 =	srdreg.scid;
	s5 =	rddreg [dreg:$0x0]  }
0x2: {  	s2 =	rddreg [dreg:$0x1];
	s26 =	sand.u32 $0x1, s0  }
0x3: {  	s3 =	simm.s32 $0x0;
	s0 =	stileid.u32;
	s1 =	sshll.u32 s26, $0x4  }
0x4: {  	[smem:$0x7FF] =	sst s3;
	s1 =	sor.u32 s0, s1  }
0x5: {  	s9 =	sadd.s32 $0x16800, s5;
	s6 =	smul.u32 $0x4EC, s1;
	s1 =	rddreg [dreg:$0x2]  }
0x6: {  	s10 =	simm.s32 $0x7E0;
	_ =	strace $0x80000050;
	[dreg:$0x3] =	wrdreg s9  }
0x7: {  	s11 =	simm.s32 $0x2958;
	[dreg:$0xf] =	wrdreg s10  }
0x8: {  	s12 =	simm.s32 $0x9D8;
	[dreg:$0x10] =	wrdreg s11  }
0x9: {  	s13 =	simm.s32 $0x2B50;
	[dreg:$0x11] =	wrdreg s12  }
0xa: {  	s14 =	simm.s32 $0xBD0;
	[dreg:$0x12] =	wrdreg s13  }
0xb: {  	s15 =	simm.s32 $0x2D48;
	[dreg:$0x13] =	wrdreg s14  }
0xc: {  	s16 =	simm.s32 $0xDC8;
	[dreg:$0x14] =	wrdreg s15  }
0xd: {  	s17 =	simm.s32 $0x2F40;
	[dreg:$0x15] =	wrdreg s16  }
0xe: {  	s18 =	simm.s32 $0xFC0;
	[dreg:$0x16] =	wrdreg s17  }
0xf: {  	s19 =	simm.s32 $0x3138;
	[dreg:$0x17] =	wrdreg s18  }
0x10: {  	s20 =	simm.s32 $0x11B8;
	[dreg:$0x18] =	wrdreg s19  }
0x11: {  	s21 =	simm.s32 $0x3330;
	[dreg:$0x19] =	wrdreg s20  }
0x12: {  	s22 =	simm.s32 $0x13B0;
	s30 =	smul.u32 $0x14000, s0;
	[dreg:$0x1a] =	wrdreg s21  }
0x13: {  	s9 =	simm.s32 $0x5E8;
	[dreg:$0x1b] =	wrdreg s22  }
0x14: {  	s31 =	sshrl.u32 s30, $0x2;
	s30 =	simm.s32 $0x17A0;
	[dreg:$0xe] =	wrdreg s9  }
0x15: {  	s10 =	simm.s32 $0x3D08;
	[dreg:$0x1f] =	wrdreg s30  }
0x16: {  	s7 =	smul.u32 $0x5000, s0;
	s11 =	simm.s32 $0x1D88;
	[smem:$0x7FA] =	sst s10  }
0x17: {  	s4 =	sadd.s32 $0xC800, s5;
	s12 =	simm.s32 $0x3F00;
	[smem:$0x7FB] =	sst s11  }
0x18: {  	s24 =	sshrl.u32 s7, $0x3;
	s14 =	simm.s32 $0x1F80;
	[smem:$0x7FC] =	sst s12  }
0x19: {  	s8 =	smul.u32 $0x50000, s26;
	s25 =	sadd.s32 s4, s24;
	[smem:$0x7FD] =	sst s14  }
0x1a: {  	p0 =	seq.s32 s26, $0x1;
	s24 =	simm.s32 $0x15A8;
	[dreg:$0x6] =	wrdreg s25  }
0x1b: {  	s8 =	sadd.s32 s7, s8;
	s9 =	simm.s32 $0x1B90;
	[dreg:$0x1d] =	wrdreg s24  }
0x1c: {  	s6 =	sadd.s32 s6, s5;
	s25 =	simm.s32 $0x3720;
	[smem:$0x7F9] =	sst s9  }
0x1d: {  	s8 =	sshrl.u32 s8, $0x3;
	s23 =	sadd.s32 $0x49C00, s6;
	[dreg:$0x1e] =	wrdreg s25  }
0x1e: {  	s5 =	sadd.s32 s8, s5;
	s6 =	sadd.s32 $0x2A00, s6;
	[dreg:$0x4] =	wrdreg s23  }
0x1f: {  	s8 =	sshll.u32 @p0 s0, $0x6;
	s5 =	sadd.s32 $0x17200, s5;
	[dreg:$0x5] =	wrdreg s6  }
0x20: {  	[dreg:$0x7] =	wrdreg s5;
	s5 =	sor.u32 @p0 $0x1C05, s8  }
0x21: {  	s23 =	simm.s32 $0x3528;
	[dreg:$0xa] =	wrdreg s5  }
0x22: {  	s6 =	sadd.s32 s31, s2;
	s31 =	simm.s32 $0x3918;
	[dreg:$0x1c] =	wrdreg s23  }
0x23: {  	[smem:$0x7F6] =	sst s31  }
0x24: {  	s8 =	sshll.u32 @!p0 s0, $0x6;
	s6 =	sshrl.u32 @p0 s6, $0x3;
	s13 =	rddreg [dreg:$0x4]  }
0x25: {  	s5 =	sadd.s32 s7, s2;
	s7 =	simm.s32 $0x1F8;
	[dreg:$0xb] =	wrdreg s6  }
0x26: {  	s6 =	sor.u32 @!p0 $0x1C05, s8;
	[dreg:$0xc] =	wrdreg s7  }
0x27: {  	[tilespmem:s3], [sflag:$0x5] =	stream.linear.gather [hbm4b:s13+s3], $0x2760, $0x38;
	[tilespmem:$0x198C0] =	vst v63  }
0x28: {  	s8 =	simm.s32 $0x3F0;
	[dreg:$0x8] =	wrdreg s6  }
0x29: {  	s7 =	simm.s32 $0x1998;
	[dreg:$0xd] =	wrdreg s8  }
0x2a: {  	s6 =	sshrl.u32 @!p0 s5, $0x3;
	[smem:$0x7F7] =	sst s7  }
0x2b: {  	s8 =	simm.s32 $0x3B10;
	[dreg:$0x9] =	wrdreg s6  }
0x2c: {  	[smem:$0x7F8] =	sst s8;
	s6 =	simm.s32 $0x5  }
0x2d: {  	_ =	swait.ge [sflag:s6], $0x2760  }
0x2e: {  	[sflag:s6] =	ssyncset.done $0x0  }
0x2f: {  	s7 =	simm.s32 $0x2760;
	s15 =	rddreg [dreg:$0x5];
	[sflag:s6] =	ssyncadd.s32 $0xFFFFD8A0  }
0x30: {  	[tilespmem:s7], [sflag:$0x5] =	stream.linear.gather [hbm4b:s15+s3], $0x2760, $0x38;
	[tilespmem:$0x198C0] =	vst v63  }
0x31: {  	_ =	swait.ge [sflag:s6], $0x2760  }
0x32: {  	s8 =	rddreg [dreg:$0xb]  }
0x33: {  	s9 =	rddreg [dreg:$0x3];
	[sflag:s6] =	ssyncset.done $0x0  }
0x34: {  	s10 =	rddreg [dreg:$0xa];
	[sflag:s6] =	ssyncadd.s32 $0xFFFFD8A0  }
0x35: {  	[spmem:s8], [sflag:s10] =	dma.local @p0 [hbm:s9], $0xA00  }
0x36: {  	s8 =	rddreg [dreg:$0x6]  }
0x37: {  	s9 =	rddreg [dreg:$0x8]  }
0x38: {  	s10 =	rddreg [dreg:$0x9]  }
0x39: {  	[spmem:s10], [sflag:s9] =	dma.local @!p0 [hbm:s8], $0xA00  }
0x3a: {  	_ =	swait.ge [sflag:s6], $0xA00  }
0x3b: {  	[sflag:s6] =	ssyncset.done $0x0  }
0x3c: {  	[sflag:s6] =	ssyncadd.s32 $0xFFFFF600  }
0x3d: {  	s8 =	simm.s32 $0x1F4;
	s9 =	simm.s32 $0x4EC0;
	[bflag:$0x0] =	sbarrier.arrive $0xFFFF  }
0x3e: {  	[tilespmem:s9], [sflag:$0x1] =	stream.indirect.gather [hbm4b:s4+s8], $0x20, s3, s8, $0xb8;
	[tilespmem:$0x198C0] =	vst v63  }
0x3f: {  	s10 =	simm.s32 $0x8D40;
	s11 =	rddreg [dreg:$0xc]  }
0x40: {  	[tilespmem:s10], [sflag:$0x2] =	stream.indirect.gather [hbm4b:s4+s8], $0x20, s11, s8, $0xb8;
	[tilespmem:$0x198C0] =	vst v63  }
0x41: {  	s12 =	rddreg [dreg:$0xd];
	s11 =	simm.s32 $0xCBC0  }
0x42: {  	[tilespmem:s11], [sflag:$0x3] =	stream.indirect.gather [hbm4b:s4+s8], $0x20, s12, s8, $0xb8;
	[tilespmem:$0x198C0] =	vst v63  }
0x43: {  	s13 =	simm.s32 $0x1;
	s14 =	rddreg [dreg:$0xe];
	s12 =	simm.s32 $0x10A40  }
0x44: {  	[tilespmem:s12], [sflag:$0x4] =	stream.indirect.gather [hbm4b:s4+s8], $0x20, s14, s8, $0xb8;
	[tilespmem:$0x198C0] =	vst v63  }
0x45: {  	_ =	swait.ge [sflag:s13], $0x3E80  }
0x46: {  	[sflag:s13] =	ssyncset.done $0x0  }
0x47: {  	[sflag:s13] =	ssyncadd.s32 $0xFFFFC180  }
0x48: {  	[spmem:s2] =	stream.indirect.scatter.add.f32 [tilespmem:s9], [sflag:$0x5], $0x20, s7, s8, $0xb8;
	[tilespmem:$0x198C0] =	vst v63  }
0x49: {  	_ =	swait.ge [sflag:s6], $0x3E80  }
0x4a: {  	[sflag:s6] =	ssyncset.done $0x0  }
0x4b: {  	s14 =	simm.s32 $0x2;
	s15 =	rddreg [dreg:$0xf];
	[sflag:s6] =	ssyncadd.s32 $0xFFFFC180  }
0x4c: {  	[tilespmem:s9], [sflag:$0x1] =	stream.indirect.gather [hbm4b:s4+s8], $0x20, s15, s8, $0xb8;
	[tilespmem:$0x198C0] =	vst v63  }
0x4d: {  	_ =	swait.ge [sflag:s14], $0x3E80  }
0x4e: {  	[sflag:s14] =	ssyncset.done $0x0  }
0x4f: {  	s16 =	rddreg [dreg:$0x10];
	[sflag:s14] =	ssyncadd.s32 $0xFFFFC180  }
0x50: {  	[spmem:s2] =	stream.indirect.scatter.add.f32 [tilespmem:s10], [sflag:$0x5], $0x20, s16, s8, $0xb8;
	[tilespmem:$0x198C0] =	vst v63  }
0x51: {  	_ =	swait.ge [sflag:s6], $0x3E80  }
0x52: {  	[sflag:s6] =	ssyncset.done $0x0  }
0x53: {  	s15 =	simm.s32 $0x3;
	s16 =	rddreg [dreg:$0x11];
	[sflag:s6] =	ssyncadd.s32 $0xFFFFC180  }
0x54: {  	[tilespmem:s10], [sflag:$0x2] =	stream.indirect.gather [hbm4b:s4+s8], $0x20, s16, s8, $0xb8;
	[tilespmem:$0x198C0] =	vst v63  }
0x55: {  	_ =	swait.ge [sflag:s15], $0x3E80  }
0x56: {  	[sflag:s15] =	ssyncset.done $0x0  }
0x57: {  	s17 =	rddreg [dreg:$0x12];
	[sflag:s15] =	ssyncadd.s32 $0xFFFFC180  }
0x58: {  	[spmem:s2] =	stream.indirect.scatter.add.f32 [tilespmem:s11], [sflag:$0x5], $0x20, s17, s8, $0xb8;
	[tilespmem:$0x198C0] =	vst v63  }
0x59: {  	_ =	swait.ge [sflag:s6], $0x3E80  }
0x5a: {  	[sflag:s6] =	ssyncset.done $0x0  }
0x5b: {  	s16 =	simm.s32 $0x4;
	s17 =	rddreg [dreg:$0x13];
	[sflag:s6] =	ssyncadd.s32 $0xFFFFC180  }
0x5c: {  	[tilespmem:s11], [sflag:$0x3] =	stream.indirect.gather [hbm4b:s4+s8], $0x20, s17, s8, $0xb8;
	[tilespmem:$0x198C0] =	vst v63  }
0x5d: {  	_ =	swait.ge [sflag:s16], $0x3E80  }
0x5e: {  	[sflag:s16] =	ssyncset.done $0x0  }
0x5f: {  	s18 =	rddreg [dreg:$0x14];
	[sflag:s16] =	ssyncadd.s32 $0xFFFFC180  }
0x60: {  	[spmem:s2] =	stream.indirect.scatter.add.f32 [tilespmem:s12], [sflag:$0x5], $0x20, s18, s8, $0xb8;
	[tilespmem:$0x198C0] =	vst v63  }
0x61: {  	_ =	swait.ge [sflag:s6], $0x3E80  }
0x62: {  	[sflag:s6] =	ssyncset.done $0x0  }
0x63: {  	s19 =	rddreg [dreg:$0x15];
	[sflag:s6] =	ssyncadd.s32 $0xFFFFC180  }
0x64: {  	[tilespmem:s12], [sflag:$0x4] =	stream.indirect.gather [hbm4b:s4+s8], $0x20, s19, s8, $0xb8;
	[tilespmem:$0x198C0] =	vst v63  }
0x65: {  	_ =	swait.ge [sflag:s13], $0x3E80  }
0x66: {  	[sflag:s13] =	ssyncset.done $0x0  }
0x67: {  	s20 =	rddreg [dreg:$0x16];
	[sflag:s13] =	ssyncadd.s32 $0xFFFFC180  }
0x68: {  	[spmem:s2] =	stream.indirect.scatter.add.f32 [tilespmem:s9], [sflag:$0x5], $0x20, s20, s8, $0xb8;
	[tilespmem:$0x198C0] =	vst v63  }
0x69: {  	_ =	swait.ge [sflag:s6], $0x3E80  }
0x6a: {  	[sflag:s6] =	ssyncset.done $0x0  }
0x6b: {  	s21 =	rddreg [dreg:$0x17];
	[sflag:s6] =	ssyncadd.s32 $0xFFFFC180  }
0x6c: {  	[tilespmem:s9], [sflag:$0x1] =	stream.indirect.gather [hbm4b:s4+s8], $0x20, s21, s8, $0xb8;
	[tilespmem:$0x198C0] =	vst v63  }
0x6d: {  	_ =	swait.ge [sflag:s14], $0x3E80  }
0x6e: {  	[sflag:s14] =	ssyncset.done $0x0  }
0x6f: {  	s22 =	rddreg [dreg:$0x18];
	[sflag:s14] =	ssyncadd.s32 $0xFFFFC180  }
0x70: {  	[spmem:s2] =	stream.indirect.scatter.add.f32 [tilespmem:s10], [sflag:$0x5], $0x20, s22, s8, $0xb8;
	[tilespmem:$0x198C0] =	vst v63  }
0x71: {  	_ =	swait.ge [sflag:s6], $0x3E80  }
0x72: {  	[sflag:s6] =	ssyncset.done $0x0  }
0x73: {  	s23 =	rddreg [dreg:$0x19];
	[sflag:s6] =	ssyncadd.s32 $0xFFFFC180  }
0x74: {  	[tilespmem:s10], [sflag:$0x2] =	stream.indirect.gather [hbm4b:s4+s8], $0x20, s23, s8, $0xb8;
	[tilespmem:$0x198C0] =	vst v63  }
0x75: {  	_ =	swait.ge [sflag:s15], $0x3E80  }
0x76: {  	[sflag:s15] =	ssyncset.done $0x0  }
0x77: {  	s24 =	rddreg [dreg:$0x1a];
	[sflag:s15] =	ssyncadd.s32 $0xFFFFC180  }
0x78: {  	[spmem:s2] =	stream.indirect.scatter.add.f32 [tilespmem:s11], [sflag:$0x5], $0x20, s24, s8, $0xb8;
	[tilespmem:$0x198C0] =	vst v63  }
0x79: {  	_ =	swait.ge [sflag:s6], $0x3E80  }
0x7a: {  	[sflag:s6] =	ssyncset.done $0x0  }
0x7b: {  	s25 =	rddreg [dreg:$0x1b];
	[sflag:s6] =	ssyncadd.s32 $0xFFFFC180  }
0x7c: {  	[tilespmem:s11], [sflag:$0x3] =	stream.indirect.gather [hbm4b:s4+s8], $0x20, s25, s8, $0xb8;
	[tilespmem:$0x198C0] =	vst v63  }
0x7d: {  	_ =	swait.ge [sflag:s16], $0x3E80  }
0x7e: {  	[sflag:s16] =	ssyncset.done $0x0  }
0x7f: {  	s30 =	rddreg [dreg:$0x1c];
	[sflag:s16] =	ssyncadd.s32 $0xFFFFC180  }
0x80: {  	[spmem:s2] =	stream.indirect.scatter.add.f32 [tilespmem:s12], [sflag:$0x5], $0x20, s30, s8, $0xb8;
	[tilespmem:$0x198C0] =	vst v63  }
0x81: {  	_ =	swait.ge [sflag:s6], $0x3E80  }
0x82: {  	[sflag:s6] =	ssyncset.done $0x0  }
0x83: {  	s31 =	rddreg [dreg:$0x1d];
	[sflag:s6] =	ssyncadd.s32 $0xFFFFC180  }
0x84: {  	[tilespmem:s12], [sflag:$0x4] =	stream.indirect.gather [hbm4b:s4+s8], $0x20, s31, s8, $0xb8;
	[tilespmem:$0x198C0] =	vst v63  }
0x85: {  	_ =	swait.ge [sflag:s13], $0x3E80  }
0x86: {  	[sflag:s13] =	ssyncset.done $0x0  }
0x87: {  	s18 =	rddreg [dreg:$0x1e];
	[sflag:s13] =	ssyncadd.s32 $0xFFFFC180  }
0x88: {  	[spmem:s2] =	stream.indirect.scatter.add.f32 [tilespmem:s9], [sflag:$0x5], $0x20, s18, s8, $0xb8;
	[tilespmem:$0x198C0] =	vst v63  }
0x89: {  	_ =	swait.ge [sflag:s6], $0x3E80  }
0x8a: {  	[sflag:s6] =	ssyncset.done $0x0  }
0x8b: {  	s19 =	rddreg [dreg:$0x1f];
	[sflag:s6] =	ssyncadd.s32 $0xFFFFC180  }
0x8c: {  	[tilespmem:s9], [sflag:$0x1] =	stream.indirect.gather [hbm4b:s4+s8], $0x20, s19, s8, $0xb8;
	[tilespmem:$0x198C0] =	vst v63  }
0x8d: {  	_ =	swait.ge [sflag:s14], $0x3E80  }
0x8e: {  	s20 =	sld [smem:$0x7F6]  }
0x8f: {  	[sflag:s14] =	ssyncset.done $0x0  }
0x90: {  	[sflag:s14] =	ssyncadd.s32 $0xFFFFC180  }
0x91: {  	[spmem:s2] =	stream.indirect.scatter.add.f32 [tilespmem:s10], [sflag:$0x5], $0x20, s20, s8, $0xb8;
	[tilespmem:$0x198C0] =	vst v63  }
0x92: {  	_ =	swait.ge [sflag:s6], $0x3E80  }
0x93: {  	s21 =	sld [smem:$0x7F7]  }
0x94: {  	[sflag:s6] =	ssyncset.done $0x0  }
0x95: {  	[sflag:s6] =	ssyncadd.s32 $0xFFFFC180  }
0x96: {  	[tilespmem:s10], [sflag:$0x2] =	stream.indirect.gather [hbm4b:s4+s8], $0x20, s21, s8, $0xb8;
	[tilespmem:$0x198C0] =	vst v63  }
0x97: {  	_ =	swait.ge [sflag:s15], $0x3E80  }
0x98: {  	s22 =	sld [smem:$0x7F8]  }
0x99: {  	[sflag:s15] =	ssyncset.done $0x0  }
0x9a: {  	[sflag:s15] =	ssyncadd.s32 $0xFFFFC180  }
0x9b: {  	[spmem:s2] =	stream.indirect.scatter.add.f32 [tilespmem:s11], [sflag:$0x5], $0x20, s22, s8, $0xb8;
	[tilespmem:$0x198C0] =	vst v63  }
0x9c: {  	_ =	swait.ge [sflag:s6], $0x3E80  }
0x9d: {  	s23 =	sld [smem:$0x7F9]  }
0x9e: {  	[sflag:s6] =	ssyncset.done $0x0  }
0x9f: {  	[sflag:s6] =	ssyncadd.s32 $0xFFFFC180  }
0xa0: {  	[tilespmem:s11], [sflag:$0x3] =	stream.indirect.gather [hbm4b:s4+s8], $0x20, s23, s8, $0xb8;
	[tilespmem:$0x198C0] =	vst v63  }
0xa1: {  	_ =	swait.ge [sflag:s16], $0x3E80  }
0xa2: {  	s24 =	sld [smem:$0x7FA]  }
0xa3: {  	[sflag:s16] =	ssyncset.done $0x0  }
0xa4: {  	[sflag:s16] =	ssyncadd.s32 $0xFFFFC180  }
0xa5: {  	[spmem:s2] =	stream.indirect.scatter.add.f32 [tilespmem:s12], [sflag:$0x5], $0x20, s24, s8, $0xb8;
	[tilespmem:$0x198C0] =	vst v63  }
0xa6: {  	_ =	swait.ge [sflag:s6], $0x3E80  }
0xa7: {  	s25 =	sld [smem:$0x7FB]  }
0xa8: {  	[sflag:s6] =	ssyncset.done $0x0  }
0xa9: {  	[sflag:s6] =	ssyncadd.s32 $0xFFFFC180  }
0xaa: {  	[tilespmem:s12], [sflag:$0x4] =	stream.indirect.gather [hbm4b:s4+s8], $0x20, s25, s8, $0xb8;
	[tilespmem:$0x198C0] =	vst v63  }
0xab: {  	_ =	swait.ge [sflag:s13], $0x3E80  }
0xac: {  	s30 =	sld [smem:$0x7FC]  }
0xad: {  	[sflag:s13] =	ssyncset.done $0x0  }
0xae: {  	[sflag:s13] =	ssyncadd.s32 $0xFFFFC180  }
0xaf: {  	[spmem:s2] =	stream.indirect.scatter.add.f32 [tilespmem:s9], [sflag:$0x5], $0x20, s30, s8, $0xb8;
	[tilespmem:$0x198C0] =	vst v63  }
0xb0: {  	_ =	swait.ge [sflag:s6], $0x3E80  }
0xb1: {  	s31 =	sld [smem:$0x7FD]  }
0xb2: {  	[sflag:s6] =	ssyncset.done $0x0  }
0xb3: {  	[sflag:s6] =	ssyncadd.s32 $0xFFFFC180  }
0xb4: {  	[tilespmem:s9], [sflag:$0x1] =	stream.indirect.gather [hbm4b:s4+s8], $0x20, s31, s8, $0xb8;
	[tilespmem:$0x198C0] =	vst v63  }
0xb5: {  	_ =	swait.ge [sflag:s14], $0x3E80  }
0xb6: {  	[sflag:s14] =	ssyncset.done $0x0  }
0xb7: {  	s17 =	simm.s32 $0x40F8;
	[sflag:s14] =	ssyncadd.s32 $0xFFFFC180  }
0xb8: {  	[spmem:s2] =	stream.indirect.scatter.add.f32 [tilespmem:s10], [sflag:$0x5], $0x20, s17, s8, $0xb8;
	[tilespmem:$0x198C0] =	vst v63  }
0xb9: {  	_ =	swait.ge [sflag:s6], $0x3E80  }
0xba: {  	[sflag:s6] =	ssyncset.done $0x0  }
0xbb: {  	s18 =	simm.s32 $0x2178;
	[sflag:s6] =	ssyncadd.s32 $0xFFFFC180  }
0xbc: {  	[tilespmem:s10], [sflag:$0x2] =	stream.indirect.gather [hbm4b:s4+s8], $0x20, s18, s8, $0xb8;
	[tilespmem:$0x198C0] =	vst v63  }
0xbd: {  	_ =	swait.ge [sflag:s15], $0x3E80  }
0xbe: {  	[sflag:s15] =	ssyncset.done $0x0  }
0xbf: {  	s19 =	simm.s32 $0x42F0;
	[sflag:s15] =	ssyncadd.s32 $0xFFFFC180  }
0xc0: {  	[spmem:s2] =	stream.indirect.scatter.add.f32 [tilespmem:s11], [sflag:$0x5], $0x20, s19, s8, $0xb8;
	[tilespmem:$0x198C0] =	vst v63  }
0xc1: {  	_ =	swait.ge [sflag:s6], $0x3E80  }
0xc2: {  	[sflag:s6] =	ssyncset.done $0x0  }
0xc3: {  	s20 =	simm.s32 $0x2370;
	[sflag:s6] =	ssyncadd.s32 $0xFFFFC180  }
0xc4: {  	[tilespmem:s11], [sflag:$0x3] =	stream.indirect.gather [hbm4b:s4+s8], $0x20, s20, s8, $0xb8;
	[tilespmem:$0x198C0] =	vst v63  }
0xc5: {  	_ =	swait.ge [sflag:s16], $0x3E80  }
0xc6: {  	[sflag:s16] =	ssyncset.done $0x0  }
0xc7: {  	s21 =	simm.s32 $0x44E8;
	[sflag:s16] =	ssyncadd.s32 $0xFFFFC180  }
0xc8: {  	[spmem:s2] =	stream.indirect.scatter.add.f32 [tilespmem:s12], [sflag:$0x5], $0x20, s21, s8, $0xb8;
	[tilespmem:$0x198C0] =	vst v63  }
0xc9: {  	_ =	swait.ge [sflag:s6], $0x3E80  }
0xca: {  	[sflag:s6] =	ssyncset.done $0x0  }
0xcb: {  	s22 =	simm.s32 $0x2568;
	[sflag:s6] =	ssyncadd.s32 $0xFFFFC180  }
0xcc: {  	[tilespmem:s12], [sflag:$0x4] =	stream.indirect.gather [hbm4b:s4+s8], $0x20, s22, s8, $0xb8;
	[tilespmem:$0x198C0] =	vst v63  }
0xcd: {  	_ =	swait.ge [sflag:s13], $0x3E80  }
0xce: {  	[sflag:s13] =	ssyncset.done $0x0  }
0xcf: {  	s23 =	simm.s32 $0x46E0;
	[sflag:s13] =	ssyncadd.s32 $0xFFFFC180  }
0xd0: {  	[spmem:s2] =	stream.indirect.scatter.add.f32 [tilespmem:s9], [sflag:$0x5], $0x20, s23, s8, $0xb8;
	[tilespmem:$0x198C0] =	vst v63  }
0xd1: {  	_ =	swait.ge [sflag:s6], $0x3E80  }
0xd2: {  	[sflag:s6] =	ssyncset.done $0x0  }
0xd3: {  	[sflag:s6] =	ssyncadd.s32 $0xFFFFC180  }
0xd4: {  	_ =	swait.ge [sflag:s14], $0x3E80  }
0xd5: {  	[sflag:s14] =	ssyncset.done $0x0  }
0xd6: {  	s24 =	simm.s32 $0x48D8;
	[sflag:s14] =	ssyncadd.s32 $0xFFFFC180  }
0xd7: {  	[spmem:s2] =	stream.indirect.scatter.add.f32 [tilespmem:s10], [sflag:$0x5], $0x20, s24, s8, $0xb8;
	[tilespmem:$0x198C0] =	vst v63  }
0xd8: {  	_ =	swait.ge [sflag:s6], $0x3E80  }
0xd9: {  	[sflag:s6] =	ssyncset.done $0x0  }
0xda: {  	[sflag:s6] =	ssyncadd.s32 $0xFFFFC180  }
0xdb: {  	_ =	swait.ge [sflag:s15], $0x3E80  }
0xdc: {  	[sflag:s15] =	ssyncset.done $0x0  }
0xdd: {  	s25 =	simm.s32 $0x4AD0;
	[sflag:s15] =	ssyncadd.s32 $0xFFFFC180  }
0xde: {  	[spmem:s2] =	stream.indirect.scatter.add.f32 [tilespmem:s11], [sflag:$0x5], $0x20, s25, s8, $0xb8;
	[tilespmem:$0x198C0] =	vst v63  }
0xdf: {  	s28 =	ssub.s32 $0x2, s26;
	_ =	swait.ge [sflag:s6], $0x3E80  }
0xe0: {  	s29 =	sshrl.u32 s28, $0x1;
	[sflag:s6] =	ssyncset.done $0x0  }
0xe1: {  	s28 =	ssub.s32 s28, s29;
	[sflag:s6] =	ssyncadd.s32 $0xFFFFC180  }
0xe2: {  	s28 =	smax.u32 s28, $0x1;
	_ =	swait.ge [sflag:s16], $0x3E80  }
0xe3: {  	s28 =	sadd.s32 $0xFFFFFFFF, s28;
	[sflag:s16] =	ssyncset.done $0x0  }
0xe4: {  	s26 =	simm.s32 $0x4CC8;
	p1 =	sne.s32 s28, $0x0;
	[sflag:s16] =	ssyncadd.s32 $0xFFFFC180  }
0xe5: {  	[spmem:s2] =	stream.indirect.scatter.add.f32 [tilespmem:s12], [sflag:$0x5], $0x20, s26, s8, $0xb8;
	[tilespmem:$0x198C0] =	vst v63  }
.Ltmp0:
0xe6: {  	_ =	swait.ge [sflag:s6], $0x3E80;
	(pc) =	sbr.rel @!p1 .LBB2_2-.Ltmp0, $4  }
0xe7: {  	[sflag:s6] =	ssyncset.done $0x0  }
0xe8: {  	[sflag:s6] =	ssyncadd.s32 $0xFFFFC180  }
0xe9: {  	[bflag:$0x0] =	sbarrier.arrive $0xFFFF  }
0xea: {  	s29 =	rddreg [dreg:$0x7]  }
.LBB2_1:
0xeb: {  	s30 =	sshll.u32 s0, $0x6  }
0xec: {  	s31 =	sshrl.u32 s5, $0x3;
	s30 =	sor.u32 $0x1C05, s30  }
0xed: {  	[hbm:s29], [sflag:s30] =	dma.local [spmem:s31], $0xA00  }
0xee: {  	_ =	swait.ge [sflag:s6], $0xA00  }
0xef: {  	[sflag:s6] =	ssyncset.done $0x0  }
0xf0: {  	s29 =	rddreg [dreg:$0x4];
	[sflag:s6] =	ssyncadd.s32 $0xFFFFF600  }
0xf1: {  	[tilespmem:s3], [sflag:$0x5] =	stream.linear.gather [hbm4b:s29+s3], $0x2760, $0x38;
	[tilespmem:$0x198C0] =	vst v63  }
0xf2: {  	_ =	swait.ge [sflag:s6], $0x2760  }
0xf3: {  	[sflag:s6] =	ssyncset.done $0x0  }
0xf4: {  	s29 =	rddreg [dreg:$0x5];
	[sflag:s6] =	ssyncadd.s32 $0xFFFFD8A0  }
0xf5: {  	[tilespmem:s7], [sflag:$0x5] =	stream.linear.gather [hbm4b:s29+s3], $0x2760, $0x38;
	[tilespmem:$0x198C0] =	vst v63  }
0xf6: {  	_ =	swait.ge [sflag:s6], $0x2760  }
0xf7: {  	s29 =	rddreg [dreg:$0xb]  }
0xf8: {  	[sflag:s6] =	ssyncset.done $0x0;
	s30 =	rddreg [dreg:$0x3]  }
0xf9: {  	s31 =	rddreg [dreg:$0xa];
	[sflag:s6] =	ssyncadd.s32 $0xFFFFD8A0  }
0xfa: {  	[spmem:s29], [sflag:s31] =	dma.local @p0 [hbm:s30], $0xA00  }
0xfb: {  	s29 =	rddreg [dreg:$0x6]  }
0xfc: {  	s30 =	rddreg [dreg:$0x8]  }
0xfd: {  	s31 =	rddreg [dreg:$0x9]  }
0xfe: {  	[spmem:s31], [sflag:s30] =	dma.local @!p0 [hbm:s29], $0xA00  }
0xff: {  	_ =	swait.ge [sflag:s6], $0xA00  }
0x100: {  	[sflag:s6] =	ssyncset.done $0x0  }
0x101: {  	[sflag:s6] =	ssyncadd.s32 $0xFFFFF600  }
0x102: {  	[bflag:$0x0] =	sbarrier.arrive $0xFFFF  }
0x103: {  	[tilespmem:s9], [sflag:$0x1] =	stream.indirect.gather [hbm4b:s4+s8], $0x20, s3, s8, $0xb8;
	[tilespmem:$0x198C0] =	vst v63  }
0x104: {  	s29 =	rddreg [dreg:$0xc]  }
0x105: {  	[tilespmem:s10], [sflag:$0x2] =	stream.indirect.gather [hbm4b:s4+s8], $0x20, s29, s8, $0xb8;
	[tilespmem:$0x198C0] =	vst v63  }
0x106: {  	s31 =	rddreg [dreg:$0xd]  }
0x107: {  	[tilespmem:s11], [sflag:$0x3] =	stream.indirect.gather [hbm4b:s4+s8], $0x20, s31, s8, $0xb8;
	[tilespmem:$0x198C0] =	vst v63  }
0x108: {  	s29 =	rddreg [dreg:$0xe]  }
0x109: {  	[tilespmem:s12], [sflag:$0x4] =	stream.indirect.gather [hbm4b:s4+s8], $0x20, s29, s8, $0xb8;
	[tilespmem:$0x198C0] =	vst v63  }
0x10a: {  	_ =	swait.ge [sflag:s13], $0x3E80  }
0x10b: {  	[sflag:s13] =	ssyncset.done $0x0  }
0x10c: {  	[sflag:s13] =	ssyncadd.s32 $0xFFFFC180  }
0x10d: {  	[spmem:s2] =	stream.indirect.scatter.add.f32 [tilespmem:s9], [sflag:$0x5], $0x20, s7, s8, $0xb8;
	[tilespmem:$0x198C0] =	vst v63  }
0x10e: {  	_ =	swait.ge [sflag:s6], $0x3E80  }
0x10f: {  	[sflag:s6] =	ssyncset.done $0x0  }
0x110: {  	s29 =	rddreg [dreg:$0xf];
	[sflag:s6] =	ssyncadd.s32 $0xFFFFC180  }
0x111: {  	[tilespmem:s9], [sflag:$0x1] =	stream.indirect.gather [hbm4b:s4+s8], $0x20, s29, s8, $0xb8;
	[tilespmem:$0x198C0] =	vst v63  }
0x112: {  	_ =	swait.ge [sflag:s14], $0x3E80  }
0x113: {  	[sflag:s14] =	ssyncset.done $0x0  }
0x114: {  	s29 =	rddreg [dreg:$0x10];
	[sflag:s14] =	ssyncadd.s32 $0xFFFFC180  }
0x115: {  	[spmem:s2] =	stream.indirect.scatter.add.f32 [tilespmem:s10], [sflag:$0x5], $0x20, s29, s8, $0xb8;
	[tilespmem:$0x198C0] =	vst v63  }
0x116: {  	_ =	swait.ge [sflag:s6], $0x3E80  }
0x117: {  	[sflag:s6] =	ssyncset.done $0x0  }
0x118: {  	s29 =	rddreg [dreg:$0x11];
	[sflag:s6] =	ssyncadd.s32 $0xFFFFC180  }
0x119: {  	[tilespmem:s10], [sflag:$0x2] =	stream.indirect.gather [hbm4b:s4+s8], $0x20, s29, s8, $0xb8;
	[tilespmem:$0x198C0] =	vst v63  }
0x11a: {  	_ =	swait.ge [sflag:s15], $0x3E80  }
0x11b: {  	[sflag:s15] =	ssyncset.done $0x0  }
0x11c: {  	s29 =	rddreg [dreg:$0x12];
	[sflag:s15] =	ssyncadd.s32 $0xFFFFC180  }
0x11d: {  	[spmem:s2] =	stream.indirect.scatter.add.f32 [tilespmem:s11], [sflag:$0x5], $0x20, s29, s8, $0xb8;
	[tilespmem:$0x198C0] =	vst v63  }
0x11e: {  	_ =	swait.ge [sflag:s6], $0x3E80  }
0x11f: {  	[sflag:s6] =	ssyncset.done $0x0  }
0x120: {  	s29 =	rddreg [dreg:$0x13];
	[sflag:s6] =	ssyncadd.s32 $0xFFFFC180  }
0x121: {  	[tilespmem:s11], [sflag:$0x3] =	stream.indirect.gather [hbm4b:s4+s8], $0x20, s29, s8, $0xb8;
	[tilespmem:$0x198C0] =	vst v63  }
0x122: {  	_ =	swait.ge [sflag:s16], $0x3E80  }
0x123: {  	[sflag:s16] =	ssyncset.done $0x0  }
0x124: {  	s29 =	rddreg [dreg:$0x14];
	[sflag:s16] =	ssyncadd.s32 $0xFFFFC180  }
0x125: {  	[spmem:s2] =	stream.indirect.scatter.add.f32 [tilespmem:s12], [sflag:$0x5], $0x20, s29, s8, $0xb8;
	[tilespmem:$0x198C0] =	vst v63  }
0x126: {  	_ =	swait.ge [sflag:s6], $0x3E80  }
0x127: {  	[sflag:s6] =	ssyncset.done $0x0  }
0x128: {  	s29 =	rddreg [dreg:$0x15];
	[sflag:s6] =	ssyncadd.s32 $0xFFFFC180  }
0x129: {  	[tilespmem:s12], [sflag:$0x4] =	stream.indirect.gather [hbm4b:s4+s8], $0x20, s29, s8, $0xb8;
	[tilespmem:$0x198C0] =	vst v63  }
0x12a: {  	_ =	swait.ge [sflag:s13], $0x3E80  }
0x12b: {  	[sflag:s13] =	ssyncset.done $0x0  }
0x12c: {  	s29 =	rddreg [dreg:$0x16];
	[sflag:s13] =	ssyncadd.s32 $0xFFFFC180  }
0x12d: {  	[spmem:s2] =	stream.indirect.scatter.add.f32 [tilespmem:s9], [sflag:$0x5], $0x20, s29, s8, $0xb8;
	[tilespmem:$0x198C0] =	vst v63  }
0x12e: {  	_ =	swait.ge [sflag:s6], $0x3E80  }
0x12f: {  	[sflag:s6] =	ssyncset.done $0x0  }
0x130: {  	s29 =	rddreg [dreg:$0x17];
	[sflag:s6] =	ssyncadd.s32 $0xFFFFC180  }
0x131: {  	[tilespmem:s9], [sflag:$0x1] =	stream.indirect.gather [hbm4b:s4+s8], $0x20, s29, s8, $0xb8;
	[tilespmem:$0x198C0] =	vst v63  }
0x132: {  	_ =	swait.ge [sflag:s14], $0x3E80  }
0x133: {  	[sflag:s14] =	ssyncset.done $0x0  }
0x134: {  	s29 =	rddreg [dreg:$0x18];
	[sflag:s14] =	ssyncadd.s32 $0xFFFFC180  }
0x135: {  	[spmem:s2] =	stream.indirect.scatter.add.f32 [tilespmem:s10], [sflag:$0x5], $0x20, s29, s8, $0xb8;
	[tilespmem:$0x198C0] =	vst v63  }
0x136: {  	_ =	swait.ge [sflag:s6], $0x3E80  }
0x137: {  	[sflag:s6] =	ssyncset.done $0x0  }
0x138: {  	s29 =	rddreg [dreg:$0x19];
	[sflag:s6] =	ssyncadd.s32 $0xFFFFC180  }
0x139: {  	[tilespmem:s10], [sflag:$0x2] =	stream.indirect.gather [hbm4b:s4+s8], $0x20, s29, s8, $0xb8;
	[tilespmem:$0x198C0] =	vst v63  }
0x13a: {  	_ =	swait.ge [sflag:s15], $0x3E80  }
0x13b: {  	[sflag:s15] =	ssyncset.done $0x0  }
0x13c: {  	s29 =	rddreg [dreg:$0x1a];
	[sflag:s15] =	ssyncadd.s32 $0xFFFFC180  }
0x13d: {  	[spmem:s2] =	stream.indirect.scatter.add.f32 [tilespmem:s11], [sflag:$0x5], $0x20, s29, s8, $0xb8;
	[tilespmem:$0x198C0] =	vst v63  }
0x13e: {  	_ =	swait.ge [sflag:s6], $0x3E80  }
0x13f: {  	[sflag:s6] =	ssyncset.done $0x0  }
0x140: {  	s29 =	rddreg [dreg:$0x1b];
	[sflag:s6] =	ssyncadd.s32 $0xFFFFC180  }
0x141: {  	[tilespmem:s11], [sflag:$0x3] =	stream.indirect.gather [hbm4b:s4+s8], $0x20, s29, s8, $0xb8;
	[tilespmem:$0x198C0] =	vst v63  }
0x142: {  	_ =	swait.ge [sflag:s16], $0x3E80  }
0x143: {  	[sflag:s16] =	ssyncset.done $0x0  }
0x144: {  	s29 =	rddreg [dreg:$0x1c];
	[sflag:s16] =	ssyncadd.s32 $0xFFFFC180  }
0x145: {  	[spmem:s2] =	stream.indirect.scatter.add.f32 [tilespmem:s12], [sflag:$0x5], $0x20, s29, s8, $0xb8;
	[tilespmem:$0x198C0] =	vst v63  }
0x146: {  	_ =	swait.ge [sflag:s6], $0x3E80  }
0x147: {  	[sflag:s6] =	ssyncset.done $0x0  }
0x148: {  	s29 =	rddreg [dreg:$0x1d];
	[sflag:s6] =	ssyncadd.s32 $0xFFFFC180  }
0x149: {  	[tilespmem:s12], [sflag:$0x4] =	stream.indirect.gather [hbm4b:s4+s8], $0x20, s29, s8, $0xb8;
	[tilespmem:$0x198C0] =	vst v63  }
0x14a: {  	_ =	swait.ge [sflag:s13], $0x3E80  }
0x14b: {  	[sflag:s13] =	ssyncset.done $0x0  }
0x14c: {  	s29 =	rddreg [dreg:$0x1e];
	[sflag:s13] =	ssyncadd.s32 $0xFFFFC180  }
0x14d: {  	[spmem:s2] =	stream.indirect.scatter.add.f32 [tilespmem:s9], [sflag:$0x5], $0x20, s29, s8, $0xb8;
	[tilespmem:$0x198C0] =	vst v63  }
0x14e: {  	_ =	swait.ge [sflag:s6], $0x3E80  }
0x14f: {  	[sflag:s6] =	ssyncset.done $0x0  }
0x150: {  	s29 =	rddreg [dreg:$0x1f];
	[sflag:s6] =	ssyncadd.s32 $0xFFFFC180  }
0x151: {  	[tilespmem:s9], [sflag:$0x1] =	stream.indirect.gather [hbm4b:s4+s8], $0x20, s29, s8, $0xb8;
	[tilespmem:$0x198C0] =	vst v63  }
0x152: {  	_ =	swait.ge [sflag:s14], $0x3E80  }
0x153: {  	s29 =	sld [smem:$0x7F6]  }
0x154: {  	[sflag:s14] =	ssyncset.done $0x0  }
0x155: {  	[sflag:s14] =	ssyncadd.s32 $0xFFFFC180  }
0x156: {  	[spmem:s2] =	stream.indirect.scatter.add.f32 [tilespmem:s10], [sflag:$0x5], $0x20, s29, s8, $0xb8;
	[tilespmem:$0x198C0] =	vst v63  }
0x157: {  	_ =	swait.ge [sflag:s6], $0x3E80  }
0x158: {  	s29 =	sld [smem:$0x7F7]  }
0x159: {  	[sflag:s6] =	ssyncset.done $0x0  }
0x15a: {  	[sflag:s6] =	ssyncadd.s32 $0xFFFFC180  }
0x15b: {  	[tilespmem:s10], [sflag:$0x2] =	stream.indirect.gather [hbm4b:s4+s8], $0x20, s29, s8, $0xb8;
	[tilespmem:$0x198C0] =	vst v63  }
0x15c: {  	_ =	swait.ge [sflag:s15], $0x3E80  }
0x15d: {  	s29 =	sld [smem:$0x7F8]  }
0x15e: {  	[sflag:s15] =	ssyncset.done $0x0  }
0x15f: {  	[sflag:s15] =	ssyncadd.s32 $0xFFFFC180  }
0x160: {  	[spmem:s2] =	stream.indirect.scatter.add.f32 [tilespmem:s11], [sflag:$0x5], $0x20, s29, s8, $0xb8;
	[tilespmem:$0x198C0] =	vst v63  }
0x161: {  	_ =	swait.ge [sflag:s6], $0x3E80  }
0x162: {  	s29 =	sld [smem:$0x7F9]  }
0x163: {  	[sflag:s6] =	ssyncset.done $0x0  }
0x164: {  	[sflag:s6] =	ssyncadd.s32 $0xFFFFC180  }
0x165: {  	[tilespmem:s11], [sflag:$0x3] =	stream.indirect.gather [hbm4b:s4+s8], $0x20, s29, s8, $0xb8;
	[tilespmem:$0x198C0] =	vst v63  }
0x166: {  	_ =	swait.ge [sflag:s16], $0x3E80  }
0x167: {  	s29 =	sld [smem:$0x7FA]  }
0x168: {  	[sflag:s16] =	ssyncset.done $0x0  }
0x169: {  	[sflag:s16] =	ssyncadd.s32 $0xFFFFC180  }
0x16a: {  	[spmem:s2] =	stream.indirect.scatter.add.f32 [tilespmem:s12], [sflag:$0x5], $0x20, s29, s8, $0xb8;
	[tilespmem:$0x198C0] =	vst v63  }
0x16b: {  	_ =	swait.ge [sflag:s6], $0x3E80  }
0x16c: {  	s29 =	sld [smem:$0x7FB]  }
0x16d: {  	[sflag:s6] =	ssyncset.done $0x0  }
0x16e: {  	[sflag:s6] =	ssyncadd.s32 $0xFFFFC180  }
0x16f: {  	[tilespmem:s12], [sflag:$0x4] =	stream.indirect.gather [hbm4b:s4+s8], $0x20, s29, s8, $0xb8;
	[tilespmem:$0x198C0] =	vst v63  }
0x170: {  	_ =	swait.ge [sflag:s13], $0x3E80  }
0x171: {  	s29 =	sld [smem:$0x7FC]  }
0x172: {  	[sflag:s13] =	ssyncset.done $0x0  }
0x173: {  	[sflag:s13] =	ssyncadd.s32 $0xFFFFC180  }
0x174: {  	[spmem:s2] =	stream.indirect.scatter.add.f32 [tilespmem:s9], [sflag:$0x5], $0x20, s29, s8, $0xb8;
	[tilespmem:$0x198C0] =	vst v63  }
0x175: {  	_ =	swait.ge [sflag:s6], $0x3E80  }
0x176: {  	s29 =	sld [smem:$0x7FD]  }
0x177: {  	[sflag:s6] =	ssyncset.done $0x0  }
0x178: {  	[sflag:s6] =	ssyncadd.s32 $0xFFFFC180  }
0x179: {  	[tilespmem:s9], [sflag:$0x1] =	stream.indirect.gather [hbm4b:s4+s8], $0x20, s29, s8, $0xb8;
	[tilespmem:$0x198C0] =	vst v63  }
0x17a: {  	_ =	swait.ge [sflag:s14], $0x3E80  }
0x17b: {  	[sflag:s14] =	ssyncset.done $0x0  }
0x17c: {  	[sflag:s14] =	ssyncadd.s32 $0xFFFFC180  }
0x17d: {  	[spmem:s2] =	stream.indirect.scatter.add.f32 [tilespmem:s10], [sflag:$0x5], $0x20, s17, s8, $0xb8;
	[tilespmem:$0x198C0] =	vst v63  }
0x17e: {  	_ =	swait.ge [sflag:s6], $0x3E80  }
0x17f: {  	[sflag:s6] =	ssyncset.done $0x0  }
0x180: {  	[sflag:s6] =	ssyncadd.s32 $0xFFFFC180  }
0x181: {  	[tilespmem:s10], [sflag:$0x2] =	stream.indirect.gather [hbm4b:s4+s8], $0x20, s18, s8, $0xb8;
	[tilespmem:$0x198C0] =	vst v63  }
0x182: {  	_ =	swait.ge [sflag:s15], $0x3E80  }
0x183: {  	[sflag:s15] =	ssyncset.done $0x0  }
0x184: {  	[sflag:s15] =	ssyncadd.s32 $0xFFFFC180  }
0x185: {  	[spmem:s2] =	stream.indirect.scatter.add.f32 [tilespmem:s11], [sflag:$0x5], $0x20, s19, s8, $0xb8;
	[tilespmem:$0x198C0] =	vst v63  }
0x186: {  	_ =	swait.ge [sflag:s6], $0x3E80  }
0x187: {  	[sflag:s6] =	ssyncset.done $0x0  }
0x188: {  	[sflag:s6] =	ssyncadd.s32 $0xFFFFC180  }
0x189: {  	[tilespmem:s11], [sflag:$0x3] =	stream.indirect.gather [hbm4b:s4+s8], $0x20, s20, s8, $0xb8;
	[tilespmem:$0x198C0] =	vst v63  }
0x18a: {  	_ =	swait.ge [sflag:s16], $0x3E80  }
0x18b: {  	[sflag:s16] =	ssyncset.done $0x0  }
0x18c: {  	[sflag:s16] =	ssyncadd.s32 $0xFFFFC180  }
0x18d: {  	[spmem:s2] =	stream.indirect.scatter.add.f32 [tilespmem:s12], [sflag:$0x5], $0x20, s21, s8, $0xb8;
	[tilespmem:$0x198C0] =	vst v63  }
0x18e: {  	_ =	swait.ge [sflag:s6], $0x3E80  }
0x18f: {  	[sflag:s6] =	ssyncset.done $0x0  }
0x190: {  	[sflag:s6] =	ssyncadd.s32 $0xFFFFC180  }
0x191: {  	[tilespmem:s12], [sflag:$0x4] =	stream.indirect.gather [hbm4b:s4+s8], $0x20, s22, s8, $0xb8;
	[tilespmem:$0x198C0] =	vst v63  }
0x192: {  	_ =	swait.ge [sflag:s13], $0x3E80  }
0x193: {  	[sflag:s13] =	ssyncset.done $0x0  }
0x194: {  	[sflag:s13] =	ssyncadd.s32 $0xFFFFC180  }
0x195: {  	[spmem:s2] =	stream.indirect.scatter.add.f32 [tilespmem:s9], [sflag:$0x5], $0x20, s23, s8, $0xb8;
	[tilespmem:$0x198C0] =	vst v63  }
0x196: {  	_ =	swait.ge [sflag:s6], $0x3E80  }
0x197: {  	[sflag:s6] =	ssyncset.done $0x0  }
0x198: {  	[sflag:s6] =	ssyncadd.s32 $0xFFFFC180  }
0x199: {  	_ =	swait.ge [sflag:s14], $0x3E80  }
0x19a: {  	[sflag:s14] =	ssyncset.done $0x0  }
0x19b: {  	[sflag:s14] =	ssyncadd.s32 $0xFFFFC180  }
0x19c: {  	[spmem:s2] =	stream.indirect.scatter.add.f32 [tilespmem:s10], [sflag:$0x5], $0x20, s24, s8, $0xb8;
	[tilespmem:$0x198C0] =	vst v63  }
0x19d: {  	_ =	swait.ge [sflag:s6], $0x3E80  }
0x19e: {  	[sflag:s6] =	ssyncset.done $0x0  }
0x19f: {  	[sflag:s6] =	ssyncadd.s32 $0xFFFFC180  }
0x1a0: {  	_ =	swait.ge [sflag:s15], $0x3E80  }
0x1a1: {  	[sflag:s15] =	ssyncset.done $0x0  }
0x1a2: {  	[sflag:s15] =	ssyncadd.s32 $0xFFFFC180  }
0x1a3: {  	[spmem:s2] =	stream.indirect.scatter.add.f32 [tilespmem:s11], [sflag:$0x5], $0x20, s25, s8, $0xb8;
	[tilespmem:$0x198C0] =	vst v63  }
0x1a4: {  	_ =	swait.ge [sflag:s6], $0x3E80  }
0x1a5: {  	[sflag:s6] =	ssyncset.done $0x0  }
0x1a6: {  	[sflag:s6] =	ssyncadd.s32 $0xFFFFC180  }
0x1a7: {  	_ =	swait.ge [sflag:s16], $0x3E80  }
0x1a8: {  	s28 =	sadd.s32 $0xFFFFFFFF, s28;
	[sflag:s16] =	ssyncset.done $0x0  }
0x1a9: {  	p1 =	sne.s32 s28, $0x0;
	[sflag:s16] =	ssyncadd.s32 $0xFFFFC180  }
0x1aa: {  	[spmem:s2] =	stream.indirect.scatter.add.f32 [tilespmem:s12], [sflag:$0x5], $0x20, s26, s8, $0xb8;
	[tilespmem:$0x198C0] =	vst v63  }
.Ltmp1:
0x1ab: {  	_ =	swait.ge [sflag:s6], $0x3E80;
	(pc) =	sbr.rel @p1 .LBB2_1-.Ltmp1, $4  }
0x1ac: {  	[sflag:s6] =	ssyncset.done $0x0  }
0x1ad: {  	[sflag:s6] =	ssyncadd.s32 $0xFFFFC180  }
0x1ae: {  	[bflag:$0x0] =	sbarrier.arrive $0xFFFF  }
0x1af: {  	s29 =	rddreg [dreg:$0x7]  }
.LBB2_2:
0x1b0: {  	s2 =	sshll.u32 s0, $0x6  }
0x1b1: {  	s3 =	sshrl.u32 s5, $0x3;
	s2 =	sor.u32 $0x1C05, s2  }
0x1b2: {  	[hbm:s29], [sflag:s2] =	dma.local [spmem:s3], $0xA00  }
0x1b3: {  	_ =	swait.ge [sflag:s6], $0xA00  }
0x1b4: {  	[sflag:s6] =	ssyncset.done $0x0  }
0x1b5: {  	[sflag:s6] =	ssyncadd.s32 $0xFFFFF600  }
0x1b6: {  	_ =	sfence.sel $0x180000  }
0x1b7: {  	[bflag:$0x0] =	sbarrier.arrive $0xFFFF  }
0x1b8: {  	p0 =	sne.s32 s0, $0x0;
	_ =	strace $0x90000050  }
0x1b9: {  	s0 =	sadd.s32 @!p0 $0x100000, s1;
	[bflag:$0x2] =	sbarrier.arrive $0xFFFF  }
0x1ba: {  	[sflag:s0] =	ssyncadd.tile.s32 @!p0 $0x1;
	_ =	shalt  }
.Lfunc_end2:
_tile_overlayer_lowered:
.L_overlay_start_2:
0x1bb: {  	(tag) =	ssettag $0x2  }
0x1bc: {  	s0 =	rddreg [dreg:$0x0];
	s2 =	stileid.u32  }
0x1bd: {  	s1 =	rddreg [dreg:$0x1];
	p0 =	sne.s32 s2, $0x0  }
0x1be: {  	s3 =	rddreg [dreg:$0x2];
	[bflag:$0x3] =	sbarrier.arrive $0xFFFF;
	s2 =	simm.s32 @!p0 $0x1C05  }
0x1bf: {  	[timem:s3], [sflag:s2] =	dma.local @!p0 [hbm:s0], s1  }
0x1c0: {  	s0 =	simm.s32 @!p0 $0x5  }
0x1c1: {  	_ =	swait.ge @!p0 [sflag:s0], s1  }
0x1c2: {  	s1 =	ssub.s32 @!p0 $0x0, s1;
	[sflag:s0] =	ssyncset.done @!p0 $0x0  }
0x1c3: {  	[sflag:s0] =	ssyncadd.s32 @!p0 s1  }
0x1c4: {  	[bflag:$0x3] =	sbarrier.arrive $0xFFFF  }
0x1c5: {  	_ =	shalt  }

</sc_bundles>
